<compile_context>
chip_gen: v7x
topology: tpu7x:2x2x1
jax: 0.10.2.dev20260603
libtpu: 0.0.44.dev20260713+nightly
codegen_flags: <defaults>
</compile_context>

<pallas_src>
import functools

import jax
import jax.numpy as jnp
from jax import lax
from jax.experimental import pallas as pl
from jax.experimental.pallas import tpu as pltpu
_D = 64
_NCLS = 10
_C = 1024
_KAPPA_N = 5.0
_S0 = 0.001
_B = 256
_CB = 128
_NBLK = _C // _CB


def _fused_kernel(sb_ref, data_ref, mu_ref, n_ref, lab_ref,
                  sc_ref, pred_ref, cl_ref, gam_ref):
    k = pl.program_id(0)
    data = data_ref[...]
    cols = []
    for ci in range(_CB):
        diff = data - mu_ref[ci:ci + 1, :]
        tmp = jnp.dot(diff.astype(jnp.bfloat16),
                      sb_ref[ci * _D:(ci + 1) * _D, :],
                      preferred_element_type=jnp.float32)
        cols.append(jnp.sum(tmp * diff, axis=1, keepdims=True))
    d2 = jnp.concatenate(cols, axis=1)
    match = jnp.where(n_ref[0] >= _KAPPA_N, 1.0, 0.0)
    gam_ref[:, pl.ds(k * _CB, _CB)] = jnp.exp(-0.5 * d2) * match

    @pl.when(k == _NBLK - 1)
    def _score():
        g = gam_ref[...]
        den = jnp.sum(g, axis=1, keepdims=True) + 1e-12
        gn = (g / den).astype(jnp.bfloat16)
        sc = jnp.dot(gn, lab_ref[...], preferred_element_type=jnp.float32)
        sc_ref[...] = sc
        li = lax.broadcasted_iota(jnp.int32, (_B, 16), 1)
        scm = jnp.where(li < _NCLS, sc, -jnp.inf)
        m = jnp.max(scm, axis=1, keepdims=True)
        pred_ref[...] = jnp.min(jnp.where(scm == m, li, 2 ** 30),
                                axis=1, keepdims=True)
        ci = lax.broadcasted_iota(jnp.int32, (_B, _C), 1)
        gm = jnp.max(g, axis=1, keepdims=True)
        cl_ref[...] = jnp.min(jnp.where(g == gm, ci, 2 ** 30),
                              axis=1, keepdims=True)


@functools.partial(jax.jit, static_argnames=("interpret",))
def _run(data, mu, S, n, cluster_labels, interpret=False):
    f32 = jnp.float32
    n_c = n[:_C].astype(f32)
    Sigma = (S[:_C].astype(f32) / jnp.maximum(n_c, 1.0)[:, None, None]
             + _S0 * jnp.eye(_D, dtype=f32)[None])

    sb = jnp.linalg.inv(Sigma).astype(jnp.bfloat16).reshape(_C * _D, _D)

    n3 = n_c.reshape(_NBLK, 1, _CB)
    lab = cluster_labels[:_C].astype(f32)
    labx = jnp.concatenate([lab, jnp.zeros((_C, 6), f32)],
                           axis=1).astype(jnp.bfloat16)

    sc16, pred, clusters = pl.pallas_call(
        _fused_kernel,
        grid=(_NBLK,),
        in_specs=[
            pl.BlockSpec((_CB * _D, _D), lambda k: (k, 0)),
            pl.BlockSpec((_B, _D), lambda k: (0, 0)),
            pl.BlockSpec((_CB, _D), lambda k: (k, 0)),
            pl.BlockSpec((1, 1, _CB), lambda k: (k, 0, 0)),
            pl.BlockSpec((_C, 16), lambda k: (0, 0)),
        ],
        out_specs=[
            pl.BlockSpec((_B, 16), lambda k: (0, 0)),
            pl.BlockSpec((_B, 1), lambda k: (0, 0)),
            pl.BlockSpec((_B, 1), lambda k: (0, 0)),
        ],
        out_shape=[
            jax.ShapeDtypeStruct((_B, 16), f32),
            jax.ShapeDtypeStruct((_B, 1), jnp.int32),
            jax.ShapeDtypeStruct((_B, 1), jnp.int32),
        ],
        scratch_shapes=[pltpu.VMEM((_B, _C), f32)],
        interpret=interpret,
    )(sb, data.astype(f32), mu[:_C].astype(f32), n3, labx)

    return sc16[:, :_NCLS], pred.reshape(_B), clusters.reshape(_B)


def kernel(data, labels, mu, S, n, cluster_labels):
    del labels
    return _run(data, mu, S, n, cluster_labels)

# --- scband reference (transcript-rebuilt; emitter-appended) ---
"""Pipeline reference for scband-e-gaussp-23046794510982 (READ-ONLY COPY).

The authoritative reference and input builder live on the scoring server;
editing this copy changes nothing except your own understanding.
"""

import jax, jax.numpy as jnp
import numpy as np

FEATURE_DIM = 64
NUM_CLASSES = 10
C_MAX = 1024
CAPACITY = 2 * C_MAX
C_ACTIVE = 1024
KAPPA_N = 5.0
S_0 = 0.001
BATCH = 256


def setup_inputs(seed: int = 0) -> dict:
    key = jax.random.key(seed)
    ks = jax.random.split(key, 6)
    data = jax.random.normal(ks[0], (BATCH, FEATURE_DIM), dtype=jnp.float32)
    labels = jax.random.randint(ks[1], (BATCH,), 0, NUM_CLASSES, dtype=jnp.int64)
    # learned / evolved cluster state (parameters of the module)
    mu = jax.random.normal(ks[2], (CAPACITY, FEATURE_DIM), dtype=jnp.float32)
    A = jax.random.normal(ks[3], (CAPACITY, FEATURE_DIM, FEATURE_DIM), dtype=jnp.float32) * 0.1
    n = jax.random.uniform(ks[4], (CAPACITY,), minval=1.0, maxval=100.0, dtype=jnp.float32)
    # S is the accumulated scatter matrix: PSD, scales with n (Sigma = S / n)
    S = (A @ jnp.transpose(A, (0, 2, 1)) + 0.5 * jnp.eye(FEATURE_DIM, dtype=jnp.float32)[None]) * n[:, None, None]
    lbl_idx = jax.random.randint(ks[5], (CAPACITY,), 0, NUM_CLASSES)
    cluster_labels = jax.nn.one_hot(lbl_idx, NUM_CLASSES, dtype=jnp.int32)
    return {"data": data, "labels": labels, "mu": mu, "S": S, "n": n, "cluster_labels": cluster_labels}


def reference(data, labels, mu, S, n, cluster_labels):
    # Faithful eval-mode forward of eGAUSSp (training=False, evolving=False):
    # per sample z: matching_clusters = {j < c : n_j >= kappa_n};
    # Gamma_j = exp(-0.5 * (z-mu_j)^T Sigma_j^{-1} (z-mu_j)), Sigma_j = S_j / n_j (+ S_0*I reg);
    # defuzzify: normalized Gamma weighted by one-hot cluster labels -> label_scores, pred = argmax;
    # clusters = argmax Gamma. Vectorized over the sample loop.
    c = C_ACTIVE
    mu_c = mu[:c]
    S_c = S[:c]
    n_c = n[:c]
    lab_c = cluster_labels[:c].astype(jnp.float32)
    match = (n_c >= KAPPA_N).astype(jnp.float32)  # eval-mode matching_clusters mask
    Sigma = S_c / jnp.maximum(n_c, 1.0)[:, None, None] + S_0 * jnp.eye(FEATURE_DIM, dtype=jnp.float32)[None]
    Sigma_inv = jnp.linalg.inv(Sigma)  # [C, D, D]
    diff = data[:, None, :] - mu_c[None, :, :]  # [B, C, D]
    tmp = jnp.einsum('bcd,cde->bce', diff, Sigma_inv)
    d2 = jnp.einsum('bce,bce->bc', tmp, diff)  # Mahalanobis^2 [B, C]
    Gamma = jnp.exp(-0.5 * d2) * match[None, :]
    denom = jnp.sum(Gamma, axis=1, keepdims=True) + 1e-12
    Gamma_norm = Gamma / denom
    scores = Gamma_norm @ lab_c  # [B, num_classes]
    pred = jnp.argmax(scores, axis=1)
    clusters = jnp.argmax(Gamma, axis=1)
    return scores, pred, clusters

if __name__ == "__main__":
    import jax
    _d = setup_inputs()
    print(jax.jit(kernel)(*tuple(_d.values())))

</pallas_src>

<mosaic_0001>
module attributes {stable_mosaic.version = 14 : i64} {
  func.func @_fused_kernel(%arg0: i32, %arg1: memref<8192x64xbf16, #tpu.memory_space<vmem>>, %arg2: memref<256x64xf32, #tpu.memory_space<vmem>>, %arg3: memref<128x64xf32, #tpu.memory_space<vmem>>, %arg4: memref<1x1x128xf32, #tpu.memory_space<vmem>>, %arg5: memref<1024x16xbf16, #tpu.memory_space<vmem>>, %arg6: memref<256x16xf32, #tpu.memory_space<vmem>>, %arg7: memref<256x1xi32, #tpu.memory_space<vmem>>, %arg8: memref<256x1xi32, #tpu.memory_space<vmem>>, %arg9: memref<256x1024xf32, #tpu.memory_space<vmem>>) attributes {dimension_semantics = [#tpu.dimension_semantics<arbitrary>], iteration_bounds = array<i64: 8>, scalar_prefetch = 0 : i64, scratch_operands = 1 : i64, tpu.core_type = #tpu.core_type<tc>, window_params = [{transform_indices = @transform_0, window_bounds = array<i64: 8192, 64>}, {pipeline_mode = #tpu.pipeline_mode<synchronous>, transform_indices = @transform_1, window_bounds = array<i64: 256, 64>}, {transform_indices = @transform_2, window_bounds = array<i64: 128, 64>}, {transform_indices = @transform_3, window_bounds = array<i64: 1, 1, 128>}, {pipeline_mode = #tpu.pipeline_mode<synchronous>, transform_indices = @transform_4, window_bounds = array<i64: 1024, 16>}, {pipeline_mode = #tpu.pipeline_mode<synchronous>, transform_indices = @transform_5, window_bounds = array<i64: 256, 16>}, {pipeline_mode = #tpu.pipeline_mode<synchronous>, transform_indices = @transform_6, window_bounds = array<i64: 256, 1>}, {pipeline_mode = #tpu.pipeline_mode<synchronous>, transform_indices = @transform_7, window_bounds = array<i64: 256, 1>}]} {
    %get3A = arith.constant 0 : index
    %get3A_0 = arith.constant 0 : index
    %get3A_1 = vector.load %arg2[%get3A, %get3A_0] : memref<256x64xf32, #tpu.memory_space<vmem>>, vector<256x64xf32>
    %get3A_2 = arith.constant 0 : index
    %get3A_3 = arith.constant 0 : index
    %get3A_4 = vector.load %arg3[%get3A_2, %get3A_3] : memref<128x64xf32, #tpu.memory_space<vmem>>, vector<1x64xf32>
    %sub3A = vector.broadcast %get3A_4 : vector<1x64xf32> to vector<256x64xf32>
    %sub3A_5 = arith.subf %get3A_1, %sub3A : vector<256x64xf32>
    %convert_element_type3A = arith.truncf %sub3A_5 : vector<256x64xf32> to vector<256x64xbf16>
    %get3A_6 = arith.constant 0 : index
    %get3A_7 = arith.constant 0 : index
    %get3A_8 = vector.load %arg1[%get3A_6, %get3A_7] : memref<8192x64xbf16, #tpu.memory_space<vmem>>, vector<64x64xbf16>
    %dot_general3A = arith.constant dense<0.000000e+00> : vector<256x64xf32>
    %dot_general3A_9 = tpu.matmul %convert_element_type3A, %get3A_8, %dot_general3A {dimension_numbers = #tpu.dot_dimension_numbers<[1], [0], [0], [1], [0, 0, 1, 1], [], []>, transpose_lhs_hint = false} : vector<256x64xbf16>, vector<64x64xbf16>, vector<256x64xf32> -> vector<256x64xf32>
    %mul3A = arith.mulf %dot_general3A_9, %sub3A_5 : vector<256x64xf32>
    %reduce_sum3A = arith.constant dense<0.000000e+00> : vector<256xf32>
    %reduce_sum3A_10 = vector.multi_reduction <add>, %mul3A, %reduce_sum3A [1] : vector<256x64xf32> to vector<256xf32>
    %broadcast_in_dim3A = vector.shape_cast %reduce_sum3A_10 : vector<256xf32> to vector<256x1xf32>
    %get3A_11 = arith.constant 1 : index
    %get3A_12 = arith.constant 0 : index
    %get3A_13 = vector.load %arg3[%get3A_11, %get3A_12] : memref<128x64xf32, #tpu.memory_space<vmem>>, vector<1x64xf32>
    %sub3A_14 = vector.broadcast %get3A_13 : vector<1x64xf32> to vector<256x64xf32>
    %sub3A_15 = arith.subf %get3A_1, %sub3A_14 : vector<256x64xf32>
    %convert_element_type3A_16 = arith.truncf %sub3A_15 : vector<256x64xf32> to vector<256x64xbf16>
    %get3A_17 = arith.constant 64 : index
    %get3A_18 = arith.constant 0 : index
    %get3A_19 = vector.load %arg1[%get3A_17, %get3A_18] : memref<8192x64xbf16, #tpu.memory_space<vmem>>, vector<64x64xbf16>
    %dot_general3A_20 = arith.constant dense<0.000000e+00> : vector<256x64xf32>
    %dot_general3A_21 = tpu.matmul %convert_element_type3A_16, %get3A_19, %dot_general3A_20 {dimension_numbers = #tpu.dot_dimension_numbers<[1], [0], [0], [1], [0, 0, 1, 1], [], []>, transpose_lhs_hint = false} : vector<256x64xbf16>, vector<64x64xbf16>, vector<256x64xf32> -> vector<256x64xf32>
    %mul3A_22 = arith.mulf %dot_general3A_21, %sub3A_15 : vector<256x64xf32>
    %reduce_sum3A_23 = arith.constant dense<0.000000e+00> : vector<256xf32>
    %reduce_sum3A_24 = vector.multi_reduction <add>, %mul3A_22, %reduce_sum3A_23 [1] : vector<256x64xf32> to vector<256xf32>
    %broadcast_in_dim3A_25 = vector.shape_cast %reduce_sum3A_24 : vector<256xf32> to vector<256x1xf32>
    %get3A_26 = arith.constant 2 : index
    %get3A_27 = arith.constant 0 : index
    %get3A_28 = vector.load %arg3[%get3A_26, %get3A_27] : memref<128x64xf32, #tpu.memory_space<vmem>>, vector<1x64xf32>
    %sub3A_29 = vector.broadcast %get3A_28 : vector<1x64xf32> to vector<256x64xf32>
    %sub3A_30 = arith.subf %get3A_1, %sub3A_29 : vector<256x64xf32>
    %convert_element_type3A_31 = arith.truncf %sub3A_30 : vector<256x64xf32> to vector<256x64xbf16>
    %get3A_32 = arith.constant 128 : index
    %get3A_33 = arith.constant 0 : index
    %get3A_34 = vector.load %arg1[%get3A_32, %get3A_33] : memref<8192x64xbf16, #tpu.memory_space<vmem>>, vector<64x64xbf16>
    %dot_general3A_35 = arith.constant dense<0.000000e+00> : vector<256x64xf32>
    %dot_general3A_36 = tpu.matmul %convert_element_type3A_31, %get3A_34, %dot_general3A_35 {dimension_numbers = #tpu.dot_dimension_numbers<[1], [0], [0], [1], [0, 0, 1, 1], [], []>, transpose_lhs_hint = false} : vector<256x64xbf16>, vector<64x64xbf16>, vector<256x64xf32> -> vector<256x64xf32>
    %mul3A_37 = arith.mulf %dot_general3A_36, %sub3A_30 : vector<256x64xf32>
    %reduce_sum3A_38 = arith.constant dense<0.000000e+00> : vector<256xf32>
    %reduce_sum3A_39 = vector.multi_reduction <add>, %mul3A_37, %reduce_sum3A_38 [1] : vector<256x64xf32> to vector<256xf32>
    %broadcast_in_dim3A_40 = vector.shape_cast %reduce_sum3A_39 : vector<256xf32> to vector<256x1xf32>
    %get3A_41 = arith.constant 3 : index
    %get3A_42 = arith.constant 0 : index
    %get3A_43 = vector.load %arg3[%get3A_41, %get3A_42] : memref<128x64xf32, #tpu.memory_space<vmem>>, vector<1x64xf32>
    %sub3A_44 = vector.broadcast %get3A_43 : vector<1x64xf32> to vector<256x64xf32>
    %sub3A_45 = arith.subf %get3A_1, %sub3A_44 : vector<256x64xf32>
    %convert_element_type3A_46 = arith.truncf %sub3A_45 : vector<256x64xf32> to vector<256x64xbf16>
    %get3A_47 = arith.constant 192 : index
    %get3A_48 = arith.constant 0 : index
    %get3A_49 = vector.load %arg1[%get3A_47, %get3A_48] : memref<8192x64xbf16, #tpu.memory_space<vmem>>, vector<64x64xbf16>
    %dot_general3A_50 = arith.constant dense<0.000000e+00> : vector<256x64xf32>
    %dot_general3A_51 = tpu.matmul %convert_element_type3A_46, %get3A_49, %dot_general3A_50 {dimension_numbers = #tpu.dot_dimension_numbers<[1], [0], [0], [1], [0, 0, 1, 1], [], []>, transpose_lhs_hint = false} : vector<256x64xbf16>, vector<64x64xbf16>, vector<256x64xf32> -> vector<256x64xf32>
    %mul3A_52 = arith.mulf %dot_general3A_51, %sub3A_45 : vector<256x64xf32>
    %reduce_sum3A_53 = arith.constant dense<0.000000e+00> : vector<256xf32>
    %reduce_sum3A_54 = vector.multi_reduction <add>, %mul3A_52, %reduce_sum3A_53 [1] : vector<256x64xf32> to vector<256xf32>
    %broadcast_in_dim3A_55 = vector.shape_cast %reduce_sum3A_54 : vector<256xf32> to vector<256x1xf32>
    %get3A_56 = arith.constant 4 : index
    %get3A_57 = arith.constant 0 : index
    %get3A_58 = vector.load %arg3[%get3A_56, %get3A_57] : memref<128x64xf32, #tpu.memory_space<vmem>>, vector<1x64xf32>
    %sub3A_59 = vector.broadcast %get3A_58 : vector<1x64xf32> to vector<256x64xf32>
    %sub3A_60 = arith.subf %get3A_1, %sub3A_59 : vector<256x64xf32>
    %convert_element_type3A_61 = arith.truncf %sub3A_60 : vector<256x64xf32> to vector<256x64xbf16>
    %get3A_62 = arith.constant 256 : index
    %get3A_63 = arith.constant 0 : index
    %get3A_64 = vector.load %arg1[%get3A_62, %get3A_63] : memref<8192x64xbf16, #tpu.memory_space<vmem>>, vector<64x64xbf16>
    %dot_general3A_65 = arith.constant dense<0.000000e+00> : vector<256x64xf32>
    %dot_general3A_66 = tpu.matmul %convert_element_type3A_61, %get3A_64, %dot_general3A_65 {dimension_numbers = #tpu.dot_dimension_numbers<[1], [0], [0], [1], [0, 0, 1, 1], [], []>, transpose_lhs_hint = false} : vector<256x64xbf16>, vector<64x64xbf16>, vector<256x64xf32> -> vector<256x64xf32>
    %mul3A_67 = arith.mulf %dot_general3A_66, %sub3A_60 : vector<256x64xf32>
    %reduce_sum3A_68 = arith.constant dense<0.000000e+00> : vector<256xf32>
    %reduce_sum3A_69 = vector.multi_reduction <add>, %mul3A_67, %reduce_sum3A_68 [1] : vector<256x64xf32> to vector<256xf32>
    %broadcast_in_dim3A_70 = vector.shape_cast %reduce_sum3A_69 : vector<256xf32> to vector<256x1xf32>
    %get3A_71 = arith.constant 5 : index
    %get3A_72 = arith.constant 0 : index
    %get3A_73 = vector.load %arg3[%get3A_71, %get3A_72] : memref<128x64xf32, #tpu.memory_space<vmem>>, vector<1x64xf32>
    %sub3A_74 = vector.broadcast %get3A_73 : vector<1x64xf32> to vector<256x64xf32>
    %sub3A_75 = arith.subf %get3A_1, %sub3A_74 : vector<256x64xf32>
    %convert_element_type3A_76 = arith.truncf %sub3A_75 : vector<256x64xf32> to vector<256x64xbf16>
    %get3A_77 = arith.constant 320 : index
    %get3A_78 = arith.constant 0 : index
    %get3A_79 = vector.load %arg1[%get3A_77, %get3A_78] : memref<8192x64xbf16, #tpu.memory_space<vmem>>, vector<64x64xbf16>
    %dot_general3A_80 = arith.constant dense<0.000000e+00> : vector<256x64xf32>
    %dot_general3A_81 = tpu.matmul %convert_element_type3A_76, %get3A_79, %dot_general3A_80 {dimension_numbers = #tpu.dot_dimension_numbers<[1], [0], [0], [1], [0, 0, 1, 1], [], []>, transpose_lhs_hint = false} : vector<256x64xbf16>, vector<64x64xbf16>, vector<256x64xf32> -> vector<256x64xf32>
    %mul3A_82 = arith.mulf %dot_general3A_81, %sub3A_75 : vector<256x64xf32>
    %reduce_sum3A_83 = arith.constant dense<0.000000e+00> : vector<256xf32>
    %reduce_sum3A_84 = vector.multi_reduction <add>, %mul3A_82, %reduce_sum3A_83 [1] : vector<256x64xf32> to vector<256xf32>
    %broadcast_in_dim3A_85 = vector.shape_cast %reduce_sum3A_84 : vector<256xf32> to vector<256x1xf32>
    %get3A_86 = arith.constant 6 : index
    %get3A_87 = arith.constant 0 : index
    %get3A_88 = vector.load %arg3[%get3A_86, %get3A_87] : memref<128x64xf32, #tpu.memory_space<vmem>>, vector<1x64xf32>
    %sub3A_89 = vector.broadcast %get3A_88 : vector<1x64xf32> to vector<256x64xf32>
    %sub3A_90 = arith.subf %get3A_1, %sub3A_89 : vector<256x64xf32>
    %convert_element_type3A_91 = arith.truncf %sub3A_90 : vector<256x64xf32> to vector<256x64xbf16>
    %get3A_92 = arith.constant 384 : index
    %get3A_93 = arith.constant 0 : index
    %get3A_94 = vector.load %arg1[%get3A_92, %get3A_93] : memref<8192x64xbf16, #tpu.memory_space<vmem>>, vector<64x64xbf16>
    %dot_general3A_95 = arith.constant dense<0.000000e+00> : vector<256x64xf32>
    %dot_general3A_96 = tpu.matmul %convert_element_type3A_91, %get3A_94, %dot_general3A_95 {dimension_numbers = #tpu.dot_dimension_numbers<[1], [0], [0], [1], [0, 0, 1, 1], [], []>, transpose_lhs_hint = false} : vector<256x64xbf16>, vector<64x64xbf16>, vector<256x64xf32> -> vector<256x64xf32>
    %mul3A_97 = arith.mulf %dot_general3A_96, %sub3A_90 : vector<256x64xf32>
    %reduce_sum3A_98 = arith.constant dense<0.000000e+00> : vector<256xf32>
    %reduce_sum3A_99 = vector.multi_reduction <add>, %mul3A_97, %reduce_sum3A_98 [1] : vector<256x64xf32> to vector<256xf32>
    %broadcast_in_dim3A_100 = vector.shape_cast %reduce_sum3A_99 : vector<256xf32> to vector<256x1xf32>
    %get3A_101 = arith.constant 7 : index
    %get3A_102 = arith.constant 0 : index
    %get3A_103 = vector.load %arg3[%get3A_101, %get3A_102] : memref<128x64xf32, #tpu.memory_space<vmem>>, vector<1x64xf32>
    %sub3A_104 = vector.broadcast %get3A_103 : vector<1x64xf32> to vector<256x64xf32>
    %sub3A_105 = arith.subf %get3A_1, %sub3A_104 : vector<256x64xf32>
    %convert_element_type3A_106 = arith.truncf %sub3A_105 : vector<256x64xf32> to vector<256x64xbf16>
    %get3A_107 = arith.constant 448 : index
    %get3A_108 = arith.constant 0 : index
    %get3A_109 = vector.load %arg1[%get3A_107, %get3A_108] : memref<8192x64xbf16, #tpu.memory_space<vmem>>, vector<64x64xbf16>
    %dot_general3A_110 = arith.constant dense<0.000000e+00> : vector<256x64xf32>
    %dot_general3A_111 = tpu.matmul %convert_element_type3A_106, %get3A_109, %dot_general3A_110 {dimension_numbers = #tpu.dot_dimension_numbers<[1], [0], [0], [1], [0, 0, 1, 1], [], []>, transpose_lhs_hint = false} : vector<256x64xbf16>, vector<64x64xbf16>, vector<256x64xf32> -> vector<256x64xf32>
    %mul3A_112 = arith.mulf %dot_general3A_111, %sub3A_105 : vector<256x64xf32>
    %reduce_sum3A_113 = arith.constant dense<0.000000e+00> : vector<256xf32>
    %reduce_sum3A_114 = vector.multi_reduction <add>, %mul3A_112, %reduce_sum3A_113 [1] : vector<256x64xf32> to vector<256xf32>
    %broadcast_in_dim3A_115 = vector.shape_cast %reduce_sum3A_114 : vector<256xf32> to vector<256x1xf32>
    %get3A_116 = arith.constant 8 : index
    %get3A_117 = arith.constant 0 : index
    %get3A_118 = vector.load %arg3[%get3A_116, %get3A_117] : memref<128x64xf32, #tpu.memory_space<vmem>>, vector<1x64xf32>
    %sub3A_119 = vector.broadcast %get3A_118 : vector<1x64xf32> to vector<256x64xf32>
    %sub3A_120 = arith.subf %get3A_1, %sub3A_119 : vector<256x64xf32>
    %convert_element_type3A_121 = arith.truncf %sub3A_120 : vector<256x64xf32> to vector<256x64xbf16>
    %get3A_122 = arith.constant 512 : index
    %get3A_123 = arith.constant 0 : index
    %get3A_124 = vector.load %arg1[%get3A_122, %get3A_123] : memref<8192x64xbf16, #tpu.memory_space<vmem>>, vector<64x64xbf16>
    %dot_general3A_125 = arith.constant dense<0.000000e+00> : vector<256x64xf32>
    %dot_general3A_126 = tpu.matmul %convert_element_type3A_121, %get3A_124, %dot_general3A_125 {dimension_numbers = #tpu.dot_dimension_numbers<[1], [0], [0], [1], [0, 0, 1, 1], [], []>, transpose_lhs_hint = false} : vector<256x64xbf16>, vector<64x64xbf16>, vector<256x64xf32> -> vector<256x64xf32>
    %mul3A_127 = arith.mulf %dot_general3A_126, %sub3A_120 : vector<256x64xf32>
    %reduce_sum3A_128 = arith.constant dense<0.000000e+00> : vector<256xf32>
    %reduce_sum3A_129 = vector.multi_reduction <add>, %mul3A_127, %reduce_sum3A_128 [1] : vector<256x64xf32> to vector<256xf32>
    %broadcast_in_dim3A_130 = vector.shape_cast %reduce_sum3A_129 : vector<256xf32> to vector<256x1xf32>
    %get3A_131 = arith.constant 9 : index
    %get3A_132 = arith.constant 0 : index
    %get3A_133 = vector.load %arg3[%get3A_131, %get3A_132] : memref<128x64xf32, #tpu.memory_space<vmem>>, vector<1x64xf32>
    %sub3A_134 = vector.broadcast %get3A_133 : vector<1x64xf32> to vector<256x64xf32>
    %sub3A_135 = arith.subf %get3A_1, %sub3A_134 : vector<256x64xf32>
    %convert_element_type3A_136 = arith.truncf %sub3A_135 : vector<256x64xf32> to vector<256x64xbf16>
    %get3A_137 = arith.constant 576 : index
    %get3A_138 = arith.constant 0 : index
    %get3A_139 = vector.load %arg1[%get3A_137, %get3A_138] : memref<8192x64xbf16, #tpu.memory_space<vmem>>, vector<64x64xbf16>
    %dot_general3A_140 = arith.constant dense<0.000000e+00> : vector<256x64xf32>
    %dot_general3A_141 = tpu.matmul %convert_element_type3A_136, %get3A_139, %dot_general3A_140 {dimension_numbers = #tpu.dot_dimension_numbers<[1], [0], [0], [1], [0, 0, 1, 1], [], []>, transpose_lhs_hint = false} : vector<256x64xbf16>, vector<64x64xbf16>, vector<256x64xf32> -> vector<256x64xf32>
    %mul3A_142 = arith.mulf %dot_general3A_141, %sub3A_135 : vector<256x64xf32>
    %reduce_sum3A_143 = arith.constant dense<0.000000e+00> : vector<256xf32>
    %reduce_sum3A_144 = vector.multi_reduction <add>, %mul3A_142, %reduce_sum3A_143 [1] : vector<256x64xf32> to vector<256xf32>
    %broadcast_in_dim3A_145 = vector.shape_cast %reduce_sum3A_144 : vector<256xf32> to vector<256x1xf32>
    %get3A_146 = arith.constant 10 : index
    %get3A_147 = arith.constant 0 : index
    %get3A_148 = vector.load %arg3[%get3A_146, %get3A_147] : memref<128x64xf32, #tpu.memory_space<vmem>>, vector<1x64xf32>
    %sub3A_149 = vector.broadcast %get3A_148 : vector<1x64xf32> to vector<256x64xf32>
    %sub3A_150 = arith.subf %get3A_1, %sub3A_149 : vector<256x64xf32>
    %convert_element_type3A_151 = arith.truncf %sub3A_150 : vector<256x64xf32> to vector<256x64xbf16>
    %get3A_152 = arith.constant 640 : index
    %get3A_153 = arith.constant 0 : index
    %get3A_154 = vector.load %arg1[%get3A_152, %get3A_153] : memref<8192x64xbf16, #tpu.memory_space<vmem>>, vector<64x64xbf16>
    %dot_general3A_155 = arith.constant dense<0.000000e+00> : vector<256x64xf32>
    %dot_general3A_156 = tpu.matmul %convert_element_type3A_151, %get3A_154, %dot_general3A_155 {dimension_numbers = #tpu.dot_dimension_numbers<[1], [0], [0], [1], [0, 0, 1, 1], [], []>, transpose_lhs_hint = false} : vector<256x64xbf16>, vector<64x64xbf16>, vector<256x64xf32> -> vector<256x64xf32>
    %mul3A_157 = arith.mulf %dot_general3A_156, %sub3A_150 : vector<256x64xf32>
    %reduce_sum3A_158 = arith.constant dense<0.000000e+00> : vector<256xf32>
    %reduce_sum3A_159 = vector.multi_reduction <add>, %mul3A_157, %reduce_sum3A_158 [1] : vector<256x64xf32> to vector<256xf32>
    %broadcast_in_dim3A_160 = vector.shape_cast %reduce_sum3A_159 : vector<256xf32> to vector<256x1xf32>
    %get3A_161 = arith.constant 11 : index
    %get3A_162 = arith.constant 0 : index
    %get3A_163 = vector.load %arg3[%get3A_161, %get3A_162] : memref<128x64xf32, #tpu.memory_space<vmem>>, vector<1x64xf32>
    %sub3A_164 = vector.broadcast %get3A_163 : vector<1x64xf32> to vector<256x64xf32>
    %sub3A_165 = arith.subf %get3A_1, %sub3A_164 : vector<256x64xf32>
    %convert_element_type3A_166 = arith.truncf %sub3A_165 : vector<256x64xf32> to vector<256x64xbf16>
    %get3A_167 = arith.constant 704 : index
    %get3A_168 = arith.constant 0 : index
    %get3A_169 = vector.load %arg1[%get3A_167, %get3A_168] : memref<8192x64xbf16, #tpu.memory_space<vmem>>, vector<64x64xbf16>
    %dot_general3A_170 = arith.constant dense<0.000000e+00> : vector<256x64xf32>
    %dot_general3A_171 = tpu.matmul %convert_element_type3A_166, %get3A_169, %dot_general3A_170 {dimension_numbers = #tpu.dot_dimension_numbers<[1], [0], [0], [1], [0, 0, 1, 1], [], []>, transpose_lhs_hint = false} : vector<256x64xbf16>, vector<64x64xbf16>, vector<256x64xf32> -> vector<256x64xf32>
    %mul3A_172 = arith.mulf %dot_general3A_171, %sub3A_165 : vector<256x64xf32>
    %reduce_sum3A_173 = arith.constant dense<0.000000e+00> : vector<256xf32>
    %reduce_sum3A_174 = vector.multi_reduction <add>, %mul3A_172, %reduce_sum3A_173 [1] : vector<256x64xf32> to vector<256xf32>
    %broadcast_in_dim3A_175 = vector.shape_cast %reduce_sum3A_174 : vector<256xf32> to vector<256x1xf32>
    %get3A_176 = arith.constant 12 : index
    %get3A_177 = arith.constant 0 : index
    %get3A_178 = vector.load %arg3[%get3A_176, %get3A_177] : memref<128x64xf32, #tpu.memory_space<vmem>>, vector<1x64xf32>
    %sub3A_179 = vector.broadcast %get3A_178 : vector<1x64xf32> to vector<256x64xf32>
    %sub3A_180 = arith.subf %get3A_1, %sub3A_179 : vector<256x64xf32>
    %convert_element_type3A_181 = arith.truncf %sub3A_180 : vector<256x64xf32> to vector<256x64xbf16>
    %get3A_182 = arith.constant 768 : index
    %get3A_183 = arith.constant 0 : index
    %get3A_184 = vector.load %arg1[%get3A_182, %get3A_183] : memref<8192x64xbf16, #tpu.memory_space<vmem>>, vector<64x64xbf16>
    %dot_general3A_185 = arith.constant dense<0.000000e+00> : vector<256x64xf32>
    %dot_general3A_186 = tpu.matmul %convert_element_type3A_181, %get3A_184, %dot_general3A_185 {dimension_numbers = #tpu.dot_dimension_numbers<[1], [0], [0], [1], [0, 0, 1, 1], [], []>, transpose_lhs_hint = false} : vector<256x64xbf16>, vector<64x64xbf16>, vector<256x64xf32> -> vector<256x64xf32>
    %mul3A_187 = arith.mulf %dot_general3A_186, %sub3A_180 : vector<256x64xf32>
    %reduce_sum3A_188 = arith.constant dense<0.000000e+00> : vector<256xf32>
    %reduce_sum3A_189 = vector.multi_reduction <add>, %mul3A_187, %reduce_sum3A_188 [1] : vector<256x64xf32> to vector<256xf32>
    %broadcast_in_dim3A_190 = vector.shape_cast %reduce_sum3A_189 : vector<256xf32> to vector<256x1xf32>
    %get3A_191 = arith.constant 13 : index
    %get3A_192 = arith.constant 0 : index
    %get3A_193 = vector.load %arg3[%get3A_191, %get3A_192] : memref<128x64xf32, #tpu.memory_space<vmem>>, vector<1x64xf32>
    %sub3A_194 = vector.broadcast %get3A_193 : vector<1x64xf32> to vector<256x64xf32>
    %sub3A_195 = arith.subf %get3A_1, %sub3A_194 : vector<256x64xf32>
    %convert_element_type3A_196 = arith.truncf %sub3A_195 : vector<256x64xf32> to vector<256x64xbf16>
    %get3A_197 = arith.constant 832 : index
    %get3A_198 = arith.constant 0 : index
    %get3A_199 = vector.load %arg1[%get3A_197, %get3A_198] : memref<8192x64xbf16, #tpu.memory_space<vmem>>, vector<64x64xbf16>
    %dot_general3A_200 = arith.constant dense<0.000000e+00> : vector<256x64xf32>
    %dot_general3A_201 = tpu.matmul %convert_element_type3A_196, %get3A_199, %dot_general3A_200 {dimension_numbers = #tpu.dot_dimension_numbers<[1], [0], [0], [1], [0, 0, 1, 1], [], []>, transpose_lhs_hint = false} : vector<256x64xbf16>, vector<64x64xbf16>, vector<256x64xf32> -> vector<256x64xf32>
    %mul3A_202 = arith.mulf %dot_general3A_201, %sub3A_195 : vector<256x64xf32>
    %reduce_sum3A_203 = arith.constant dense<0.000000e+00> : vector<256xf32>
    %reduce_sum3A_204 = vector.multi_reduction <add>, %mul3A_202, %reduce_sum3A_203 [1] : vector<256x64xf32> to vector<256xf32>
    %broadcast_in_dim3A_205 = vector.shape_cast %reduce_sum3A_204 : vector<256xf32> to vector<256x1xf32>
    %get3A_206 = arith.constant 14 : index
    %get3A_207 = arith.constant 0 : index
    %get3A_208 = vector.load %arg3[%get3A_206, %get3A_207] : memref<128x64xf32, #tpu.memory_space<vmem>>, vector<1x64xf32>
    %sub3A_209 = vector.broadcast %get3A_208 : vector<1x64xf32> to vector<256x64xf32>
    %sub3A_210 = arith.subf %get3A_1, %sub3A_209 : vector<256x64xf32>
    %convert_element_type3A_211 = arith.truncf %sub3A_210 : vector<256x64xf32> to vector<256x64xbf16>
    %get3A_212 = arith.constant 896 : index
    %get3A_213 = arith.constant 0 : index
    %get3A_214 = vector.load %arg1[%get3A_212, %get3A_213] : memref<8192x64xbf16, #tpu.memory_space<vmem>>, vector<64x64xbf16>
    %dot_general3A_215 = arith.constant dense<0.000000e+00> : vector<256x64xf32>
    %dot_general3A_216 = tpu.matmul %convert_element_type3A_211, %get3A_214, %dot_general3A_215 {dimension_numbers = #tpu.dot_dimension_numbers<[1], [0], [0], [1], [0, 0, 1, 1], [], []>, transpose_lhs_hint = false} : vector<256x64xbf16>, vector<64x64xbf16>, vector<256x64xf32> -> vector<256x64xf32>
    %mul3A_217 = arith.mulf %dot_general3A_216, %sub3A_210 : vector<256x64xf32>
    %reduce_sum3A_218 = arith.constant dense<0.000000e+00> : vector<256xf32>
    %reduce_sum3A_219 = vector.multi_reduction <add>, %mul3A_217, %reduce_sum3A_218 [1] : vector<256x64xf32> to vector<256xf32>
    %broadcast_in_dim3A_220 = vector.shape_cast %reduce_sum3A_219 : vector<256xf32> to vector<256x1xf32>
    %get3A_221 = arith.constant 15 : index
    %get3A_222 = arith.constant 0 : index
    %get3A_223 = vector.load %arg3[%get3A_221, %get3A_222] : memref<128x64xf32, #tpu.memory_space<vmem>>, vector<1x64xf32>
    %sub3A_224 = vector.broadcast %get3A_223 : vector<1x64xf32> to vector<256x64xf32>
    %sub3A_225 = arith.subf %get3A_1, %sub3A_224 : vector<256x64xf32>
    %convert_element_type3A_226 = arith.truncf %sub3A_225 : vector<256x64xf32> to vector<256x64xbf16>
    %get3A_227 = arith.constant 960 : index
    %get3A_228 = arith.constant 0 : index
    %get3A_229 = vector.load %arg1[%get3A_227, %get3A_228] : memref<8192x64xbf16, #tpu.memory_space<vmem>>, vector<64x64xbf16>
    %dot_general3A_230 = arith.constant dense<0.000000e+00> : vector<256x64xf32>
    %dot_general3A_231 = tpu.matmul %convert_element_type3A_226, %get3A_229, %dot_general3A_230 {dimension_numbers = #tpu.dot_dimension_numbers<[1], [0], [0], [1], [0, 0, 1, 1], [], []>, transpose_lhs_hint = false} : vector<256x64xbf16>, vector<64x64xbf16>, vector<256x64xf32> -> vector<256x64xf32>
    %mul3A_232 = arith.mulf %dot_general3A_231, %sub3A_225 : vector<256x64xf32>
    %reduce_sum3A_233 = arith.constant dense<0.000000e+00> : vector<256xf32>
    %reduce_sum3A_234 = vector.multi_reduction <add>, %mul3A_232, %reduce_sum3A_233 [1] : vector<256x64xf32> to vector<256xf32>
    %broadcast_in_dim3A_235 = vector.shape_cast %reduce_sum3A_234 : vector<256xf32> to vector<256x1xf32>
    %get3A_236 = arith.constant 16 : index
    %get3A_237 = arith.constant 0 : index
    %get3A_238 = vector.load %arg3[%get3A_236, %get3A_237] : memref<128x64xf32, #tpu.memory_space<vmem>>, vector<1x64xf32>
    %sub3A_239 = vector.broadcast %get3A_238 : vector<1x64xf32> to vector<256x64xf32>
    %sub3A_240 = arith.subf %get3A_1, %sub3A_239 : vector<256x64xf32>
    %convert_element_type3A_241 = arith.truncf %sub3A_240 : vector<256x64xf32> to vector<256x64xbf16>
    %get3A_242 = arith.constant 1024 : index
    %get3A_243 = arith.constant 0 : index
    %get3A_244 = vector.load %arg1[%get3A_242, %get3A_243] : memref<8192x64xbf16, #tpu.memory_space<vmem>>, vector<64x64xbf16>
    %dot_general3A_245 = arith.constant dense<0.000000e+00> : vector<256x64xf32>
    %dot_general3A_246 = tpu.matmul %convert_element_type3A_241, %get3A_244, %dot_general3A_245 {dimension_numbers = #tpu.dot_dimension_numbers<[1], [0], [0], [1], [0, 0, 1, 1], [], []>, transpose_lhs_hint = false} : vector<256x64xbf16>, vector<64x64xbf16>, vector<256x64xf32> -> vector<256x64xf32>
    %mul3A_247 = arith.mulf %dot_general3A_246, %sub3A_240 : vector<256x64xf32>
    %reduce_sum3A_248 = arith.constant dense<0.000000e+00> : vector<256xf32>
    %reduce_sum3A_249 = vector.multi_reduction <add>, %mul3A_247, %reduce_sum3A_248 [1] : vector<256x64xf32> to vector<256xf32>
    %broadcast_in_dim3A_250 = vector.shape_cast %reduce_sum3A_249 : vector<256xf32> to vector<256x1xf32>
    %get3A_251 = arith.constant 17 : index
    %get3A_252 = arith.constant 0 : index
    %get3A_253 = vector.load %arg3[%get3A_251, %get3A_252] : memref<128x64xf32, #tpu.memory_space<vmem>>, vector<1x64xf32>
    %sub3A_254 = vector.broadcast %get3A_253 : vector<1x64xf32> to vector<256x64xf32>
    %sub3A_255 = arith.subf %get3A_1, %sub3A_254 : vector<256x64xf32>
    %convert_element_type3A_256 = arith.truncf %sub3A_255 : vector<256x64xf32> to vector<256x64xbf16>
    %get3A_257 = arith.constant 1088 : index
    %get3A_258 = arith.constant 0 : index
    %get3A_259 = vector.load %arg1[%get3A_257, %get3A_258] : memref<8192x64xbf16, #tpu.memory_space<vmem>>, vector<64x64xbf16>
    %dot_general3A_260 = arith.constant dense<0.000000e+00> : vector<256x64xf32>
    %dot_general3A_261 = tpu.matmul %convert_element_type3A_256, %get3A_259, %dot_general3A_260 {dimension_numbers = #tpu.dot_dimension_numbers<[1], [0], [0], [1], [0, 0, 1, 1], [], []>, transpose_lhs_hint = false} : vector<256x64xbf16>, vector<64x64xbf16>, vector<256x64xf32> -> vector<256x64xf32>
    %mul3A_262 = arith.mulf %dot_general3A_261, %sub3A_255 : vector<256x64xf32>
    %reduce_sum3A_263 = arith.constant dense<0.000000e+00> : vector<256xf32>
    %reduce_sum3A_264 = vector.multi_reduction <add>, %mul3A_262, %reduce_sum3A_263 [1] : vector<256x64xf32> to vector<256xf32>
    %broadcast_in_dim3A_265 = vector.shape_cast %reduce_sum3A_264 : vector<256xf32> to vector<256x1xf32>
    %get3A_266 = arith.constant 18 : index
    %get3A_267 = arith.constant 0 : index
    %get3A_268 = vector.load %arg3[%get3A_266, %get3A_267] : memref<128x64xf32, #tpu.memory_space<vmem>>, vector<1x64xf32>
    %sub3A_269 = vector.broadcast %get3A_268 : vector<1x64xf32> to vector<256x64xf32>
    %sub3A_270 = arith.subf %get3A_1, %sub3A_269 : vector<256x64xf32>
    %convert_element_type3A_271 = arith.truncf %sub3A_270 : vector<256x64xf32> to vector<256x64xbf16>
    %get3A_272 = arith.constant 1152 : index
    %get3A_273 = arith.constant 0 : index
    %get3A_274 = vector.load %arg1[%get3A_272, %get3A_273] : memref<8192x64xbf16, #tpu.memory_space<vmem>>, vector<64x64xbf16>
    %dot_general3A_275 = arith.constant dense<0.000000e+00> : vector<256x64xf32>
    %dot_general3A_276 = tpu.matmul %convert_element_type3A_271, %get3A_274, %dot_general3A_275 {dimension_numbers = #tpu.dot_dimension_numbers<[1], [0], [0], [1], [0, 0, 1, 1], [], []>, transpose_lhs_hint = false} : vector<256x64xbf16>, vector<64x64xbf16>, vector<256x64xf32> -> vector<256x64xf32>
    %mul3A_277 = arith.mulf %dot_general3A_276, %sub3A_270 : vector<256x64xf32>
    %reduce_sum3A_278 = arith.constant dense<0.000000e+00> : vector<256xf32>
    %reduce_sum3A_279 = vector.multi_reduction <add>, %mul3A_277, %reduce_sum3A_278 [1] : vector<256x64xf32> to vector<256xf32>
    %broadcast_in_dim3A_280 = vector.shape_cast %reduce_sum3A_279 : vector<256xf32> to vector<256x1xf32>
    %get3A_281 = arith.constant 19 : index
    %get3A_282 = arith.constant 0 : index
    %get3A_283 = vector.load %arg3[%get3A_281, %get3A_282] : memref<128x64xf32, #tpu.memory_space<vmem>>, vector<1x64xf32>
    %sub3A_284 = vector.broadcast %get3A_283 : vector<1x64xf32> to vector<256x64xf32>
    %sub3A_285 = arith.subf %get3A_1, %sub3A_284 : vector<256x64xf32>
    %convert_element_type3A_286 = arith.truncf %sub3A_285 : vector<256x64xf32> to vector<256x64xbf16>
    %get3A_287 = arith.constant 1216 : index
    %get3A_288 = arith.constant 0 : index
    %get3A_289 = vector.load %arg1[%get3A_287, %get3A_288] : memref<8192x64xbf16, #tpu.memory_space<vmem>>, vector<64x64xbf16>
    %dot_general3A_290 = arith.constant dense<0.000000e+00> : vector<256x64xf32>
    %dot_general3A_291 = tpu.matmul %convert_element_type3A_286, %get3A_289, %dot_general3A_290 {dimension_numbers = #tpu.dot_dimension_numbers<[1], [0], [0], [1], [0, 0, 1, 1], [], []>, transpose_lhs_hint = false} : vector<256x64xbf16>, vector<64x64xbf16>, vector<256x64xf32> -> vector<256x64xf32>
    %mul3A_292 = arith.mulf %dot_general3A_291, %sub3A_285 : vector<256x64xf32>
    %reduce_sum3A_293 = arith.constant dense<0.000000e+00> : vector<256xf32>
    %reduce_sum3A_294 = vector.multi_reduction <add>, %mul3A_292, %reduce_sum3A_293 [1] : vector<256x64xf32> to vector<256xf32>
    %broadcast_in_dim3A_295 = vector.shape_cast %reduce_sum3A_294 : vector<256xf32> to vector<256x1xf32>
    %get3A_296 = arith.constant 20 : index
    %get3A_297 = arith.constant 0 : index
    %get3A_298 = vector.load %arg3[%get3A_296, %get3A_297] : memref<128x64xf32, #tpu.memory_space<vmem>>, vector<1x64xf32>
    %sub3A_299 = vector.broadcast %get3A_298 : vector<1x64xf32> to vector<256x64xf32>
    %sub3A_300 = arith.subf %get3A_1, %sub3A_299 : vector<256x64xf32>
    %convert_element_type3A_301 = arith.truncf %sub3A_300 : vector<256x64xf32> to vector<256x64xbf16>
    %get3A_302 = arith.constant 1280 : index
    %get3A_303 = arith.constant 0 : index
    %get3A_304 = vector.load %arg1[%get3A_302, %get3A_303] : memref<8192x64xbf16, #tpu.memory_space<vmem>>, vector<64x64xbf16>
    %dot_general3A_305 = arith.constant dense<0.000000e+00> : vector<256x64xf32>
    %dot_general3A_306 = tpu.matmul %convert_element_type3A_301, %get3A_304, %dot_general3A_305 {dimension_numbers = #tpu.dot_dimension_numbers<[1], [0], [0], [1], [0, 0, 1, 1], [], []>, transpose_lhs_hint = false} : vector<256x64xbf16>, vector<64x64xbf16>, vector<256x64xf32> -> vector<256x64xf32>
    %mul3A_307 = arith.mulf %dot_general3A_306, %sub3A_300 : vector<256x64xf32>
    %reduce_sum3A_308 = arith.constant dense<0.000000e+00> : vector<256xf32>
    %reduce_sum3A_309 = vector.multi_reduction <add>, %mul3A_307, %reduce_sum3A_308 [1] : vector<256x64xf32> to vector<256xf32>
    %broadcast_in_dim3A_310 = vector.shape_cast %reduce_sum3A_309 : vector<256xf32> to vector<256x1xf32>
    %get3A_311 = arith.constant 21 : index
    %get3A_312 = arith.constant 0 : index
    %get3A_313 = vector.load %arg3[%get3A_311, %get3A_312] : memref<128x64xf32, #tpu.memory_space<vmem>>, vector<1x64xf32>
    %sub3A_314 = vector.broadcast %get3A_313 : vector<1x64xf32> to vector<256x64xf32>
    %sub3A_315 = arith.subf %get3A_1, %sub3A_314 : vector<256x64xf32>
    %convert_element_type3A_316 = arith.truncf %sub3A_315 : vector<256x64xf32> to vector<256x64xbf16>
    %get3A_317 = arith.constant 1344 : index
    %get3A_318 = arith.constant 0 : index
    %get3A_319 = vector.load %arg1[%get3A_317, %get3A_318] : memref<8192x64xbf16, #tpu.memory_space<vmem>>, vector<64x64xbf16>
    %dot_general3A_320 = arith.constant dense<0.000000e+00> : vector<256x64xf32>
    %dot_general3A_321 = tpu.matmul %convert_element_type3A_316, %get3A_319, %dot_general3A_320 {dimension_numbers = #tpu.dot_dimension_numbers<[1], [0], [0], [1], [0, 0, 1, 1], [], []>, transpose_lhs_hint = false} : vector<256x64xbf16>, vector<64x64xbf16>, vector<256x64xf32> -> vector<256x64xf32>
    %mul3A_322 = arith.mulf %dot_general3A_321, %sub3A_315 : vector<256x64xf32>
    %reduce_sum3A_323 = arith.constant dense<0.000000e+00> : vector<256xf32>
    %reduce_sum3A_324 = vector.multi_reduction <add>, %mul3A_322, %reduce_sum3A_323 [1] : vector<256x64xf32> to vector<256xf32>
    %broadcast_in_dim3A_325 = vector.shape_cast %reduce_sum3A_324 : vector<256xf32> to vector<256x1xf32>
    %get3A_326 = arith.constant 22 : index
    %get3A_327 = arith.constant 0 : index
    %get3A_328 = vector.load %arg3[%get3A_326, %get3A_327] : memref<128x64xf32, #tpu.memory_space<vmem>>, vector<1x64xf32>
    %sub3A_329 = vector.broadcast %get3A_328 : vector<1x64xf32> to vector<256x64xf32>
    %sub3A_330 = arith.subf %get3A_1, %sub3A_329 : vector<256x64xf32>
    %convert_element_type3A_331 = arith.truncf %sub3A_330 : vector<256x64xf32> to vector<256x64xbf16>
    %get3A_332 = arith.constant 1408 : index
    %get3A_333 = arith.constant 0 : index
    %get3A_334 = vector.load %arg1[%get3A_332, %get3A_333] : memref<8192x64xbf16, #tpu.memory_space<vmem>>, vector<64x64xbf16>
    %dot_general3A_335 = arith.constant dense<0.000000e+00> : vector<256x64xf32>
    %dot_general3A_336 = tpu.matmul %convert_element_type3A_331, %get3A_334, %dot_general3A_335 {dimension_numbers = #tpu.dot_dimension_numbers<[1], [0], [0], [1], [0, 0, 1, 1], [], []>, transpose_lhs_hint = false} : vector<256x64xbf16>, vector<64x64xbf16>, vector<256x64xf32> -> vector<256x64xf32>
    %mul3A_337 = arith.mulf %dot_general3A_336, %sub3A_330 : vector<256x64xf32>
    %reduce_sum3A_338 = arith.constant dense<0.000000e+00> : vector<256xf32>
    %reduce_sum3A_339 = vector.multi_reduction <add>, %mul3A_337, %reduce_sum3A_338 [1] : vector<256x64xf32> to vector<256xf32>
    %broadcast_in_dim3A_340 = vector.shape_cast %reduce_sum3A_339 : vector<256xf32> to vector<256x1xf32>
    %get3A_341 = arith.constant 23 : index
    %get3A_342 = arith.constant 0 : index
    %get3A_343 = vector.load %arg3[%get3A_341, %get3A_342] : memref<128x64xf32, #tpu.memory_space<vmem>>, vector<1x64xf32>
    %sub3A_344 = vector.broadcast %get3A_343 : vector<1x64xf32> to vector<256x64xf32>
    %sub3A_345 = arith.subf %get3A_1, %sub3A_344 : vector<256x64xf32>
    %convert_element_type3A_346 = arith.truncf %sub3A_345 : vector<256x64xf32> to vector<256x64xbf16>
    %get3A_347 = arith.constant 1472 : index
    %get3A_348 = arith.constant 0 : index
    %get3A_349 = vector.load %arg1[%get3A_347, %get3A_348] : memref<8192x64xbf16, #tpu.memory_space<vmem>>, vector<64x64xbf16>
    %dot_general3A_350 = arith.constant dense<0.000000e+00> : vector<256x64xf32>
    %dot_general3A_351 = tpu.matmul %convert_element_type3A_346, %get3A_349, %dot_general3A_350 {dimension_numbers = #tpu.dot_dimension_numbers<[1], [0], [0], [1], [0, 0, 1, 1], [], []>, transpose_lhs_hint = false} : vector<256x64xbf16>, vector<64x64xbf16>, vector<256x64xf32> -> vector<256x64xf32>
    %mul3A_352 = arith.mulf %dot_general3A_351, %sub3A_345 : vector<256x64xf32>
    %reduce_sum3A_353 = arith.constant dense<0.000000e+00> : vector<256xf32>
    %reduce_sum3A_354 = vector.multi_reduction <add>, %mul3A_352, %reduce_sum3A_353 [1] : vector<256x64xf32> to vector<256xf32>
    %broadcast_in_dim3A_355 = vector.shape_cast %reduce_sum3A_354 : vector<256xf32> to vector<256x1xf32>
    %get3A_356 = arith.constant 24 : index
    %get3A_357 = arith.constant 0 : index
    %get3A_358 = vector.load %arg3[%get3A_356, %get3A_357] : memref<128x64xf32, #tpu.memory_space<vmem>>, vector<1x64xf32>
    %sub3A_359 = vector.broadcast %get3A_358 : vector<1x64xf32> to vector<256x64xf32>
    %sub3A_360 = arith.subf %get3A_1, %sub3A_359 : vector<256x64xf32>
    %convert_element_type3A_361 = arith.truncf %sub3A_360 : vector<256x64xf32> to vector<256x64xbf16>
    %get3A_362 = arith.constant 1536 : index
    %get3A_363 = arith.constant 0 : index
    %get3A_364 = vector.load %arg1[%get3A_362, %get3A_363] : memref<8192x64xbf16, #tpu.memory_space<vmem>>, vector<64x64xbf16>
    %dot_general3A_365 = arith.constant dense<0.000000e+00> : vector<256x64xf32>
    %dot_general3A_366 = tpu.matmul %convert_element_type3A_361, %get3A_364, %dot_general3A_365 {dimension_numbers = #tpu.dot_dimension_numbers<[1], [0], [0], [1], [0, 0, 1, 1], [], []>, transpose_lhs_hint = false} : vector<256x64xbf16>, vector<64x64xbf16>, vector<256x64xf32> -> vector<256x64xf32>
    %mul3A_367 = arith.mulf %dot_general3A_366, %sub3A_360 : vector<256x64xf32>
    %reduce_sum3A_368 = arith.constant dense<0.000000e+00> : vector<256xf32>
    %reduce_sum3A_369 = vector.multi_reduction <add>, %mul3A_367, %reduce_sum3A_368 [1] : vector<256x64xf32> to vector<256xf32>
    %broadcast_in_dim3A_370 = vector.shape_cast %reduce_sum3A_369 : vector<256xf32> to vector<256x1xf32>
    %get3A_371 = arith.constant 25 : index
    %get3A_372 = arith.constant 0 : index
    %get3A_373 = vector.load %arg3[%get3A_371, %get3A_372] : memref<128x64xf32, #tpu.memory_space<vmem>>, vector<1x64xf32>
    %sub3A_374 = vector.broadcast %get3A_373 : vector<1x64xf32> to vector<256x64xf32>
    %sub3A_375 = arith.subf %get3A_1, %sub3A_374 : vector<256x64xf32>
    %convert_element_type3A_376 = arith.truncf %sub3A_375 : vector<256x64xf32> to vector<256x64xbf16>
    %get3A_377 = arith.constant 1600 : index
    %get3A_378 = arith.constant 0 : index
    %get3A_379 = vector.load %arg1[%get3A_377, %get3A_378] : memref<8192x64xbf16, #tpu.memory_space<vmem>>, vector<64x64xbf16>
    %dot_general3A_380 = arith.constant dense<0.000000e+00> : vector<256x64xf32>
    %dot_general3A_381 = tpu.matmul %convert_element_type3A_376, %get3A_379, %dot_general3A_380 {dimension_numbers = #tpu.dot_dimension_numbers<[1], [0], [0], [1], [0, 0, 1, 1], [], []>, transpose_lhs_hint = false} : vector<256x64xbf16>, vector<64x64xbf16>, vector<256x64xf32> -> vector<256x64xf32>
    %mul3A_382 = arith.mulf %dot_general3A_381, %sub3A_375 : vector<256x64xf32>
    %reduce_sum3A_383 = arith.constant dense<0.000000e+00> : vector<256xf32>
    %reduce_sum3A_384 = vector.multi_reduction <add>, %mul3A_382, %reduce_sum3A_383 [1] : vector<256x64xf32> to vector<256xf32>
    %broadcast_in_dim3A_385 = vector.shape_cast %reduce_sum3A_384 : vector<256xf32> to vector<256x1xf32>
    %get3A_386 = arith.constant 26 : index
    %get3A_387 = arith.constant 0 : index
    %get3A_388 = vector.load %arg3[%get3A_386, %get3A_387] : memref<128x64xf32, #tpu.memory_space<vmem>>, vector<1x64xf32>
    %sub3A_389 = vector.broadcast %get3A_388 : vector<1x64xf32> to vector<256x64xf32>
    %sub3A_390 = arith.subf %get3A_1, %sub3A_389 : vector<256x64xf32>
    %convert_element_type3A_391 = arith.truncf %sub3A_390 : vector<256x64xf32> to vector<256x64xbf16>
    %get3A_392 = arith.constant 1664 : index
    %get3A_393 = arith.constant 0 : index
    %get3A_394 = vector.load %arg1[%get3A_392, %get3A_393] : memref<8192x64xbf16, #tpu.memory_space<vmem>>, vector<64x64xbf16>
    %dot_general3A_395 = arith.constant dense<0.000000e+00> : vector<256x64xf32>
    %dot_general3A_396 = tpu.matmul %convert_element_type3A_391, %get3A_394, %dot_general3A_395 {dimension_numbers = #tpu.dot_dimension_numbers<[1], [0], [0], [1], [0, 0, 1, 1], [], []>, transpose_lhs_hint = false} : vector<256x64xbf16>, vector<64x64xbf16>, vector<256x64xf32> -> vector<256x64xf32>
    %mul3A_397 = arith.mulf %dot_general3A_396, %sub3A_390 : vector<256x64xf32>
    %reduce_sum3A_398 = arith.constant dense<0.000000e+00> : vector<256xf32>
    %reduce_sum3A_399 = vector.multi_reduction <add>, %mul3A_397, %reduce_sum3A_398 [1] : vector<256x64xf32> to vector<256xf32>
    %broadcast_in_dim3A_400 = vector.shape_cast %reduce_sum3A_399 : vector<256xf32> to vector<256x1xf32>
    %get3A_401 = arith.constant 27 : index
    %get3A_402 = arith.constant 0 : index
    %get3A_403 = vector.load %arg3[%get3A_401, %get3A_402] : memref<128x64xf32, #tpu.memory_space<vmem>>, vector<1x64xf32>
    %sub3A_404 = vector.broadcast %get3A_403 : vector<1x64xf32> to vector<256x64xf32>
    %sub3A_405 = arith.subf %get3A_1, %sub3A_404 : vector<256x64xf32>
    %convert_element_type3A_406 = arith.truncf %sub3A_405 : vector<256x64xf32> to vector<256x64xbf16>
    %get3A_407 = arith.constant 1728 : index
    %get3A_408 = arith.constant 0 : index
    %get3A_409 = vector.load %arg1[%get3A_407, %get3A_408] : memref<8192x64xbf16, #tpu.memory_space<vmem>>, vector<64x64xbf16>
    %dot_general3A_410 = arith.constant dense<0.000000e+00> : vector<256x64xf32>
    %dot_general3A_411 = tpu.matmul %convert_element_type3A_406, %get3A_409, %dot_general3A_410 {dimension_numbers = #tpu.dot_dimension_numbers<[1], [0], [0], [1], [0, 0, 1, 1], [], []>, transpose_lhs_hint = false} : vector<256x64xbf16>, vector<64x64xbf16>, vector<256x64xf32> -> vector<256x64xf32>
    %mul3A_412 = arith.mulf %dot_general3A_411, %sub3A_405 : vector<256x64xf32>
    %reduce_sum3A_413 = arith.constant dense<0.000000e+00> : vector<256xf32>
    %reduce_sum3A_414 = vector.multi_reduction <add>, %mul3A_412, %reduce_sum3A_413 [1] : vector<256x64xf32> to vector<256xf32>
    %broadcast_in_dim3A_415 = vector.shape_cast %reduce_sum3A_414 : vector<256xf32> to vector<256x1xf32>
    %get3A_416 = arith.constant 28 : index
    %get3A_417 = arith.constant 0 : index
    %get3A_418 = vector.load %arg3[%get3A_416, %get3A_417] : memref<128x64xf32, #tpu.memory_space<vmem>>, vector<1x64xf32>
    %sub3A_419 = vector.broadcast %get3A_418 : vector<1x64xf32> to vector<256x64xf32>
    %sub3A_420 = arith.subf %get3A_1, %sub3A_419 : vector<256x64xf32>
    %convert_element_type3A_421 = arith.truncf %sub3A_420 : vector<256x64xf32> to vector<256x64xbf16>
    %get3A_422 = arith.constant 1792 : index
    %get3A_423 = arith.constant 0 : index
    %get3A_424 = vector.load %arg1[%get3A_422, %get3A_423] : memref<8192x64xbf16, #tpu.memory_space<vmem>>, vector<64x64xbf16>
    %dot_general3A_425 = arith.constant dense<0.000000e+00> : vector<256x64xf32>
    %dot_general3A_426 = tpu.matmul %convert_element_type3A_421, %get3A_424, %dot_general3A_425 {dimension_numbers = #tpu.dot_dimension_numbers<[1], [0], [0], [1], [0, 0, 1, 1], [], []>, transpose_lhs_hint = false} : vector<256x64xbf16>, vector<64x64xbf16>, vector<256x64xf32> -> vector<256x64xf32>
    %mul3A_427 = arith.mulf %dot_general3A_426, %sub3A_420 : vector<256x64xf32>
    %reduce_sum3A_428 = arith.constant dense<0.000000e+00> : vector<256xf32>
    %reduce_sum3A_429 = vector.multi_reduction <add>, %mul3A_427, %reduce_sum3A_428 [1] : vector<256x64xf32> to vector<256xf32>
    %broadcast_in_dim3A_430 = vector.shape_cast %reduce_sum3A_429 : vector<256xf32> to vector<256x1xf32>
    %get3A_431 = arith.constant 29 : index
    %get3A_432 = arith.constant 0 : index
    %get3A_433 = vector.load %arg3[%get3A_431, %get3A_432] : memref<128x64xf32, #tpu.memory_space<vmem>>, vector<1x64xf32>
    %sub3A_434 = vector.broadcast %get3A_433 : vector<1x64xf32> to vector<256x64xf32>
    %sub3A_435 = arith.subf %get3A_1, %sub3A_434 : vector<256x64xf32>
    %convert_element_type3A_436 = arith.truncf %sub3A_435 : vector<256x64xf32> to vector<256x64xbf16>
    %get3A_437 = arith.constant 1856 : index
    %get3A_438 = arith.constant 0 : index
    %get3A_439 = vector.load %arg1[%get3A_437, %get3A_438] : memref<8192x64xbf16, #tpu.memory_space<vmem>>, vector<64x64xbf16>
    %dot_general3A_440 = arith.constant dense<0.000000e+00> : vector<256x64xf32>
    %dot_general3A_441 = tpu.matmul %convert_element_type3A_436, %get3A_439, %dot_general3A_440 {dimension_numbers = #tpu.dot_dimension_numbers<[1], [0], [0], [1], [0, 0, 1, 1], [], []>, transpose_lhs_hint = false} : vector<256x64xbf16>, vector<64x64xbf16>, vector<256x64xf32> -> vector<256x64xf32>
    %mul3A_442 = arith.mulf %dot_general3A_441, %sub3A_435 : vector<256x64xf32>
    %reduce_sum3A_443 = arith.constant dense<0.000000e+00> : vector<256xf32>
    %reduce_sum3A_444 = vector.multi_reduction <add>, %mul3A_442, %reduce_sum3A_443 [1] : vector<256x64xf32> to vector<256xf32>
    %broadcast_in_dim3A_445 = vector.shape_cast %reduce_sum3A_444 : vector<256xf32> to vector<256x1xf32>
    %get3A_446 = arith.constant 30 : index
    %get3A_447 = arith.constant 0 : index
    %get3A_448 = vector.load %arg3[%get3A_446, %get3A_447] : memref<128x64xf32, #tpu.memory_space<vmem>>, vector<1x64xf32>
    %sub3A_449 = vector.broadcast %get3A_448 : vector<1x64xf32> to vector<256x64xf32>
    %sub3A_450 = arith.subf %get3A_1, %sub3A_449 : vector<256x64xf32>
    %convert_element_type3A_451 = arith.truncf %sub3A_450 : vector<256x64xf32> to vector<256x64xbf16>
    %get3A_452 = arith.constant 1920 : index
    %get3A_453 = arith.constant 0 : index
    %get3A_454 = vector.load %arg1[%get3A_452, %get3A_453] : memref<8192x64xbf16, #tpu.memory_space<vmem>>, vector<64x64xbf16>
    %dot_general3A_455 = arith.constant dense<0.000000e+00> : vector<256x64xf32>
    %dot_general3A_456 = tpu.matmul %convert_element_type3A_451, %get3A_454, %dot_general3A_455 {dimension_numbers = #tpu.dot_dimension_numbers<[1], [0], [0], [1], [0, 0, 1, 1], [], []>, transpose_lhs_hint = false} : vector<256x64xbf16>, vector<64x64xbf16>, vector<256x64xf32> -> vector<256x64xf32>
    %mul3A_457 = arith.mulf %dot_general3A_456, %sub3A_450 : vector<256x64xf32>
    %reduce_sum3A_458 = arith.constant dense<0.000000e+00> : vector<256xf32>
    %reduce_sum3A_459 = vector.multi_reduction <add>, %mul3A_457, %reduce_sum3A_458 [1] : vector<256x64xf32> to vector<256xf32>
    %broadcast_in_dim3A_460 = vector.shape_cast %reduce_sum3A_459 : vector<256xf32> to vector<256x1xf32>
    %get3A_461 = arith.constant 31 : index
    %get3A_462 = arith.constant 0 : index
    %get3A_463 = vector.load %arg3[%get3A_461, %get3A_462] : memref<128x64xf32, #tpu.memory_space<vmem>>, vector<1x64xf32>
    %sub3A_464 = vector.broadcast %get3A_463 : vector<1x64xf32> to vector<256x64xf32>
    %sub3A_465 = arith.subf %get3A_1, %sub3A_464 : vector<256x64xf32>
    %convert_element_type3A_466 = arith.truncf %sub3A_465 : vector<256x64xf32> to vector<256x64xbf16>
    %get3A_467 = arith.constant 1984 : index
    %get3A_468 = arith.constant 0 : index
    %get3A_469 = vector.load %arg1[%get3A_467, %get3A_468] : memref<8192x64xbf16, #tpu.memory_space<vmem>>, vector<64x64xbf16>
    %dot_general3A_470 = arith.constant dense<0.000000e+00> : vector<256x64xf32>
    %dot_general3A_471 = tpu.matmul %convert_element_type3A_466, %get3A_469, %dot_general3A_470 {dimension_numbers = #tpu.dot_dimension_numbers<[1], [0], [0], [1], [0, 0, 1, 1], [], []>, transpose_lhs_hint = false} : vector<256x64xbf16>, vector<64x64xbf16>, vector<256x64xf32> -> vector<256x64xf32>
    %mul3A_472 = arith.mulf %dot_general3A_471, %sub3A_465 : vector<256x64xf32>
    %reduce_sum3A_473 = arith.constant dense<0.000000e+00> : vector<256xf32>
    %reduce_sum3A_474 = vector.multi_reduction <add>, %mul3A_472, %reduce_sum3A_473 [1] : vector<256x64xf32> to vector<256xf32>
    %broadcast_in_dim3A_475 = vector.shape_cast %reduce_sum3A_474 : vector<256xf32> to vector<256x1xf32>
    %get3A_476 = arith.constant 32 : index
    %get3A_477 = arith.constant 0 : index
    %get3A_478 = vector.load %arg3[%get3A_476, %get3A_477] : memref<128x64xf32, #tpu.memory_space<vmem>>, vector<1x64xf32>
    %sub3A_479 = vector.broadcast %get3A_478 : vector<1x64xf32> to vector<256x64xf32>
    %sub3A_480 = arith.subf %get3A_1, %sub3A_479 : vector<256x64xf32>
    %convert_element_type3A_481 = arith.truncf %sub3A_480 : vector<256x64xf32> to vector<256x64xbf16>
    %get3A_482 = arith.constant 2048 : index
    %get3A_483 = arith.constant 0 : index
    %get3A_484 = vector.load %arg1[%get3A_482, %get3A_483] : memref<8192x64xbf16, #tpu.memory_space<vmem>>, vector<64x64xbf16>
    %dot_general3A_485 = arith.constant dense<0.000000e+00> : vector<256x64xf32>
    %dot_general3A_486 = tpu.matmul %convert_element_type3A_481, %get3A_484, %dot_general3A_485 {dimension_numbers = #tpu.dot_dimension_numbers<[1], [0], [0], [1], [0, 0, 1, 1], [], []>, transpose_lhs_hint = false} : vector<256x64xbf16>, vector<64x64xbf16>, vector<256x64xf32> -> vector<256x64xf32>
    %mul3A_487 = arith.mulf %dot_general3A_486, %sub3A_480 : vector<256x64xf32>
    %reduce_sum3A_488 = arith.constant dense<0.000000e+00> : vector<256xf32>
    %reduce_sum3A_489 = vector.multi_reduction <add>, %mul3A_487, %reduce_sum3A_488 [1] : vector<256x64xf32> to vector<256xf32>
    %broadcast_in_dim3A_490 = vector.shape_cast %reduce_sum3A_489 : vector<256xf32> to vector<256x1xf32>
    %get3A_491 = arith.constant 33 : index
    %get3A_492 = arith.constant 0 : index
    %get3A_493 = vector.load %arg3[%get3A_491, %get3A_492] : memref<128x64xf32, #tpu.memory_space<vmem>>, vector<1x64xf32>
    %sub3A_494 = vector.broadcast %get3A_493 : vector<1x64xf32> to vector<256x64xf32>
    %sub3A_495 = arith.subf %get3A_1, %sub3A_494 : vector<256x64xf32>
    %convert_element_type3A_496 = arith.truncf %sub3A_495 : vector<256x64xf32> to vector<256x64xbf16>
    %get3A_497 = arith.constant 2112 : index
    %get3A_498 = arith.constant 0 : index
    %get3A_499 = vector.load %arg1[%get3A_497, %get3A_498] : memref<8192x64xbf16, #tpu.memory_space<vmem>>, vector<64x64xbf16>
    %dot_general3A_500 = arith.constant dense<0.000000e+00> : vector<256x64xf32>
    %dot_general3A_501 = tpu.matmul %convert_element_type3A_496, %get3A_499, %dot_general3A_500 {dimension_numbers = #tpu.dot_dimension_numbers<[1], [0], [0], [1], [0, 0, 1, 1], [], []>, transpose_lhs_hint = false} : vector<256x64xbf16>, vector<64x64xbf16>, vector<256x64xf32> -> vector<256x64xf32>
    %mul3A_502 = arith.mulf %dot_general3A_501, %sub3A_495 : vector<256x64xf32>
    %reduce_sum3A_503 = arith.constant dense<0.000000e+00> : vector<256xf32>
    %reduce_sum3A_504 = vector.multi_reduction <add>, %mul3A_502, %reduce_sum3A_503 [1] : vector<256x64xf32> to vector<256xf32>
    %broadcast_in_dim3A_505 = vector.shape_cast %reduce_sum3A_504 : vector<256xf32> to vector<256x1xf32>
    %get3A_506 = arith.constant 34 : index
    %get3A_507 = arith.constant 0 : index
    %get3A_508 = vector.load %arg3[%get3A_506, %get3A_507] : memref<128x64xf32, #tpu.memory_space<vmem>>, vector<1x64xf32>
    %sub3A_509 = vector.broadcast %get3A_508 : vector<1x64xf32> to vector<256x64xf32>
    %sub3A_510 = arith.subf %get3A_1, %sub3A_509 : vector<256x64xf32>
    %convert_element_type3A_511 = arith.truncf %sub3A_510 : vector<256x64xf32> to vector<256x64xbf16>
    %get3A_512 = arith.constant 2176 : index
    %get3A_513 = arith.constant 0 : index
    %get3A_514 = vector.load %arg1[%get3A_512, %get3A_513] : memref<8192x64xbf16, #tpu.memory_space<vmem>>, vector<64x64xbf16>
    %dot_general3A_515 = arith.constant dense<0.000000e+00> : vector<256x64xf32>
    %dot_general3A_516 = tpu.matmul %convert_element_type3A_511, %get3A_514, %dot_general3A_515 {dimension_numbers = #tpu.dot_dimension_numbers<[1], [0], [0], [1], [0, 0, 1, 1], [], []>, transpose_lhs_hint = false} : vector<256x64xbf16>, vector<64x64xbf16>, vector<256x64xf32> -> vector<256x64xf32>
    %mul3A_517 = arith.mulf %dot_general3A_516, %sub3A_510 : vector<256x64xf32>
    %reduce_sum3A_518 = arith.constant dense<0.000000e+00> : vector<256xf32>
    %reduce_sum3A_519 = vector.multi_reduction <add>, %mul3A_517, %reduce_sum3A_518 [1] : vector<256x64xf32> to vector<256xf32>
    %broadcast_in_dim3A_520 = vector.shape_cast %reduce_sum3A_519 : vector<256xf32> to vector<256x1xf32>
    %get3A_521 = arith.constant 35 : index
    %get3A_522 = arith.constant 0 : index
    %get3A_523 = vector.load %arg3[%get3A_521, %get3A_522] : memref<128x64xf32, #tpu.memory_space<vmem>>, vector<1x64xf32>
    %sub3A_524 = vector.broadcast %get3A_523 : vector<1x64xf32> to vector<256x64xf32>
    %sub3A_525 = arith.subf %get3A_1, %sub3A_524 : vector<256x64xf32>
    %convert_element_type3A_526 = arith.truncf %sub3A_525 : vector<256x64xf32> to vector<256x64xbf16>
    %get3A_527 = arith.constant 2240 : index
    %get3A_528 = arith.constant 0 : index
    %get3A_529 = vector.load %arg1[%get3A_527, %get3A_528] : memref<8192x64xbf16, #tpu.memory_space<vmem>>, vector<64x64xbf16>
    %dot_general3A_530 = arith.constant dense<0.000000e+00> : vector<256x64xf32>
    %dot_general3A_531 = tpu.matmul %convert_element_type3A_526, %get3A_529, %dot_general3A_530 {dimension_numbers = #tpu.dot_dimension_numbers<[1], [0], [0], [1], [0, 0, 1, 1], [], []>, transpose_lhs_hint = false} : vector<256x64xbf16>, vector<64x64xbf16>, vector<256x64xf32> -> vector<256x64xf32>
    %mul3A_532 = arith.mulf %dot_general3A_531, %sub3A_525 : vector<256x64xf32>
    %reduce_sum3A_533 = arith.constant dense<0.000000e+00> : vector<256xf32>
    %reduce_sum3A_534 = vector.multi_reduction <add>, %mul3A_532, %reduce_sum3A_533 [1] : vector<256x64xf32> to vector<256xf32>
    %broadcast_in_dim3A_535 = vector.shape_cast %reduce_sum3A_534 : vector<256xf32> to vector<256x1xf32>
    %get3A_536 = arith.constant 36 : index
    %get3A_537 = arith.constant 0 : index
    %get3A_538 = vector.load %arg3[%get3A_536, %get3A_537] : memref<128x64xf32, #tpu.memory_space<vmem>>, vector<1x64xf32>
    %sub3A_539 = vector.broadcast %get3A_538 : vector<1x64xf32> to vector<256x64xf32>
    %sub3A_540 = arith.subf %get3A_1, %sub3A_539 : vector<256x64xf32>
    %convert_element_type3A_541 = arith.truncf %sub3A_540 : vector<256x64xf32> to vector<256x64xbf16>
    %get3A_542 = arith.constant 2304 : index
    %get3A_543 = arith.constant 0 : index
    %get3A_544 = vector.load %arg1[%get3A_542, %get3A_543] : memref<8192x64xbf16, #tpu.memory_space<vmem>>, vector<64x64xbf16>
    %dot_general3A_545 = arith.constant dense<0.000000e+00> : vector<256x64xf32>
    %dot_general3A_546 = tpu.matmul %convert_element_type3A_541, %get3A_544, %dot_general3A_545 {dimension_numbers = #tpu.dot_dimension_numbers<[1], [0], [0], [1], [0, 0, 1, 1], [], []>, transpose_lhs_hint = false} : vector<256x64xbf16>, vector<64x64xbf16>, vector<256x64xf32> -> vector<256x64xf32>
    %mul3A_547 = arith.mulf %dot_general3A_546, %sub3A_540 : vector<256x64xf32>
    %reduce_sum3A_548 = arith.constant dense<0.000000e+00> : vector<256xf32>
    %reduce_sum3A_549 = vector.multi_reduction <add>, %mul3A_547, %reduce_sum3A_548 [1] : vector<256x64xf32> to vector<256xf32>
    %broadcast_in_dim3A_550 = vector.shape_cast %reduce_sum3A_549 : vector<256xf32> to vector<256x1xf32>
    %get3A_551 = arith.constant 37 : index
    %get3A_552 = arith.constant 0 : index
    %get3A_553 = vector.load %arg3[%get3A_551, %get3A_552] : memref<128x64xf32, #tpu.memory_space<vmem>>, vector<1x64xf32>
    %sub3A_554 = vector.broadcast %get3A_553 : vector<1x64xf32> to vector<256x64xf32>
    %sub3A_555 = arith.subf %get3A_1, %sub3A_554 : vector<256x64xf32>
    %convert_element_type3A_556 = arith.truncf %sub3A_555 : vector<256x64xf32> to vector<256x64xbf16>
    %get3A_557 = arith.constant 2368 : index
    %get3A_558 = arith.constant 0 : index
    %get3A_559 = vector.load %arg1[%get3A_557, %get3A_558] : memref<8192x64xbf16, #tpu.memory_space<vmem>>, vector<64x64xbf16>
    %dot_general3A_560 = arith.constant dense<0.000000e+00> : vector<256x64xf32>
    %dot_general3A_561 = tpu.matmul %convert_element_type3A_556, %get3A_559, %dot_general3A_560 {dimension_numbers = #tpu.dot_dimension_numbers<[1], [0], [0], [1], [0, 0, 1, 1], [], []>, transpose_lhs_hint = false} : vector<256x64xbf16>, vector<64x64xbf16>, vector<256x64xf32> -> vector<256x64xf32>
    %mul3A_562 = arith.mulf %dot_general3A_561, %sub3A_555 : vector<256x64xf32>
    %reduce_sum3A_563 = arith.constant dense<0.000000e+00> : vector<256xf32>
    %reduce_sum3A_564 = vector.multi_reduction <add>, %mul3A_562, %reduce_sum3A_563 [1] : vector<256x64xf32> to vector<256xf32>
    %broadcast_in_dim3A_565 = vector.shape_cast %reduce_sum3A_564 : vector<256xf32> to vector<256x1xf32>
    %get3A_566 = arith.constant 38 : index
    %get3A_567 = arith.constant 0 : index
    %get3A_568 = vector.load %arg3[%get3A_566, %get3A_567] : memref<128x64xf32, #tpu.memory_space<vmem>>, vector<1x64xf32>
    %sub3A_569 = vector.broadcast %get3A_568 : vector<1x64xf32> to vector<256x64xf32>
    %sub3A_570 = arith.subf %get3A_1, %sub3A_569 : vector<256x64xf32>
    %convert_element_type3A_571 = arith.truncf %sub3A_570 : vector<256x64xf32> to vector<256x64xbf16>
    %get3A_572 = arith.constant 2432 : index
    %get3A_573 = arith.constant 0 : index
    %get3A_574 = vector.load %arg1[%get3A_572, %get3A_573] : memref<8192x64xbf16, #tpu.memory_space<vmem>>, vector<64x64xbf16>
    %dot_general3A_575 = arith.constant dense<0.000000e+00> : vector<256x64xf32>
    %dot_general3A_576 = tpu.matmul %convert_element_type3A_571, %get3A_574, %dot_general3A_575 {dimension_numbers = #tpu.dot_dimension_numbers<[1], [0], [0], [1], [0, 0, 1, 1], [], []>, transpose_lhs_hint = false} : vector<256x64xbf16>, vector<64x64xbf16>, vector<256x64xf32> -> vector<256x64xf32>
    %mul3A_577 = arith.mulf %dot_general3A_576, %sub3A_570 : vector<256x64xf32>
    %reduce_sum3A_578 = arith.constant dense<0.000000e+00> : vector<256xf32>
    %reduce_sum3A_579 = vector.multi_reduction <add>, %mul3A_577, %reduce_sum3A_578 [1] : vector<256x64xf32> to vector<256xf32>
    %broadcast_in_dim3A_580 = vector.shape_cast %reduce_sum3A_579 : vector<256xf32> to vector<256x1xf32>
    %get3A_581 = arith.constant 39 : index
    %get3A_582 = arith.constant 0 : index
    %get3A_583 = vector.load %arg3[%get3A_581, %get3A_582] : memref<128x64xf32, #tpu.memory_space<vmem>>, vector<1x64xf32>
    %sub3A_584 = vector.broadcast %get3A_583 : vector<1x64xf32> to vector<256x64xf32>
    %sub3A_585 = arith.subf %get3A_1, %sub3A_584 : vector<256x64xf32>
    %convert_element_type3A_586 = arith.truncf %sub3A_585 : vector<256x64xf32> to vector<256x64xbf16>
    %get3A_587 = arith.constant 2496 : index
    %get3A_588 = arith.constant 0 : index
    %get3A_589 = vector.load %arg1[%get3A_587, %get3A_588] : memref<8192x64xbf16, #tpu.memory_space<vmem>>, vector<64x64xbf16>
    %dot_general3A_590 = arith.constant dense<0.000000e+00> : vector<256x64xf32>
    %dot_general3A_591 = tpu.matmul %convert_element_type3A_586, %get3A_589, %dot_general3A_590 {dimension_numbers = #tpu.dot_dimension_numbers<[1], [0], [0], [1], [0, 0, 1, 1], [], []>, transpose_lhs_hint = false} : vector<256x64xbf16>, vector<64x64xbf16>, vector<256x64xf32> -> vector<256x64xf32>
    %mul3A_592 = arith.mulf %dot_general3A_591, %sub3A_585 : vector<256x64xf32>
    %reduce_sum3A_593 = arith.constant dense<0.000000e+00> : vector<256xf32>
    %reduce_sum3A_594 = vector.multi_reduction <add>, %mul3A_592, %reduce_sum3A_593 [1] : vector<256x64xf32> to vector<256xf32>
    %broadcast_in_dim3A_595 = vector.shape_cast %reduce_sum3A_594 : vector<256xf32> to vector<256x1xf32>
    %get3A_596 = arith.constant 40 : index
    %get3A_597 = arith.constant 0 : index
    %get3A_598 = vector.load %arg3[%get3A_596, %get3A_597] : memref<128x64xf32, #tpu.memory_space<vmem>>, vector<1x64xf32>
    %sub3A_599 = vector.broadcast %get3A_598 : vector<1x64xf32> to vector<256x64xf32>
    %sub3A_600 = arith.subf %get3A_1, %sub3A_599 : vector<256x64xf32>
    %convert_element_type3A_601 = arith.truncf %sub3A_600 : vector<256x64xf32> to vector<256x64xbf16>
    %get3A_602 = arith.constant 2560 : index
    %get3A_603 = arith.constant 0 : index
    %get3A_604 = vector.load %arg1[%get3A_602, %get3A_603] : memref<8192x64xbf16, #tpu.memory_space<vmem>>, vector<64x64xbf16>
    %dot_general3A_605 = arith.constant dense<0.000000e+00> : vector<256x64xf32>
    %dot_general3A_606 = tpu.matmul %convert_element_type3A_601, %get3A_604, %dot_general3A_605 {dimension_numbers = #tpu.dot_dimension_numbers<[1], [0], [0], [1], [0, 0, 1, 1], [], []>, transpose_lhs_hint = false} : vector<256x64xbf16>, vector<64x64xbf16>, vector<256x64xf32> -> vector<256x64xf32>
    %mul3A_607 = arith.mulf %dot_general3A_606, %sub3A_600 : vector<256x64xf32>
    %reduce_sum3A_608 = arith.constant dense<0.000000e+00> : vector<256xf32>
    %reduce_sum3A_609 = vector.multi_reduction <add>, %mul3A_607, %reduce_sum3A_608 [1] : vector<256x64xf32> to vector<256xf32>
    %broadcast_in_dim3A_610 = vector.shape_cast %reduce_sum3A_609 : vector<256xf32> to vector<256x1xf32>
    %get3A_611 = arith.constant 41 : index
    %get3A_612 = arith.constant 0 : index
    %get3A_613 = vector.load %arg3[%get3A_611, %get3A_612] : memref<128x64xf32, #tpu.memory_space<vmem>>, vector<1x64xf32>
    %sub3A_614 = vector.broadcast %get3A_613 : vector<1x64xf32> to vector<256x64xf32>
    %sub3A_615 = arith.subf %get3A_1, %sub3A_614 : vector<256x64xf32>
    %convert_element_type3A_616 = arith.truncf %sub3A_615 : vector<256x64xf32> to vector<256x64xbf16>
    %get3A_617 = arith.constant 2624 : index
    %get3A_618 = arith.constant 0 : index
    %get3A_619 = vector.load %arg1[%get3A_617, %get3A_618] : memref<8192x64xbf16, #tpu.memory_space<vmem>>, vector<64x64xbf16>
    %dot_general3A_620 = arith.constant dense<0.000000e+00> : vector<256x64xf32>
    %dot_general3A_621 = tpu.matmul %convert_element_type3A_616, %get3A_619, %dot_general3A_620 {dimension_numbers = #tpu.dot_dimension_numbers<[1], [0], [0], [1], [0, 0, 1, 1], [], []>, transpose_lhs_hint = false} : vector<256x64xbf16>, vector<64x64xbf16>, vector<256x64xf32> -> vector<256x64xf32>
    %mul3A_622 = arith.mulf %dot_general3A_621, %sub3A_615 : vector<256x64xf32>
    %reduce_sum3A_623 = arith.constant dense<0.000000e+00> : vector<256xf32>
    %reduce_sum3A_624 = vector.multi_reduction <add>, %mul3A_622, %reduce_sum3A_623 [1] : vector<256x64xf32> to vector<256xf32>
    %broadcast_in_dim3A_625 = vector.shape_cast %reduce_sum3A_624 : vector<256xf32> to vector<256x1xf32>
    %get3A_626 = arith.constant 42 : index
    %get3A_627 = arith.constant 0 : index
    %get3A_628 = vector.load %arg3[%get3A_626, %get3A_627] : memref<128x64xf32, #tpu.memory_space<vmem>>, vector<1x64xf32>
    %sub3A_629 = vector.broadcast %get3A_628 : vector<1x64xf32> to vector<256x64xf32>
    %sub3A_630 = arith.subf %get3A_1, %sub3A_629 : vector<256x64xf32>
    %convert_element_type3A_631 = arith.truncf %sub3A_630 : vector<256x64xf32> to vector<256x64xbf16>
    %get3A_632 = arith.constant 2688 : index
    %get3A_633 = arith.constant 0 : index
    %get3A_634 = vector.load %arg1[%get3A_632, %get3A_633] : memref<8192x64xbf16, #tpu.memory_space<vmem>>, vector<64x64xbf16>
    %dot_general3A_635 = arith.constant dense<0.000000e+00> : vector<256x64xf32>
    %dot_general3A_636 = tpu.matmul %convert_element_type3A_631, %get3A_634, %dot_general3A_635 {dimension_numbers = #tpu.dot_dimension_numbers<[1], [0], [0], [1], [0, 0, 1, 1], [], []>, transpose_lhs_hint = false} : vector<256x64xbf16>, vector<64x64xbf16>, vector<256x64xf32> -> vector<256x64xf32>
    %mul3A_637 = arith.mulf %dot_general3A_636, %sub3A_630 : vector<256x64xf32>
    %reduce_sum3A_638 = arith.constant dense<0.000000e+00> : vector<256xf32>
    %reduce_sum3A_639 = vector.multi_reduction <add>, %mul3A_637, %reduce_sum3A_638 [1] : vector<256x64xf32> to vector<256xf32>
    %broadcast_in_dim3A_640 = vector.shape_cast %reduce_sum3A_639 : vector<256xf32> to vector<256x1xf32>
    %get3A_641 = arith.constant 43 : index
    %get3A_642 = arith.constant 0 : index
    %get3A_643 = vector.load %arg3[%get3A_641, %get3A_642] : memref<128x64xf32, #tpu.memory_space<vmem>>, vector<1x64xf32>
    %sub3A_644 = vector.broadcast %get3A_643 : vector<1x64xf32> to vector<256x64xf32>
    %sub3A_645 = arith.subf %get3A_1, %sub3A_644 : vector<256x64xf32>
    %convert_element_type3A_646 = arith.truncf %sub3A_645 : vector<256x64xf32> to vector<256x64xbf16>
    %get3A_647 = arith.constant 2752 : index
    %get3A_648 = arith.constant 0 : index
    %get3A_649 = vector.load %arg1[%get3A_647, %get3A_648] : memref<8192x64xbf16, #tpu.memory_space<vmem>>, vector<64x64xbf16>
    %dot_general3A_650 = arith.constant dense<0.000000e+00> : vector<256x64xf32>
    %dot_general3A_651 = tpu.matmul %convert_element_type3A_646, %get3A_649, %dot_general3A_650 {dimension_numbers = #tpu.dot_dimension_numbers<[1], [0], [0], [1], [0, 0, 1, 1], [], []>, transpose_lhs_hint = false} : vector<256x64xbf16>, vector<64x64xbf16>, vector<256x64xf32> -> vector<256x64xf32>
    %mul3A_652 = arith.mulf %dot_general3A_651, %sub3A_645 : vector<256x64xf32>
    %reduce_sum3A_653 = arith.constant dense<0.000000e+00> : vector<256xf32>
    %reduce_sum3A_654 = vector.multi_reduction <add>, %mul3A_652, %reduce_sum3A_653 [1] : vector<256x64xf32> to vector<256xf32>
    %broadcast_in_dim3A_655 = vector.shape_cast %reduce_sum3A_654 : vector<256xf32> to vector<256x1xf32>
    %get3A_656 = arith.constant 44 : index
    %get3A_657 = arith.constant 0 : index
    %get3A_658 = vector.load %arg3[%get3A_656, %get3A_657] : memref<128x64xf32, #tpu.memory_space<vmem>>, vector<1x64xf32>
    %sub3A_659 = vector.broadcast %get3A_658 : vector<1x64xf32> to vector<256x64xf32>
    %sub3A_660 = arith.subf %get3A_1, %sub3A_659 : vector<256x64xf32>
    %convert_element_type3A_661 = arith.truncf %sub3A_660 : vector<256x64xf32> to vector<256x64xbf16>
    %get3A_662 = arith.constant 2816 : index
    %get3A_663 = arith.constant 0 : index
    %get3A_664 = vector.load %arg1[%get3A_662, %get3A_663] : memref<8192x64xbf16, #tpu.memory_space<vmem>>, vector<64x64xbf16>
    %dot_general3A_665 = arith.constant dense<0.000000e+00> : vector<256x64xf32>
    %dot_general3A_666 = tpu.matmul %convert_element_type3A_661, %get3A_664, %dot_general3A_665 {dimension_numbers = #tpu.dot_dimension_numbers<[1], [0], [0], [1], [0, 0, 1, 1], [], []>, transpose_lhs_hint = false} : vector<256x64xbf16>, vector<64x64xbf16>, vector<256x64xf32> -> vector<256x64xf32>
    %mul3A_667 = arith.mulf %dot_general3A_666, %sub3A_660 : vector<256x64xf32>
    %reduce_sum3A_668 = arith.constant dense<0.000000e+00> : vector<256xf32>
    %reduce_sum3A_669 = vector.multi_reduction <add>, %mul3A_667, %reduce_sum3A_668 [1] : vector<256x64xf32> to vector<256xf32>
    %broadcast_in_dim3A_670 = vector.shape_cast %reduce_sum3A_669 : vector<256xf32> to vector<256x1xf32>
    %get3A_671 = arith.constant 45 : index
    %get3A_672 = arith.constant 0 : index
    %get3A_673 = vector.load %arg3[%get3A_671, %get3A_672] : memref<128x64xf32, #tpu.memory_space<vmem>>, vector<1x64xf32>
    %sub3A_674 = vector.broadcast %get3A_673 : vector<1x64xf32> to vector<256x64xf32>
    %sub3A_675 = arith.subf %get3A_1, %sub3A_674 : vector<256x64xf32>
    %convert_element_type3A_676 = arith.truncf %sub3A_675 : vector<256x64xf32> to vector<256x64xbf16>
    %get3A_677 = arith.constant 2880 : index
    %get3A_678 = arith.constant 0 : index
    %get3A_679 = vector.load %arg1[%get3A_677, %get3A_678] : memref<8192x64xbf16, #tpu.memory_space<vmem>>, vector<64x64xbf16>
    %dot_general3A_680 = arith.constant dense<0.000000e+00> : vector<256x64xf32>
    %dot_general3A_681 = tpu.matmul %convert_element_type3A_676, %get3A_679, %dot_general3A_680 {dimension_numbers = #tpu.dot_dimension_numbers<[1], [0], [0], [1], [0, 0, 1, 1], [], []>, transpose_lhs_hint = false} : vector<256x64xbf16>, vector<64x64xbf16>, vector<256x64xf32> -> vector<256x64xf32>
    %mul3A_682 = arith.mulf %dot_general3A_681, %sub3A_675 : vector<256x64xf32>
    %reduce_sum3A_683 = arith.constant dense<0.000000e+00> : vector<256xf32>
    %reduce_sum3A_684 = vector.multi_reduction <add>, %mul3A_682, %reduce_sum3A_683 [1] : vector<256x64xf32> to vector<256xf32>
    %broadcast_in_dim3A_685 = vector.shape_cast %reduce_sum3A_684 : vector<256xf32> to vector<256x1xf32>
    %get3A_686 = arith.constant 46 : index
    %get3A_687 = arith.constant 0 : index
    %get3A_688 = vector.load %arg3[%get3A_686, %get3A_687] : memref<128x64xf32, #tpu.memory_space<vmem>>, vector<1x64xf32>
    %sub3A_689 = vector.broadcast %get3A_688 : vector<1x64xf32> to vector<256x64xf32>
    %sub3A_690 = arith.subf %get3A_1, %sub3A_689 : vector<256x64xf32>
    %convert_element_type3A_691 = arith.truncf %sub3A_690 : vector<256x64xf32> to vector<256x64xbf16>
    %get3A_692 = arith.constant 2944 : index
    %get3A_693 = arith.constant 0 : index
    %get3A_694 = vector.load %arg1[%get3A_692, %get3A_693] : memref<8192x64xbf16, #tpu.memory_space<vmem>>, vector<64x64xbf16>
    %dot_general3A_695 = arith.constant dense<0.000000e+00> : vector<256x64xf32>
    %dot_general3A_696 = tpu.matmul %convert_element_type3A_691, %get3A_694, %dot_general3A_695 {dimension_numbers = #tpu.dot_dimension_numbers<[1], [0], [0], [1], [0, 0, 1, 1], [], []>, transpose_lhs_hint = false} : vector<256x64xbf16>, vector<64x64xbf16>, vector<256x64xf32> -> vector<256x64xf32>
    %mul3A_697 = arith.mulf %dot_general3A_696, %sub3A_690 : vector<256x64xf32>
    %reduce_sum3A_698 = arith.constant dense<0.000000e+00> : vector<256xf32>
    %reduce_sum3A_699 = vector.multi_reduction <add>, %mul3A_697, %reduce_sum3A_698 [1] : vector<256x64xf32> to vector<256xf32>
    %broadcast_in_dim3A_700 = vector.shape_cast %reduce_sum3A_699 : vector<256xf32> to vector<256x1xf32>
    %get3A_701 = arith.constant 47 : index
    %get3A_702 = arith.constant 0 : index
    %get3A_703 = vector.load %arg3[%get3A_701, %get3A_702] : memref<128x64xf32, #tpu.memory_space<vmem>>, vector<1x64xf32>
    %sub3A_704 = vector.broadcast %get3A_703 : vector<1x64xf32> to vector<256x64xf32>
    %sub3A_705 = arith.subf %get3A_1, %sub3A_704 : vector<256x64xf32>
    %convert_element_type3A_706 = arith.truncf %sub3A_705 : vector<256x64xf32> to vector<256x64xbf16>
    %get3A_707 = arith.constant 3008 : index
    %get3A_708 = arith.constant 0 : index
    %get3A_709 = vector.load %arg1[%get3A_707, %get3A_708] : memref<8192x64xbf16, #tpu.memory_space<vmem>>, vector<64x64xbf16>
    %dot_general3A_710 = arith.constant dense<0.000000e+00> : vector<256x64xf32>
    %dot_general3A_711 = tpu.matmul %convert_element_type3A_706, %get3A_709, %dot_general3A_710 {dimension_numbers = #tpu.dot_dimension_numbers<[1], [0], [0], [1], [0, 0, 1, 1], [], []>, transpose_lhs_hint = false} : vector<256x64xbf16>, vector<64x64xbf16>, vector<256x64xf32> -> vector<256x64xf32>
    %mul3A_712 = arith.mulf %dot_general3A_711, %sub3A_705 : vector<256x64xf32>
    %reduce_sum3A_713 = arith.constant dense<0.000000e+00> : vector<256xf32>
    %reduce_sum3A_714 = vector.multi_reduction <add>, %mul3A_712, %reduce_sum3A_713 [1] : vector<256x64xf32> to vector<256xf32>
    %broadcast_in_dim3A_715 = vector.shape_cast %reduce_sum3A_714 : vector<256xf32> to vector<256x1xf32>
    %get3A_716 = arith.constant 48 : index
    %get3A_717 = arith.constant 0 : index
    %get3A_718 = vector.load %arg3[%get3A_716, %get3A_717] : memref<128x64xf32, #tpu.memory_space<vmem>>, vector<1x64xf32>
    %sub3A_719 = vector.broadcast %get3A_718 : vector<1x64xf32> to vector<256x64xf32>
    %sub3A_720 = arith.subf %get3A_1, %sub3A_719 : vector<256x64xf32>
    %convert_element_type3A_721 = arith.truncf %sub3A_720 : vector<256x64xf32> to vector<256x64xbf16>
    %get3A_722 = arith.constant 3072 : index
    %get3A_723 = arith.constant 0 : index
    %get3A_724 = vector.load %arg1[%get3A_722, %get3A_723] : memref<8192x64xbf16, #tpu.memory_space<vmem>>, vector<64x64xbf16>
    %dot_general3A_725 = arith.constant dense<0.000000e+00> : vector<256x64xf32>
    %dot_general3A_726 = tpu.matmul %convert_element_type3A_721, %get3A_724, %dot_general3A_725 {dimension_numbers = #tpu.dot_dimension_numbers<[1], [0], [0], [1], [0, 0, 1, 1], [], []>, transpose_lhs_hint = false} : vector<256x64xbf16>, vector<64x64xbf16>, vector<256x64xf32> -> vector<256x64xf32>
    %mul3A_727 = arith.mulf %dot_general3A_726, %sub3A_720 : vector<256x64xf32>
    %reduce_sum3A_728 = arith.constant dense<0.000000e+00> : vector<256xf32>
    %reduce_sum3A_729 = vector.multi_reduction <add>, %mul3A_727, %reduce_sum3A_728 [1] : vector<256x64xf32> to vector<256xf32>
    %broadcast_in_dim3A_730 = vector.shape_cast %reduce_sum3A_729 : vector<256xf32> to vector<256x1xf32>
    %get3A_731 = arith.constant 49 : index
    %get3A_732 = arith.constant 0 : index
    %get3A_733 = vector.load %arg3[%get3A_731, %get3A_732] : memref<128x64xf32, #tpu.memory_space<vmem>>, vector<1x64xf32>
    %sub3A_734 = vector.broadcast %get3A_733 : vector<1x64xf32> to vector<256x64xf32>
    %sub3A_735 = arith.subf %get3A_1, %sub3A_734 : vector<256x64xf32>
    %convert_element_type3A_736 = arith.truncf %sub3A_735 : vector<256x64xf32> to vector<256x64xbf16>
    %get3A_737 = arith.constant 3136 : index
    %get3A_738 = arith.constant 0 : index
    %get3A_739 = vector.load %arg1[%get3A_737, %get3A_738] : memref<8192x64xbf16, #tpu.memory_space<vmem>>, vector<64x64xbf16>
    %dot_general3A_740 = arith.constant dense<0.000000e+00> : vector<256x64xf32>
    %dot_general3A_741 = tpu.matmul %convert_element_type3A_736, %get3A_739, %dot_general3A_740 {dimension_numbers = #tpu.dot_dimension_numbers<[1], [0], [0], [1], [0, 0, 1, 1], [], []>, transpose_lhs_hint = false} : vector<256x64xbf16>, vector<64x64xbf16>, vector<256x64xf32> -> vector<256x64xf32>
    %mul3A_742 = arith.mulf %dot_general3A_741, %sub3A_735 : vector<256x64xf32>
    %reduce_sum3A_743 = arith.constant dense<0.000000e+00> : vector<256xf32>
    %reduce_sum3A_744 = vector.multi_reduction <add>, %mul3A_742, %reduce_sum3A_743 [1] : vector<256x64xf32> to vector<256xf32>
    %broadcast_in_dim3A_745 = vector.shape_cast %reduce_sum3A_744 : vector<256xf32> to vector<256x1xf32>
    %get3A_746 = arith.constant 50 : index
    %get3A_747 = arith.constant 0 : index
    %get3A_748 = vector.load %arg3[%get3A_746, %get3A_747] : memref<128x64xf32, #tpu.memory_space<vmem>>, vector<1x64xf32>
    %sub3A_749 = vector.broadcast %get3A_748 : vector<1x64xf32> to vector<256x64xf32>
    %sub3A_750 = arith.subf %get3A_1, %sub3A_749 : vector<256x64xf32>
    %convert_element_type3A_751 = arith.truncf %sub3A_750 : vector<256x64xf32> to vector<256x64xbf16>
    %get3A_752 = arith.constant 3200 : index
    %get3A_753 = arith.constant 0 : index
    %get3A_754 = vector.load %arg1[%get3A_752, %get3A_753] : memref<8192x64xbf16, #tpu.memory_space<vmem>>, vector<64x64xbf16>
    %dot_general3A_755 = arith.constant dense<0.000000e+00> : vector<256x64xf32>
    %dot_general3A_756 = tpu.matmul %convert_element_type3A_751, %get3A_754, %dot_general3A_755 {dimension_numbers = #tpu.dot_dimension_numbers<[1], [0], [0], [1], [0, 0, 1, 1], [], []>, transpose_lhs_hint = false} : vector<256x64xbf16>, vector<64x64xbf16>, vector<256x64xf32> -> vector<256x64xf32>
    %mul3A_757 = arith.mulf %dot_general3A_756, %sub3A_750 : vector<256x64xf32>
    %reduce_sum3A_758 = arith.constant dense<0.000000e+00> : vector<256xf32>
    %reduce_sum3A_759 = vector.multi_reduction <add>, %mul3A_757, %reduce_sum3A_758 [1] : vector<256x64xf32> to vector<256xf32>
    %broadcast_in_dim3A_760 = vector.shape_cast %reduce_sum3A_759 : vector<256xf32> to vector<256x1xf32>
    %get3A_761 = arith.constant 51 : index
    %get3A_762 = arith.constant 0 : index
    %get3A_763 = vector.load %arg3[%get3A_761, %get3A_762] : memref<128x64xf32, #tpu.memory_space<vmem>>, vector<1x64xf32>
    %sub3A_764 = vector.broadcast %get3A_763 : vector<1x64xf32> to vector<256x64xf32>
    %sub3A_765 = arith.subf %get3A_1, %sub3A_764 : vector<256x64xf32>
    %convert_element_type3A_766 = arith.truncf %sub3A_765 : vector<256x64xf32> to vector<256x64xbf16>
    %get3A_767 = arith.constant 3264 : index
    %get3A_768 = arith.constant 0 : index
    %get3A_769 = vector.load %arg1[%get3A_767, %get3A_768] : memref<8192x64xbf16, #tpu.memory_space<vmem>>, vector<64x64xbf16>
    %dot_general3A_770 = arith.constant dense<0.000000e+00> : vector<256x64xf32>
    %dot_general3A_771 = tpu.matmul %convert_element_type3A_766, %get3A_769, %dot_general3A_770 {dimension_numbers = #tpu.dot_dimension_numbers<[1], [0], [0], [1], [0, 0, 1, 1], [], []>, transpose_lhs_hint = false} : vector<256x64xbf16>, vector<64x64xbf16>, vector<256x64xf32> -> vector<256x64xf32>
    %mul3A_772 = arith.mulf %dot_general3A_771, %sub3A_765 : vector<256x64xf32>
    %reduce_sum3A_773 = arith.constant dense<0.000000e+00> : vector<256xf32>
    %reduce_sum3A_774 = vector.multi_reduction <add>, %mul3A_772, %reduce_sum3A_773 [1] : vector<256x64xf32> to vector<256xf32>
    %broadcast_in_dim3A_775 = vector.shape_cast %reduce_sum3A_774 : vector<256xf32> to vector<256x1xf32>
    %get3A_776 = arith.constant 52 : index
    %get3A_777 = arith.constant 0 : index
    %get3A_778 = vector.load %arg3[%get3A_776, %get3A_777] : memref<128x64xf32, #tpu.memory_space<vmem>>, vector<1x64xf32>
    %sub3A_779 = vector.broadcast %get3A_778 : vector<1x64xf32> to vector<256x64xf32>
    %sub3A_780 = arith.subf %get3A_1, %sub3A_779 : vector<256x64xf32>
    %convert_element_type3A_781 = arith.truncf %sub3A_780 : vector<256x64xf32> to vector<256x64xbf16>
    %get3A_782 = arith.constant 3328 : index
    %get3A_783 = arith.constant 0 : index
    %get3A_784 = vector.load %arg1[%get3A_782, %get3A_783] : memref<8192x64xbf16, #tpu.memory_space<vmem>>, vector<64x64xbf16>
    %dot_general3A_785 = arith.constant dense<0.000000e+00> : vector<256x64xf32>
    %dot_general3A_786 = tpu.matmul %convert_element_type3A_781, %get3A_784, %dot_general3A_785 {dimension_numbers = #tpu.dot_dimension_numbers<[1], [0], [0], [1], [0, 0, 1, 1], [], []>, transpose_lhs_hint = false} : vector<256x64xbf16>, vector<64x64xbf16>, vector<256x64xf32> -> vector<256x64xf32>
    %mul3A_787 = arith.mulf %dot_general3A_786, %sub3A_780 : vector<256x64xf32>
    %reduce_sum3A_788 = arith.constant dense<0.000000e+00> : vector<256xf32>
    %reduce_sum3A_789 = vector.multi_reduction <add>, %mul3A_787, %reduce_sum3A_788 [1] : vector<256x64xf32> to vector<256xf32>
    %broadcast_in_dim3A_790 = vector.shape_cast %reduce_sum3A_789 : vector<256xf32> to vector<256x1xf32>
    %get3A_791 = arith.constant 53 : index
    %get3A_792 = arith.constant 0 : index
    %get3A_793 = vector.load %arg3[%get3A_791, %get3A_792] : memref<128x64xf32, #tpu.memory_space<vmem>>, vector<1x64xf32>
    %sub3A_794 = vector.broadcast %get3A_793 : vector<1x64xf32> to vector<256x64xf32>
    %sub3A_795 = arith.subf %get3A_1, %sub3A_794 : vector<256x64xf32>
    %convert_element_type3A_796 = arith.truncf %sub3A_795 : vector<256x64xf32> to vector<256x64xbf16>
    %get3A_797 = arith.constant 3392 : index
    %get3A_798 = arith.constant 0 : index
    %get3A_799 = vector.load %arg1[%get3A_797, %get3A_798] : memref<8192x64xbf16, #tpu.memory_space<vmem>>, vector<64x64xbf16>
    %dot_general3A_800 = arith.constant dense<0.000000e+00> : vector<256x64xf32>
    %dot_general3A_801 = tpu.matmul %convert_element_type3A_796, %get3A_799, %dot_general3A_800 {dimension_numbers = #tpu.dot_dimension_numbers<[1], [0], [0], [1], [0, 0, 1, 1], [], []>, transpose_lhs_hint = false} : vector<256x64xbf16>, vector<64x64xbf16>, vector<256x64xf32> -> vector<256x64xf32>
    %mul3A_802 = arith.mulf %dot_general3A_801, %sub3A_795 : vector<256x64xf32>
    %reduce_sum3A_803 = arith.constant dense<0.000000e+00> : vector<256xf32>
    %reduce_sum3A_804 = vector.multi_reduction <add>, %mul3A_802, %reduce_sum3A_803 [1] : vector<256x64xf32> to vector<256xf32>
    %broadcast_in_dim3A_805 = vector.shape_cast %reduce_sum3A_804 : vector<256xf32> to vector<256x1xf32>
    %get3A_806 = arith.constant 54 : index
    %get3A_807 = arith.constant 0 : index
    %get3A_808 = vector.load %arg3[%get3A_806, %get3A_807] : memref<128x64xf32, #tpu.memory_space<vmem>>, vector<1x64xf32>
    %sub3A_809 = vector.broadcast %get3A_808 : vector<1x64xf32> to vector<256x64xf32>
    %sub3A_810 = arith.subf %get3A_1, %sub3A_809 : vector<256x64xf32>
    %convert_element_type3A_811 = arith.truncf %sub3A_810 : vector<256x64xf32> to vector<256x64xbf16>
    %get3A_812 = arith.constant 3456 : index
    %get3A_813 = arith.constant 0 : index
    %get3A_814 = vector.load %arg1[%get3A_812, %get3A_813] : memref<8192x64xbf16, #tpu.memory_space<vmem>>, vector<64x64xbf16>
    %dot_general3A_815 = arith.constant dense<0.000000e+00> : vector<256x64xf32>
    %dot_general3A_816 = tpu.matmul %convert_element_type3A_811, %get3A_814, %dot_general3A_815 {dimension_numbers = #tpu.dot_dimension_numbers<[1], [0], [0], [1], [0, 0, 1, 1], [], []>, transpose_lhs_hint = false} : vector<256x64xbf16>, vector<64x64xbf16>, vector<256x64xf32> -> vector<256x64xf32>
    %mul3A_817 = arith.mulf %dot_general3A_816, %sub3A_810 : vector<256x64xf32>
    %reduce_sum3A_818 = arith.constant dense<0.000000e+00> : vector<256xf32>
    %reduce_sum3A_819 = vector.multi_reduction <add>, %mul3A_817, %reduce_sum3A_818 [1] : vector<256x64xf32> to vector<256xf32>
    %broadcast_in_dim3A_820 = vector.shape_cast %reduce_sum3A_819 : vector<256xf32> to vector<256x1xf32>
    %get3A_821 = arith.constant 55 : index
    %get3A_822 = arith.constant 0 : index
    %get3A_823 = vector.load %arg3[%get3A_821, %get3A_822] : memref<128x64xf32, #tpu.memory_space<vmem>>, vector<1x64xf32>
    %sub3A_824 = vector.broadcast %get3A_823 : vector<1x64xf32> to vector<256x64xf32>
    %sub3A_825 = arith.subf %get3A_1, %sub3A_824 : vector<256x64xf32>
    %convert_element_type3A_826 = arith.truncf %sub3A_825 : vector<256x64xf32> to vector<256x64xbf16>
    %get3A_827 = arith.constant 3520 : index
    %get3A_828 = arith.constant 0 : index
    %get3A_829 = vector.load %arg1[%get3A_827, %get3A_828] : memref<8192x64xbf16, #tpu.memory_space<vmem>>, vector<64x64xbf16>
    %dot_general3A_830 = arith.constant dense<0.000000e+00> : vector<256x64xf32>
    %dot_general3A_831 = tpu.matmul %convert_element_type3A_826, %get3A_829, %dot_general3A_830 {dimension_numbers = #tpu.dot_dimension_numbers<[1], [0], [0], [1], [0, 0, 1, 1], [], []>, transpose_lhs_hint = false} : vector<256x64xbf16>, vector<64x64xbf16>, vector<256x64xf32> -> vector<256x64xf32>
    %mul3A_832 = arith.mulf %dot_general3A_831, %sub3A_825 : vector<256x64xf32>
    %reduce_sum3A_833 = arith.constant dense<0.000000e+00> : vector<256xf32>
    %reduce_sum3A_834 = vector.multi_reduction <add>, %mul3A_832, %reduce_sum3A_833 [1] : vector<256x64xf32> to vector<256xf32>
    %broadcast_in_dim3A_835 = vector.shape_cast %reduce_sum3A_834 : vector<256xf32> to vector<256x1xf32>
    %get3A_836 = arith.constant 56 : index
    %get3A_837 = arith.constant 0 : index
    %get3A_838 = vector.load %arg3[%get3A_836, %get3A_837] : memref<128x64xf32, #tpu.memory_space<vmem>>, vector<1x64xf32>
    %sub3A_839 = vector.broadcast %get3A_838 : vector<1x64xf32> to vector<256x64xf32>
    %sub3A_840 = arith.subf %get3A_1, %sub3A_839 : vector<256x64xf32>
    %convert_element_type3A_841 = arith.truncf %sub3A_840 : vector<256x64xf32> to vector<256x64xbf16>
    %get3A_842 = arith.constant 3584 : index
    %get3A_843 = arith.constant 0 : index
    %get3A_844 = vector.load %arg1[%get3A_842, %get3A_843] : memref<8192x64xbf16, #tpu.memory_space<vmem>>, vector<64x64xbf16>
    %dot_general3A_845 = arith.constant dense<0.000000e+00> : vector<256x64xf32>
    %dot_general3A_846 = tpu.matmul %convert_element_type3A_841, %get3A_844, %dot_general3A_845 {dimension_numbers = #tpu.dot_dimension_numbers<[1], [0], [0], [1], [0, 0, 1, 1], [], []>, transpose_lhs_hint = false} : vector<256x64xbf16>, vector<64x64xbf16>, vector<256x64xf32> -> vector<256x64xf32>
    %mul3A_847 = arith.mulf %dot_general3A_846, %sub3A_840 : vector<256x64xf32>
    %reduce_sum3A_848 = arith.constant dense<0.000000e+00> : vector<256xf32>
    %reduce_sum3A_849 = vector.multi_reduction <add>, %mul3A_847, %reduce_sum3A_848 [1] : vector<256x64xf32> to vector<256xf32>
    %broadcast_in_dim3A_850 = vector.shape_cast %reduce_sum3A_849 : vector<256xf32> to vector<256x1xf32>
    %get3A_851 = arith.constant 57 : index
    %get3A_852 = arith.constant 0 : index
    %get3A_853 = vector.load %arg3[%get3A_851, %get3A_852] : memref<128x64xf32, #tpu.memory_space<vmem>>, vector<1x64xf32>
    %sub3A_854 = vector.broadcast %get3A_853 : vector<1x64xf32> to vector<256x64xf32>
    %sub3A_855 = arith.subf %get3A_1, %sub3A_854 : vector<256x64xf32>
    %convert_element_type3A_856 = arith.truncf %sub3A_855 : vector<256x64xf32> to vector<256x64xbf16>
    %get3A_857 = arith.constant 3648 : index
    %get3A_858 = arith.constant 0 : index
    %get3A_859 = vector.load %arg1[%get3A_857, %get3A_858] : memref<8192x64xbf16, #tpu.memory_space<vmem>>, vector<64x64xbf16>
    %dot_general3A_860 = arith.constant dense<0.000000e+00> : vector<256x64xf32>
    %dot_general3A_861 = tpu.matmul %convert_element_type3A_856, %get3A_859, %dot_general3A_860 {dimension_numbers = #tpu.dot_dimension_numbers<[1], [0], [0], [1], [0, 0, 1, 1], [], []>, transpose_lhs_hint = false} : vector<256x64xbf16>, vector<64x64xbf16>, vector<256x64xf32> -> vector<256x64xf32>
    %mul3A_862 = arith.mulf %dot_general3A_861, %sub3A_855 : vector<256x64xf32>
    %reduce_sum3A_863 = arith.constant dense<0.000000e+00> : vector<256xf32>
    %reduce_sum3A_864 = vector.multi_reduction <add>, %mul3A_862, %reduce_sum3A_863 [1] : vector<256x64xf32> to vector<256xf32>
    %broadcast_in_dim3A_865 = vector.shape_cast %reduce_sum3A_864 : vector<256xf32> to vector<256x1xf32>
    %get3A_866 = arith.constant 58 : index
    %get3A_867 = arith.constant 0 : index
    %get3A_868 = vector.load %arg3[%get3A_866, %get3A_867] : memref<128x64xf32, #tpu.memory_space<vmem>>, vector<1x64xf32>
    %sub3A_869 = vector.broadcast %get3A_868 : vector<1x64xf32> to vector<256x64xf32>
    %sub3A_870 = arith.subf %get3A_1, %sub3A_869 : vector<256x64xf32>
    %convert_element_type3A_871 = arith.truncf %sub3A_870 : vector<256x64xf32> to vector<256x64xbf16>
    %get3A_872 = arith.constant 3712 : index
    %get3A_873 = arith.constant 0 : index
    %get3A_874 = vector.load %arg1[%get3A_872, %get3A_873] : memref<8192x64xbf16, #tpu.memory_space<vmem>>, vector<64x64xbf16>
    %dot_general3A_875 = arith.constant dense<0.000000e+00> : vector<256x64xf32>
    %dot_general3A_876 = tpu.matmul %convert_element_type3A_871, %get3A_874, %dot_general3A_875 {dimension_numbers = #tpu.dot_dimension_numbers<[1], [0], [0], [1], [0, 0, 1, 1], [], []>, transpose_lhs_hint = false} : vector<256x64xbf16>, vector<64x64xbf16>, vector<256x64xf32> -> vector<256x64xf32>
    %mul3A_877 = arith.mulf %dot_general3A_876, %sub3A_870 : vector<256x64xf32>
    %reduce_sum3A_878 = arith.constant dense<0.000000e+00> : vector<256xf32>
    %reduce_sum3A_879 = vector.multi_reduction <add>, %mul3A_877, %reduce_sum3A_878 [1] : vector<256x64xf32> to vector<256xf32>
    %broadcast_in_dim3A_880 = vector.shape_cast %reduce_sum3A_879 : vector<256xf32> to vector<256x1xf32>
    %get3A_881 = arith.constant 59 : index
    %get3A_882 = arith.constant 0 : index
    %get3A_883 = vector.load %arg3[%get3A_881, %get3A_882] : memref<128x64xf32, #tpu.memory_space<vmem>>, vector<1x64xf32>
    %sub3A_884 = vector.broadcast %get3A_883 : vector<1x64xf32> to vector<256x64xf32>
    %sub3A_885 = arith.subf %get3A_1, %sub3A_884 : vector<256x64xf32>
    %convert_element_type3A_886 = arith.truncf %sub3A_885 : vector<256x64xf32> to vector<256x64xbf16>
    %get3A_887 = arith.constant 3776 : index
    %get3A_888 = arith.constant 0 : index
    %get3A_889 = vector.load %arg1[%get3A_887, %get3A_888] : memref<8192x64xbf16, #tpu.memory_space<vmem>>, vector<64x64xbf16>
    %dot_general3A_890 = arith.constant dense<0.000000e+00> : vector<256x64xf32>
    %dot_general3A_891 = tpu.matmul %convert_element_type3A_886, %get3A_889, %dot_general3A_890 {dimension_numbers = #tpu.dot_dimension_numbers<[1], [0], [0], [1], [0, 0, 1, 1], [], []>, transpose_lhs_hint = false} : vector<256x64xbf16>, vector<64x64xbf16>, vector<256x64xf32> -> vector<256x64xf32>
    %mul3A_892 = arith.mulf %dot_general3A_891, %sub3A_885 : vector<256x64xf32>
    %reduce_sum3A_893 = arith.constant dense<0.000000e+00> : vector<256xf32>
    %reduce_sum3A_894 = vector.multi_reduction <add>, %mul3A_892, %reduce_sum3A_893 [1] : vector<256x64xf32> to vector<256xf32>
    %broadcast_in_dim3A_895 = vector.shape_cast %reduce_sum3A_894 : vector<256xf32> to vector<256x1xf32>
    %get3A_896 = arith.constant 60 : index
    %get3A_897 = arith.constant 0 : index
    %get3A_898 = vector.load %arg3[%get3A_896, %get3A_897] : memref<128x64xf32, #tpu.memory_space<vmem>>, vector<1x64xf32>
    %sub3A_899 = vector.broadcast %get3A_898 : vector<1x64xf32> to vector<256x64xf32>
    %sub3A_900 = arith.subf %get3A_1, %sub3A_899 : vector<256x64xf32>
    %convert_element_type3A_901 = arith.truncf %sub3A_900 : vector<256x64xf32> to vector<256x64xbf16>
    %get3A_902 = arith.constant 3840 : index
    %get3A_903 = arith.constant 0 : index
    %get3A_904 = vector.load %arg1[%get3A_902, %get3A_903] : memref<8192x64xbf16, #tpu.memory_space<vmem>>, vector<64x64xbf16>
    %dot_general3A_905 = arith.constant dense<0.000000e+00> : vector<256x64xf32>
    %dot_general3A_906 = tpu.matmul %convert_element_type3A_901, %get3A_904, %dot_general3A_905 {dimension_numbers = #tpu.dot_dimension_numbers<[1], [0], [0], [1], [0, 0, 1, 1], [], []>, transpose_lhs_hint = false} : vector<256x64xbf16>, vector<64x64xbf16>, vector<256x64xf32> -> vector<256x64xf32>
    %mul3A_907 = arith.mulf %dot_general3A_906, %sub3A_900 : vector<256x64xf32>
    %reduce_sum3A_908 = arith.constant dense<0.000000e+00> : vector<256xf32>
    %reduce_sum3A_909 = vector.multi_reduction <add>, %mul3A_907, %reduce_sum3A_908 [1] : vector<256x64xf32> to vector<256xf32>
    %broadcast_in_dim3A_910 = vector.shape_cast %reduce_sum3A_909 : vector<256xf32> to vector<256x1xf32>
    %get3A_911 = arith.constant 61 : index
    %get3A_912 = arith.constant 0 : index
    %get3A_913 = vector.load %arg3[%get3A_911, %get3A_912] : memref<128x64xf32, #tpu.memory_space<vmem>>, vector<1x64xf32>
    %sub3A_914 = vector.broadcast %get3A_913 : vector<1x64xf32> to vector<256x64xf32>
    %sub3A_915 = arith.subf %get3A_1, %sub3A_914 : vector<256x64xf32>
    %convert_element_type3A_916 = arith.truncf %sub3A_915 : vector<256x64xf32> to vector<256x64xbf16>
    %get3A_917 = arith.constant 3904 : index
    %get3A_918 = arith.constant 0 : index
    %get3A_919 = vector.load %arg1[%get3A_917, %get3A_918] : memref<8192x64xbf16, #tpu.memory_space<vmem>>, vector<64x64xbf16>
    %dot_general3A_920 = arith.constant dense<0.000000e+00> : vector<256x64xf32>
    %dot_general3A_921 = tpu.matmul %convert_element_type3A_916, %get3A_919, %dot_general3A_920 {dimension_numbers = #tpu.dot_dimension_numbers<[1], [0], [0], [1], [0, 0, 1, 1], [], []>, transpose_lhs_hint = false} : vector<256x64xbf16>, vector<64x64xbf16>, vector<256x64xf32> -> vector<256x64xf32>
    %mul3A_922 = arith.mulf %dot_general3A_921, %sub3A_915 : vector<256x64xf32>
    %reduce_sum3A_923 = arith.constant dense<0.000000e+00> : vector<256xf32>
    %reduce_sum3A_924 = vector.multi_reduction <add>, %mul3A_922, %reduce_sum3A_923 [1] : vector<256x64xf32> to vector<256xf32>
    %broadcast_in_dim3A_925 = vector.shape_cast %reduce_sum3A_924 : vector<256xf32> to vector<256x1xf32>
    %get3A_926 = arith.constant 62 : index
    %get3A_927 = arith.constant 0 : index
    %get3A_928 = vector.load %arg3[%get3A_926, %get3A_927] : memref<128x64xf32, #tpu.memory_space<vmem>>, vector<1x64xf32>
    %sub3A_929 = vector.broadcast %get3A_928 : vector<1x64xf32> to vector<256x64xf32>
    %sub3A_930 = arith.subf %get3A_1, %sub3A_929 : vector<256x64xf32>
    %convert_element_type3A_931 = arith.truncf %sub3A_930 : vector<256x64xf32> to vector<256x64xbf16>
    %get3A_932 = arith.constant 3968 : index
    %get3A_933 = arith.constant 0 : index
    %get3A_934 = vector.load %arg1[%get3A_932, %get3A_933] : memref<8192x64xbf16, #tpu.memory_space<vmem>>, vector<64x64xbf16>
    %dot_general3A_935 = arith.constant dense<0.000000e+00> : vector<256x64xf32>
    %dot_general3A_936 = tpu.matmul %convert_element_type3A_931, %get3A_934, %dot_general3A_935 {dimension_numbers = #tpu.dot_dimension_numbers<[1], [0], [0], [1], [0, 0, 1, 1], [], []>, transpose_lhs_hint = false} : vector<256x64xbf16>, vector<64x64xbf16>, vector<256x64xf32> -> vector<256x64xf32>
    %mul3A_937 = arith.mulf %dot_general3A_936, %sub3A_930 : vector<256x64xf32>
    %reduce_sum3A_938 = arith.constant dense<0.000000e+00> : vector<256xf32>
    %reduce_sum3A_939 = vector.multi_reduction <add>, %mul3A_937, %reduce_sum3A_938 [1] : vector<256x64xf32> to vector<256xf32>
    %broadcast_in_dim3A_940 = vector.shape_cast %reduce_sum3A_939 : vector<256xf32> to vector<256x1xf32>
    %get3A_941 = arith.constant 63 : index
    %get3A_942 = arith.constant 0 : index
    %get3A_943 = vector.load %arg3[%get3A_941, %get3A_942] : memref<128x64xf32, #tpu.memory_space<vmem>>, vector<1x64xf32>
    %sub3A_944 = vector.broadcast %get3A_943 : vector<1x64xf32> to vector<256x64xf32>
    %sub3A_945 = arith.subf %get3A_1, %sub3A_944 : vector<256x64xf32>
    %convert_element_type3A_946 = arith.truncf %sub3A_945 : vector<256x64xf32> to vector<256x64xbf16>
    %get3A_947 = arith.constant 4032 : index
    %get3A_948 = arith.constant 0 : index
    %get3A_949 = vector.load %arg1[%get3A_947, %get3A_948] : memref<8192x64xbf16, #tpu.memory_space<vmem>>, vector<64x64xbf16>
    %dot_general3A_950 = arith.constant dense<0.000000e+00> : vector<256x64xf32>
    %dot_general3A_951 = tpu.matmul %convert_element_type3A_946, %get3A_949, %dot_general3A_950 {dimension_numbers = #tpu.dot_dimension_numbers<[1], [0], [0], [1], [0, 0, 1, 1], [], []>, transpose_lhs_hint = false} : vector<256x64xbf16>, vector<64x64xbf16>, vector<256x64xf32> -> vector<256x64xf32>
    %mul3A_952 = arith.mulf %dot_general3A_951, %sub3A_945 : vector<256x64xf32>
    %reduce_sum3A_953 = arith.constant dense<0.000000e+00> : vector<256xf32>
    %reduce_sum3A_954 = vector.multi_reduction <add>, %mul3A_952, %reduce_sum3A_953 [1] : vector<256x64xf32> to vector<256xf32>
    %broadcast_in_dim3A_955 = vector.shape_cast %reduce_sum3A_954 : vector<256xf32> to vector<256x1xf32>
    %get3A_956 = arith.constant 64 : index
    %get3A_957 = arith.constant 0 : index
    %get3A_958 = vector.load %arg3[%get3A_956, %get3A_957] : memref<128x64xf32, #tpu.memory_space<vmem>>, vector<1x64xf32>
    %sub3A_959 = vector.broadcast %get3A_958 : vector<1x64xf32> to vector<256x64xf32>
    %sub3A_960 = arith.subf %get3A_1, %sub3A_959 : vector<256x64xf32>
    %convert_element_type3A_961 = arith.truncf %sub3A_960 : vector<256x64xf32> to vector<256x64xbf16>
    %get3A_962 = arith.constant 4096 : index
    %get3A_963 = arith.constant 0 : index
    %get3A_964 = vector.load %arg1[%get3A_962, %get3A_963] : memref<8192x64xbf16, #tpu.memory_space<vmem>>, vector<64x64xbf16>
    %dot_general3A_965 = arith.constant dense<0.000000e+00> : vector<256x64xf32>
    %dot_general3A_966 = tpu.matmul %convert_element_type3A_961, %get3A_964, %dot_general3A_965 {dimension_numbers = #tpu.dot_dimension_numbers<[1], [0], [0], [1], [0, 0, 1, 1], [], []>, transpose_lhs_hint = false} : vector<256x64xbf16>, vector<64x64xbf16>, vector<256x64xf32> -> vector<256x64xf32>
    %mul3A_967 = arith.mulf %dot_general3A_966, %sub3A_960 : vector<256x64xf32>
    %reduce_sum3A_968 = arith.constant dense<0.000000e+00> : vector<256xf32>
    %reduce_sum3A_969 = vector.multi_reduction <add>, %mul3A_967, %reduce_sum3A_968 [1] : vector<256x64xf32> to vector<256xf32>
    %broadcast_in_dim3A_970 = vector.shape_cast %reduce_sum3A_969 : vector<256xf32> to vector<256x1xf32>
    %get3A_971 = arith.constant 65 : index
    %get3A_972 = arith.constant 0 : index
    %get3A_973 = vector.load %arg3[%get3A_971, %get3A_972] : memref<128x64xf32, #tpu.memory_space<vmem>>, vector<1x64xf32>
    %sub3A_974 = vector.broadcast %get3A_973 : vector<1x64xf32> to vector<256x64xf32>
    %sub3A_975 = arith.subf %get3A_1, %sub3A_974 : vector<256x64xf32>
    %convert_element_type3A_976 = arith.truncf %sub3A_975 : vector<256x64xf32> to vector<256x64xbf16>
    %get3A_977 = arith.constant 4160 : index
    %get3A_978 = arith.constant 0 : index
    %get3A_979 = vector.load %arg1[%get3A_977, %get3A_978] : memref<8192x64xbf16, #tpu.memory_space<vmem>>, vector<64x64xbf16>
    %dot_general3A_980 = arith.constant dense<0.000000e+00> : vector<256x64xf32>
    %dot_general3A_981 = tpu.matmul %convert_element_type3A_976, %get3A_979, %dot_general3A_980 {dimension_numbers = #tpu.dot_dimension_numbers<[1], [0], [0], [1], [0, 0, 1, 1], [], []>, transpose_lhs_hint = false} : vector<256x64xbf16>, vector<64x64xbf16>, vector<256x64xf32> -> vector<256x64xf32>
    %mul3A_982 = arith.mulf %dot_general3A_981, %sub3A_975 : vector<256x64xf32>
    %reduce_sum3A_983 = arith.constant dense<0.000000e+00> : vector<256xf32>
    %reduce_sum3A_984 = vector.multi_reduction <add>, %mul3A_982, %reduce_sum3A_983 [1] : vector<256x64xf32> to vector<256xf32>
    %broadcast_in_dim3A_985 = vector.shape_cast %reduce_sum3A_984 : vector<256xf32> to vector<256x1xf32>
    %get3A_986 = arith.constant 66 : index
    %get3A_987 = arith.constant 0 : index
    %get3A_988 = vector.load %arg3[%get3A_986, %get3A_987] : memref<128x64xf32, #tpu.memory_space<vmem>>, vector<1x64xf32>
    %sub3A_989 = vector.broadcast %get3A_988 : vector<1x64xf32> to vector<256x64xf32>
    %sub3A_990 = arith.subf %get3A_1, %sub3A_989 : vector<256x64xf32>
    %convert_element_type3A_991 = arith.truncf %sub3A_990 : vector<256x64xf32> to vector<256x64xbf16>
    %get3A_992 = arith.constant 4224 : index
    %get3A_993 = arith.constant 0 : index
    %get3A_994 = vector.load %arg1[%get3A_992, %get3A_993] : memref<8192x64xbf16, #tpu.memory_space<vmem>>, vector<64x64xbf16>
    %dot_general3A_995 = arith.constant dense<0.000000e+00> : vector<256x64xf32>
    %dot_general3A_996 = tpu.matmul %convert_element_type3A_991, %get3A_994, %dot_general3A_995 {dimension_numbers = #tpu.dot_dimension_numbers<[1], [0], [0], [1], [0, 0, 1, 1], [], []>, transpose_lhs_hint = false} : vector<256x64xbf16>, vector<64x64xbf16>, vector<256x64xf32> -> vector<256x64xf32>
    %mul3A_997 = arith.mulf %dot_general3A_996, %sub3A_990 : vector<256x64xf32>
    %reduce_sum3A_998 = arith.constant dense<0.000000e+00> : vector<256xf32>
    %reduce_sum3A_999 = vector.multi_reduction <add>, %mul3A_997, %reduce_sum3A_998 [1] : vector<256x64xf32> to vector<256xf32>
    %broadcast_in_dim3A_1000 = vector.shape_cast %reduce_sum3A_999 : vector<256xf32> to vector<256x1xf32>
    %get3A_1001 = arith.constant 67 : index
    %get3A_1002 = arith.constant 0 : index
    %get3A_1003 = vector.load %arg3[%get3A_1001, %get3A_1002] : memref<128x64xf32, #tpu.memory_space<vmem>>, vector<1x64xf32>
    %sub3A_1004 = vector.broadcast %get3A_1003 : vector<1x64xf32> to vector<256x64xf32>
    %sub3A_1005 = arith.subf %get3A_1, %sub3A_1004 : vector<256x64xf32>
    %convert_element_type3A_1006 = arith.truncf %sub3A_1005 : vector<256x64xf32> to vector<256x64xbf16>
    %get3A_1007 = arith.constant 4288 : index
    %get3A_1008 = arith.constant 0 : index
    %get3A_1009 = vector.load %arg1[%get3A_1007, %get3A_1008] : memref<8192x64xbf16, #tpu.memory_space<vmem>>, vector<64x64xbf16>
    %dot_general3A_1010 = arith.constant dense<0.000000e+00> : vector<256x64xf32>
    %dot_general3A_1011 = tpu.matmul %convert_element_type3A_1006, %get3A_1009, %dot_general3A_1010 {dimension_numbers = #tpu.dot_dimension_numbers<[1], [0], [0], [1], [0, 0, 1, 1], [], []>, transpose_lhs_hint = false} : vector<256x64xbf16>, vector<64x64xbf16>, vector<256x64xf32> -> vector<256x64xf32>
    %mul3A_1012 = arith.mulf %dot_general3A_1011, %sub3A_1005 : vector<256x64xf32>
    %reduce_sum3A_1013 = arith.constant dense<0.000000e+00> : vector<256xf32>
    %reduce_sum3A_1014 = vector.multi_reduction <add>, %mul3A_1012, %reduce_sum3A_1013 [1] : vector<256x64xf32> to vector<256xf32>
    %broadcast_in_dim3A_1015 = vector.shape_cast %reduce_sum3A_1014 : vector<256xf32> to vector<256x1xf32>
    %get3A_1016 = arith.constant 68 : index
    %get3A_1017 = arith.constant 0 : index
    %get3A_1018 = vector.load %arg3[%get3A_1016, %get3A_1017] : memref<128x64xf32, #tpu.memory_space<vmem>>, vector<1x64xf32>
    %sub3A_1019 = vector.broadcast %get3A_1018 : vector<1x64xf32> to vector<256x64xf32>
    %sub3A_1020 = arith.subf %get3A_1, %sub3A_1019 : vector<256x64xf32>
    %convert_element_type3A_1021 = arith.truncf %sub3A_1020 : vector<256x64xf32> to vector<256x64xbf16>
    %get3A_1022 = arith.constant 4352 : index
    %get3A_1023 = arith.constant 0 : index
    %get3A_1024 = vector.load %arg1[%get3A_1022, %get3A_1023] : memref<8192x64xbf16, #tpu.memory_space<vmem>>, vector<64x64xbf16>
    %dot_general3A_1025 = arith.constant dense<0.000000e+00> : vector<256x64xf32>
    %dot_general3A_1026 = tpu.matmul %convert_element_type3A_1021, %get3A_1024, %dot_general3A_1025 {dimension_numbers = #tpu.dot_dimension_numbers<[1], [0], [0], [1], [0, 0, 1, 1], [], []>, transpose_lhs_hint = false} : vector<256x64xbf16>, vector<64x64xbf16>, vector<256x64xf32> -> vector<256x64xf32>
    %mul3A_1027 = arith.mulf %dot_general3A_1026, %sub3A_1020 : vector<256x64xf32>
    %reduce_sum3A_1028 = arith.constant dense<0.000000e+00> : vector<256xf32>
    %reduce_sum3A_1029 = vector.multi_reduction <add>, %mul3A_1027, %reduce_sum3A_1028 [1] : vector<256x64xf32> to vector<256xf32>
    %broadcast_in_dim3A_1030 = vector.shape_cast %reduce_sum3A_1029 : vector<256xf32> to vector<256x1xf32>
    %get3A_1031 = arith.constant 69 : index
    %get3A_1032 = arith.constant 0 : index
    %get3A_1033 = vector.load %arg3[%get3A_1031, %get3A_1032] : memref<128x64xf32, #tpu.memory_space<vmem>>, vector<1x64xf32>
    %sub3A_1034 = vector.broadcast %get3A_1033 : vector<1x64xf32> to vector<256x64xf32>
    %sub3A_1035 = arith.subf %get3A_1, %sub3A_1034 : vector<256x64xf32>
    %convert_element_type3A_1036 = arith.truncf %sub3A_1035 : vector<256x64xf32> to vector<256x64xbf16>
    %get3A_1037 = arith.constant 4416 : index
    %get3A_1038 = arith.constant 0 : index
    %get3A_1039 = vector.load %arg1[%get3A_1037, %get3A_1038] : memref<8192x64xbf16, #tpu.memory_space<vmem>>, vector<64x64xbf16>
    %dot_general3A_1040 = arith.constant dense<0.000000e+00> : vector<256x64xf32>
    %dot_general3A_1041 = tpu.matmul %convert_element_type3A_1036, %get3A_1039, %dot_general3A_1040 {dimension_numbers = #tpu.dot_dimension_numbers<[1], [0], [0], [1], [0, 0, 1, 1], [], []>, transpose_lhs_hint = false} : vector<256x64xbf16>, vector<64x64xbf16>, vector<256x64xf32> -> vector<256x64xf32>
    %mul3A_1042 = arith.mulf %dot_general3A_1041, %sub3A_1035 : vector<256x64xf32>
    %reduce_sum3A_1043 = arith.constant dense<0.000000e+00> : vector<256xf32>
    %reduce_sum3A_1044 = vector.multi_reduction <add>, %mul3A_1042, %reduce_sum3A_1043 [1] : vector<256x64xf32> to vector<256xf32>
    %broadcast_in_dim3A_1045 = vector.shape_cast %reduce_sum3A_1044 : vector<256xf32> to vector<256x1xf32>
    %get3A_1046 = arith.constant 70 : index
    %get3A_1047 = arith.constant 0 : index
    %get3A_1048 = vector.load %arg3[%get3A_1046, %get3A_1047] : memref<128x64xf32, #tpu.memory_space<vmem>>, vector<1x64xf32>
    %sub3A_1049 = vector.broadcast %get3A_1048 : vector<1x64xf32> to vector<256x64xf32>
    %sub3A_1050 = arith.subf %get3A_1, %sub3A_1049 : vector<256x64xf32>
    %convert_element_type3A_1051 = arith.truncf %sub3A_1050 : vector<256x64xf32> to vector<256x64xbf16>
    %get3A_1052 = arith.constant 4480 : index
    %get3A_1053 = arith.constant 0 : index
    %get3A_1054 = vector.load %arg1[%get3A_1052, %get3A_1053] : memref<8192x64xbf16, #tpu.memory_space<vmem>>, vector<64x64xbf16>
    %dot_general3A_1055 = arith.constant dense<0.000000e+00> : vector<256x64xf32>
    %dot_general3A_1056 = tpu.matmul %convert_element_type3A_1051, %get3A_1054, %dot_general3A_1055 {dimension_numbers = #tpu.dot_dimension_numbers<[1], [0], [0], [1], [0, 0, 1, 1], [], []>, transpose_lhs_hint = false} : vector<256x64xbf16>, vector<64x64xbf16>, vector<256x64xf32> -> vector<256x64xf32>
    %mul3A_1057 = arith.mulf %dot_general3A_1056, %sub3A_1050 : vector<256x64xf32>
    %reduce_sum3A_1058 = arith.constant dense<0.000000e+00> : vector<256xf32>
    %reduce_sum3A_1059 = vector.multi_reduction <add>, %mul3A_1057, %reduce_sum3A_1058 [1] : vector<256x64xf32> to vector<256xf32>
    %broadcast_in_dim3A_1060 = vector.shape_cast %reduce_sum3A_1059 : vector<256xf32> to vector<256x1xf32>
    %get3A_1061 = arith.constant 71 : index
    %get3A_1062 = arith.constant 0 : index
    %get3A_1063 = vector.load %arg3[%get3A_1061, %get3A_1062] : memref<128x64xf32, #tpu.memory_space<vmem>>, vector<1x64xf32>
    %sub3A_1064 = vector.broadcast %get3A_1063 : vector<1x64xf32> to vector<256x64xf32>
    %sub3A_1065 = arith.subf %get3A_1, %sub3A_1064 : vector<256x64xf32>
    %convert_element_type3A_1066 = arith.truncf %sub3A_1065 : vector<256x64xf32> to vector<256x64xbf16>
    %get3A_1067 = arith.constant 4544 : index
    %get3A_1068 = arith.constant 0 : index
    %get3A_1069 = vector.load %arg1[%get3A_1067, %get3A_1068] : memref<8192x64xbf16, #tpu.memory_space<vmem>>, vector<64x64xbf16>
    %dot_general3A_1070 = arith.constant dense<0.000000e+00> : vector<256x64xf32>
    %dot_general3A_1071 = tpu.matmul %convert_element_type3A_1066, %get3A_1069, %dot_general3A_1070 {dimension_numbers = #tpu.dot_dimension_numbers<[1], [0], [0], [1], [0, 0, 1, 1], [], []>, transpose_lhs_hint = false} : vector<256x64xbf16>, vector<64x64xbf16>, vector<256x64xf32> -> vector<256x64xf32>
    %mul3A_1072 = arith.mulf %dot_general3A_1071, %sub3A_1065 : vector<256x64xf32>
    %reduce_sum3A_1073 = arith.constant dense<0.000000e+00> : vector<256xf32>
    %reduce_sum3A_1074 = vector.multi_reduction <add>, %mul3A_1072, %reduce_sum3A_1073 [1] : vector<256x64xf32> to vector<256xf32>
    %broadcast_in_dim3A_1075 = vector.shape_cast %reduce_sum3A_1074 : vector<256xf32> to vector<256x1xf32>
    %get3A_1076 = arith.constant 72 : index
    %get3A_1077 = arith.constant 0 : index
    %get3A_1078 = vector.load %arg3[%get3A_1076, %get3A_1077] : memref<128x64xf32, #tpu.memory_space<vmem>>, vector<1x64xf32>
    %sub3A_1079 = vector.broadcast %get3A_1078 : vector<1x64xf32> to vector<256x64xf32>
    %sub3A_1080 = arith.subf %get3A_1, %sub3A_1079 : vector<256x64xf32>
    %convert_element_type3A_1081 = arith.truncf %sub3A_1080 : vector<256x64xf32> to vector<256x64xbf16>
    %get3A_1082 = arith.constant 4608 : index
    %get3A_1083 = arith.constant 0 : index
    %get3A_1084 = vector.load %arg1[%get3A_1082, %get3A_1083] : memref<8192x64xbf16, #tpu.memory_space<vmem>>, vector<64x64xbf16>
    %dot_general3A_1085 = arith.constant dense<0.000000e+00> : vector<256x64xf32>
    %dot_general3A_1086 = tpu.matmul %convert_element_type3A_1081, %get3A_1084, %dot_general3A_1085 {dimension_numbers = #tpu.dot_dimension_numbers<[1], [0], [0], [1], [0, 0, 1, 1], [], []>, transpose_lhs_hint = false} : vector<256x64xbf16>, vector<64x64xbf16>, vector<256x64xf32> -> vector<256x64xf32>
    %mul3A_1087 = arith.mulf %dot_general3A_1086, %sub3A_1080 : vector<256x64xf32>
    %reduce_sum3A_1088 = arith.constant dense<0.000000e+00> : vector<256xf32>
    %reduce_sum3A_1089 = vector.multi_reduction <add>, %mul3A_1087, %reduce_sum3A_1088 [1] : vector<256x64xf32> to vector<256xf32>
    %broadcast_in_dim3A_1090 = vector.shape_cast %reduce_sum3A_1089 : vector<256xf32> to vector<256x1xf32>
    %get3A_1091 = arith.constant 73 : index
    %get3A_1092 = arith.constant 0 : index
    %get3A_1093 = vector.load %arg3[%get3A_1091, %get3A_1092] : memref<128x64xf32, #tpu.memory_space<vmem>>, vector<1x64xf32>
    %sub3A_1094 = vector.broadcast %get3A_1093 : vector<1x64xf32> to vector<256x64xf32>
    %sub3A_1095 = arith.subf %get3A_1, %sub3A_1094 : vector<256x64xf32>
    %convert_element_type3A_1096 = arith.truncf %sub3A_1095 : vector<256x64xf32> to vector<256x64xbf16>
    %get3A_1097 = arith.constant 4672 : index
    %get3A_1098 = arith.constant 0 : index
    %get3A_1099 = vector.load %arg1[%get3A_1097, %get3A_1098] : memref<8192x64xbf16, #tpu.memory_space<vmem>>, vector<64x64xbf16>
    %dot_general3A_1100 = arith.constant dense<0.000000e+00> : vector<256x64xf32>
    %dot_general3A_1101 = tpu.matmul %convert_element_type3A_1096, %get3A_1099, %dot_general3A_1100 {dimension_numbers = #tpu.dot_dimension_numbers<[1], [0], [0], [1], [0, 0, 1, 1], [], []>, transpose_lhs_hint = false} : vector<256x64xbf16>, vector<64x64xbf16>, vector<256x64xf32> -> vector<256x64xf32>
    %mul3A_1102 = arith.mulf %dot_general3A_1101, %sub3A_1095 : vector<256x64xf32>
    %reduce_sum3A_1103 = arith.constant dense<0.000000e+00> : vector<256xf32>
    %reduce_sum3A_1104 = vector.multi_reduction <add>, %mul3A_1102, %reduce_sum3A_1103 [1] : vector<256x64xf32> to vector<256xf32>
    %broadcast_in_dim3A_1105 = vector.shape_cast %reduce_sum3A_1104 : vector<256xf32> to vector<256x1xf32>
    %get3A_1106 = arith.constant 74 : index
    %get3A_1107 = arith.constant 0 : index
    %get3A_1108 = vector.load %arg3[%get3A_1106, %get3A_1107] : memref<128x64xf32, #tpu.memory_space<vmem>>, vector<1x64xf32>
    %sub3A_1109 = vector.broadcast %get3A_1108 : vector<1x64xf32> to vector<256x64xf32>
    %sub3A_1110 = arith.subf %get3A_1, %sub3A_1109 : vector<256x64xf32>
    %convert_element_type3A_1111 = arith.truncf %sub3A_1110 : vector<256x64xf32> to vector<256x64xbf16>
    %get3A_1112 = arith.constant 4736 : index
    %get3A_1113 = arith.constant 0 : index
    %get3A_1114 = vector.load %arg1[%get3A_1112, %get3A_1113] : memref<8192x64xbf16, #tpu.memory_space<vmem>>, vector<64x64xbf16>
    %dot_general3A_1115 = arith.constant dense<0.000000e+00> : vector<256x64xf32>
    %dot_general3A_1116 = tpu.matmul %convert_element_type3A_1111, %get3A_1114, %dot_general3A_1115 {dimension_numbers = #tpu.dot_dimension_numbers<[1], [0], [0], [1], [0, 0, 1, 1], [], []>, transpose_lhs_hint = false} : vector<256x64xbf16>, vector<64x64xbf16>, vector<256x64xf32> -> vector<256x64xf32>
    %mul3A_1117 = arith.mulf %dot_general3A_1116, %sub3A_1110 : vector<256x64xf32>
    %reduce_sum3A_1118 = arith.constant dense<0.000000e+00> : vector<256xf32>
    %reduce_sum3A_1119 = vector.multi_reduction <add>, %mul3A_1117, %reduce_sum3A_1118 [1] : vector<256x64xf32> to vector<256xf32>
    %broadcast_in_dim3A_1120 = vector.shape_cast %reduce_sum3A_1119 : vector<256xf32> to vector<256x1xf32>
    %get3A_1121 = arith.constant 75 : index
    %get3A_1122 = arith.constant 0 : index
    %get3A_1123 = vector.load %arg3[%get3A_1121, %get3A_1122] : memref<128x64xf32, #tpu.memory_space<vmem>>, vector<1x64xf32>
    %sub3A_1124 = vector.broadcast %get3A_1123 : vector<1x64xf32> to vector<256x64xf32>
    %sub3A_1125 = arith.subf %get3A_1, %sub3A_1124 : vector<256x64xf32>
    %convert_element_type3A_1126 = arith.truncf %sub3A_1125 : vector<256x64xf32> to vector<256x64xbf16>
    %get3A_1127 = arith.constant 4800 : index
    %get3A_1128 = arith.constant 0 : index
    %get3A_1129 = vector.load %arg1[%get3A_1127, %get3A_1128] : memref<8192x64xbf16, #tpu.memory_space<vmem>>, vector<64x64xbf16>
    %dot_general3A_1130 = arith.constant dense<0.000000e+00> : vector<256x64xf32>
    %dot_general3A_1131 = tpu.matmul %convert_element_type3A_1126, %get3A_1129, %dot_general3A_1130 {dimension_numbers = #tpu.dot_dimension_numbers<[1], [0], [0], [1], [0, 0, 1, 1], [], []>, transpose_lhs_hint = false} : vector<256x64xbf16>, vector<64x64xbf16>, vector<256x64xf32> -> vector<256x64xf32>
    %mul3A_1132 = arith.mulf %dot_general3A_1131, %sub3A_1125 : vector<256x64xf32>
    %reduce_sum3A_1133 = arith.constant dense<0.000000e+00> : vector<256xf32>
    %reduce_sum3A_1134 = vector.multi_reduction <add>, %mul3A_1132, %reduce_sum3A_1133 [1] : vector<256x64xf32> to vector<256xf32>
    %broadcast_in_dim3A_1135 = vector.shape_cast %reduce_sum3A_1134 : vector<256xf32> to vector<256x1xf32>
    %get3A_1136 = arith.constant 76 : index
    %get3A_1137 = arith.constant 0 : index
    %get3A_1138 = vector.load %arg3[%get3A_1136, %get3A_1137] : memref<128x64xf32, #tpu.memory_space<vmem>>, vector<1x64xf32>
    %sub3A_1139 = vector.broadcast %get3A_1138 : vector<1x64xf32> to vector<256x64xf32>
    %sub3A_1140 = arith.subf %get3A_1, %sub3A_1139 : vector<256x64xf32>
    %convert_element_type3A_1141 = arith.truncf %sub3A_1140 : vector<256x64xf32> to vector<256x64xbf16>
    %get3A_1142 = arith.constant 4864 : index
    %get3A_1143 = arith.constant 0 : index
    %get3A_1144 = vector.load %arg1[%get3A_1142, %get3A_1143] : memref<8192x64xbf16, #tpu.memory_space<vmem>>, vector<64x64xbf16>
    %dot_general3A_1145 = arith.constant dense<0.000000e+00> : vector<256x64xf32>
    %dot_general3A_1146 = tpu.matmul %convert_element_type3A_1141, %get3A_1144, %dot_general3A_1145 {dimension_numbers = #tpu.dot_dimension_numbers<[1], [0], [0], [1], [0, 0, 1, 1], [], []>, transpose_lhs_hint = false} : vector<256x64xbf16>, vector<64x64xbf16>, vector<256x64xf32> -> vector<256x64xf32>
    %mul3A_1147 = arith.mulf %dot_general3A_1146, %sub3A_1140 : vector<256x64xf32>
    %reduce_sum3A_1148 = arith.constant dense<0.000000e+00> : vector<256xf32>
    %reduce_sum3A_1149 = vector.multi_reduction <add>, %mul3A_1147, %reduce_sum3A_1148 [1] : vector<256x64xf32> to vector<256xf32>
    %broadcast_in_dim3A_1150 = vector.shape_cast %reduce_sum3A_1149 : vector<256xf32> to vector<256x1xf32>
    %get3A_1151 = arith.constant 77 : index
    %get3A_1152 = arith.constant 0 : index
    %get3A_1153 = vector.load %arg3[%get3A_1151, %get3A_1152] : memref<128x64xf32, #tpu.memory_space<vmem>>, vector<1x64xf32>
    %sub3A_1154 = vector.broadcast %get3A_1153 : vector<1x64xf32> to vector<256x64xf32>
    %sub3A_1155 = arith.subf %get3A_1, %sub3A_1154 : vector<256x64xf32>
    %convert_element_type3A_1156 = arith.truncf %sub3A_1155 : vector<256x64xf32> to vector<256x64xbf16>
    %get3A_1157 = arith.constant 4928 : index
    %get3A_1158 = arith.constant 0 : index
    %get3A_1159 = vector.load %arg1[%get3A_1157, %get3A_1158] : memref<8192x64xbf16, #tpu.memory_space<vmem>>, vector<64x64xbf16>
    %dot_general3A_1160 = arith.constant dense<0.000000e+00> : vector<256x64xf32>
    %dot_general3A_1161 = tpu.matmul %convert_element_type3A_1156, %get3A_1159, %dot_general3A_1160 {dimension_numbers = #tpu.dot_dimension_numbers<[1], [0], [0], [1], [0, 0, 1, 1], [], []>, transpose_lhs_hint = false} : vector<256x64xbf16>, vector<64x64xbf16>, vector<256x64xf32> -> vector<256x64xf32>
    %mul3A_1162 = arith.mulf %dot_general3A_1161, %sub3A_1155 : vector<256x64xf32>
    %reduce_sum3A_1163 = arith.constant dense<0.000000e+00> : vector<256xf32>
    %reduce_sum3A_1164 = vector.multi_reduction <add>, %mul3A_1162, %reduce_sum3A_1163 [1] : vector<256x64xf32> to vector<256xf32>
    %broadcast_in_dim3A_1165 = vector.shape_cast %reduce_sum3A_1164 : vector<256xf32> to vector<256x1xf32>
    %get3A_1166 = arith.constant 78 : index
    %get3A_1167 = arith.constant 0 : index
    %get3A_1168 = vector.load %arg3[%get3A_1166, %get3A_1167] : memref<128x64xf32, #tpu.memory_space<vmem>>, vector<1x64xf32>
    %sub3A_1169 = vector.broadcast %get3A_1168 : vector<1x64xf32> to vector<256x64xf32>
    %sub3A_1170 = arith.subf %get3A_1, %sub3A_1169 : vector<256x64xf32>
    %convert_element_type3A_1171 = arith.truncf %sub3A_1170 : vector<256x64xf32> to vector<256x64xbf16>
    %get3A_1172 = arith.constant 4992 : index
    %get3A_1173 = arith.constant 0 : index
    %get3A_1174 = vector.load %arg1[%get3A_1172, %get3A_1173] : memref<8192x64xbf16, #tpu.memory_space<vmem>>, vector<64x64xbf16>
    %dot_general3A_1175 = arith.constant dense<0.000000e+00> : vector<256x64xf32>
    %dot_general3A_1176 = tpu.matmul %convert_element_type3A_1171, %get3A_1174, %dot_general3A_1175 {dimension_numbers = #tpu.dot_dimension_numbers<[1], [0], [0], [1], [0, 0, 1, 1], [], []>, transpose_lhs_hint = false} : vector<256x64xbf16>, vector<64x64xbf16>, vector<256x64xf32> -> vector<256x64xf32>
    %mul3A_1177 = arith.mulf %dot_general3A_1176, %sub3A_1170 : vector<256x64xf32>
    %reduce_sum3A_1178 = arith.constant dense<0.000000e+00> : vector<256xf32>
    %reduce_sum3A_1179 = vector.multi_reduction <add>, %mul3A_1177, %reduce_sum3A_1178 [1] : vector<256x64xf32> to vector<256xf32>
    %broadcast_in_dim3A_1180 = vector.shape_cast %reduce_sum3A_1179 : vector<256xf32> to vector<256x1xf32>
    %get3A_1181 = arith.constant 79 : index
    %get3A_1182 = arith.constant 0 : index
    %get3A_1183 = vector.load %arg3[%get3A_1181, %get3A_1182] : memref<128x64xf32, #tpu.memory_space<vmem>>, vector<1x64xf32>
    %sub3A_1184 = vector.broadcast %get3A_1183 : vector<1x64xf32> to vector<256x64xf32>
    %sub3A_1185 = arith.subf %get3A_1, %sub3A_1184 : vector<256x64xf32>
    %convert_element_type3A_1186 = arith.truncf %sub3A_1185 : vector<256x64xf32> to vector<256x64xbf16>
    %get3A_1187 = arith.constant 5056 : index
    %get3A_1188 = arith.constant 0 : index
    %get3A_1189 = vector.load %arg1[%get3A_1187, %get3A_1188] : memref<8192x64xbf16, #tpu.memory_space<vmem>>, vector<64x64xbf16>
    %dot_general3A_1190 = arith.constant dense<0.000000e+00> : vector<256x64xf32>
    %dot_general3A_1191 = tpu.matmul %convert_element_type3A_1186, %get3A_1189, %dot_general3A_1190 {dimension_numbers = #tpu.dot_dimension_numbers<[1], [0], [0], [1], [0, 0, 1, 1], [], []>, transpose_lhs_hint = false} : vector<256x64xbf16>, vector<64x64xbf16>, vector<256x64xf32> -> vector<256x64xf32>
    %mul3A_1192 = arith.mulf %dot_general3A_1191, %sub3A_1185 : vector<256x64xf32>
    %reduce_sum3A_1193 = arith.constant dense<0.000000e+00> : vector<256xf32>
    %reduce_sum3A_1194 = vector.multi_reduction <add>, %mul3A_1192, %reduce_sum3A_1193 [1] : vector<256x64xf32> to vector<256xf32>
    %broadcast_in_dim3A_1195 = vector.shape_cast %reduce_sum3A_1194 : vector<256xf32> to vector<256x1xf32>
    %get3A_1196 = arith.constant 80 : index
    %get3A_1197 = arith.constant 0 : index
    %get3A_1198 = vector.load %arg3[%get3A_1196, %get3A_1197] : memref<128x64xf32, #tpu.memory_space<vmem>>, vector<1x64xf32>
    %sub3A_1199 = vector.broadcast %get3A_1198 : vector<1x64xf32> to vector<256x64xf32>
    %sub3A_1200 = arith.subf %get3A_1, %sub3A_1199 : vector<256x64xf32>
    %convert_element_type3A_1201 = arith.truncf %sub3A_1200 : vector<256x64xf32> to vector<256x64xbf16>
    %get3A_1202 = arith.constant 5120 : index
    %get3A_1203 = arith.constant 0 : index
    %get3A_1204 = vector.load %arg1[%get3A_1202, %get3A_1203] : memref<8192x64xbf16, #tpu.memory_space<vmem>>, vector<64x64xbf16>
    %dot_general3A_1205 = arith.constant dense<0.000000e+00> : vector<256x64xf32>
    %dot_general3A_1206 = tpu.matmul %convert_element_type3A_1201, %get3A_1204, %dot_general3A_1205 {dimension_numbers = #tpu.dot_dimension_numbers<[1], [0], [0], [1], [0, 0, 1, 1], [], []>, transpose_lhs_hint = false} : vector<256x64xbf16>, vector<64x64xbf16>, vector<256x64xf32> -> vector<256x64xf32>
    %mul3A_1207 = arith.mulf %dot_general3A_1206, %sub3A_1200 : vector<256x64xf32>
    %reduce_sum3A_1208 = arith.constant dense<0.000000e+00> : vector<256xf32>
    %reduce_sum3A_1209 = vector.multi_reduction <add>, %mul3A_1207, %reduce_sum3A_1208 [1] : vector<256x64xf32> to vector<256xf32>
    %broadcast_in_dim3A_1210 = vector.shape_cast %reduce_sum3A_1209 : vector<256xf32> to vector<256x1xf32>
    %get3A_1211 = arith.constant 81 : index
    %get3A_1212 = arith.constant 0 : index
    %get3A_1213 = vector.load %arg3[%get3A_1211, %get3A_1212] : memref<128x64xf32, #tpu.memory_space<vmem>>, vector<1x64xf32>
    %sub3A_1214 = vector.broadcast %get3A_1213 : vector<1x64xf32> to vector<256x64xf32>
    %sub3A_1215 = arith.subf %get3A_1, %sub3A_1214 : vector<256x64xf32>
    %convert_element_type3A_1216 = arith.truncf %sub3A_1215 : vector<256x64xf32> to vector<256x64xbf16>
    %get3A_1217 = arith.constant 5184 : index
    %get3A_1218 = arith.constant 0 : index
    %get3A_1219 = vector.load %arg1[%get3A_1217, %get3A_1218] : memref<8192x64xbf16, #tpu.memory_space<vmem>>, vector<64x64xbf16>
    %dot_general3A_1220 = arith.constant dense<0.000000e+00> : vector<256x64xf32>
    %dot_general3A_1221 = tpu.matmul %convert_element_type3A_1216, %get3A_1219, %dot_general3A_1220 {dimension_numbers = #tpu.dot_dimension_numbers<[1], [0], [0], [1], [0, 0, 1, 1], [], []>, transpose_lhs_hint = false} : vector<256x64xbf16>, vector<64x64xbf16>, vector<256x64xf32> -> vector<256x64xf32>
    %mul3A_1222 = arith.mulf %dot_general3A_1221, %sub3A_1215 : vector<256x64xf32>
    %reduce_sum3A_1223 = arith.constant dense<0.000000e+00> : vector<256xf32>
    %reduce_sum3A_1224 = vector.multi_reduction <add>, %mul3A_1222, %reduce_sum3A_1223 [1] : vector<256x64xf32> to vector<256xf32>
    %broadcast_in_dim3A_1225 = vector.shape_cast %reduce_sum3A_1224 : vector<256xf32> to vector<256x1xf32>
    %get3A_1226 = arith.constant 82 : index
    %get3A_1227 = arith.constant 0 : index
    %get3A_1228 = vector.load %arg3[%get3A_1226, %get3A_1227] : memref<128x64xf32, #tpu.memory_space<vmem>>, vector<1x64xf32>
    %sub3A_1229 = vector.broadcast %get3A_1228 : vector<1x64xf32> to vector<256x64xf32>
    %sub3A_1230 = arith.subf %get3A_1, %sub3A_1229 : vector<256x64xf32>
    %convert_element_type3A_1231 = arith.truncf %sub3A_1230 : vector<256x64xf32> to vector<256x64xbf16>
    %get3A_1232 = arith.constant 5248 : index
    %get3A_1233 = arith.constant 0 : index
    %get3A_1234 = vector.load %arg1[%get3A_1232, %get3A_1233] : memref<8192x64xbf16, #tpu.memory_space<vmem>>, vector<64x64xbf16>
    %dot_general3A_1235 = arith.constant dense<0.000000e+00> : vector<256x64xf32>
    %dot_general3A_1236 = tpu.matmul %convert_element_type3A_1231, %get3A_1234, %dot_general3A_1235 {dimension_numbers = #tpu.dot_dimension_numbers<[1], [0], [0], [1], [0, 0, 1, 1], [], []>, transpose_lhs_hint = false} : vector<256x64xbf16>, vector<64x64xbf16>, vector<256x64xf32> -> vector<256x64xf32>
    %mul3A_1237 = arith.mulf %dot_general3A_1236, %sub3A_1230 : vector<256x64xf32>
    %reduce_sum3A_1238 = arith.constant dense<0.000000e+00> : vector<256xf32>
    %reduce_sum3A_1239 = vector.multi_reduction <add>, %mul3A_1237, %reduce_sum3A_1238 [1] : vector<256x64xf32> to vector<256xf32>
    %broadcast_in_dim3A_1240 = vector.shape_cast %reduce_sum3A_1239 : vector<256xf32> to vector<256x1xf32>
    %get3A_1241 = arith.constant 83 : index
    %get3A_1242 = arith.constant 0 : index
    %get3A_1243 = vector.load %arg3[%get3A_1241, %get3A_1242] : memref<128x64xf32, #tpu.memory_space<vmem>>, vector<1x64xf32>
    %sub3A_1244 = vector.broadcast %get3A_1243 : vector<1x64xf32> to vector<256x64xf32>
    %sub3A_1245 = arith.subf %get3A_1, %sub3A_1244 : vector<256x64xf32>
    %convert_element_type3A_1246 = arith.truncf %sub3A_1245 : vector<256x64xf32> to vector<256x64xbf16>
    %get3A_1247 = arith.constant 5312 : index
    %get3A_1248 = arith.constant 0 : index
    %get3A_1249 = vector.load %arg1[%get3A_1247, %get3A_1248] : memref<8192x64xbf16, #tpu.memory_space<vmem>>, vector<64x64xbf16>
    %dot_general3A_1250 = arith.constant dense<0.000000e+00> : vector<256x64xf32>
    %dot_general3A_1251 = tpu.matmul %convert_element_type3A_1246, %get3A_1249, %dot_general3A_1250 {dimension_numbers = #tpu.dot_dimension_numbers<[1], [0], [0], [1], [0, 0, 1, 1], [], []>, transpose_lhs_hint = false} : vector<256x64xbf16>, vector<64x64xbf16>, vector<256x64xf32> -> vector<256x64xf32>
    %mul3A_1252 = arith.mulf %dot_general3A_1251, %sub3A_1245 : vector<256x64xf32>
    %reduce_sum3A_1253 = arith.constant dense<0.000000e+00> : vector<256xf32>
    %reduce_sum3A_1254 = vector.multi_reduction <add>, %mul3A_1252, %reduce_sum3A_1253 [1] : vector<256x64xf32> to vector<256xf32>
    %broadcast_in_dim3A_1255 = vector.shape_cast %reduce_sum3A_1254 : vector<256xf32> to vector<256x1xf32>
    %get3A_1256 = arith.constant 84 : index
    %get3A_1257 = arith.constant 0 : index
    %get3A_1258 = vector.load %arg3[%get3A_1256, %get3A_1257] : memref<128x64xf32, #tpu.memory_space<vmem>>, vector<1x64xf32>
    %sub3A_1259 = vector.broadcast %get3A_1258 : vector<1x64xf32> to vector<256x64xf32>
    %sub3A_1260 = arith.subf %get3A_1, %sub3A_1259 : vector<256x64xf32>
    %convert_element_type3A_1261 = arith.truncf %sub3A_1260 : vector<256x64xf32> to vector<256x64xbf16>
    %get3A_1262 = arith.constant 5376 : index
    %get3A_1263 = arith.constant 0 : index
    %get3A_1264 = vector.load %arg1[%get3A_1262, %get3A_1263] : memref<8192x64xbf16, #tpu.memory_space<vmem>>, vector<64x64xbf16>
    %dot_general3A_1265 = arith.constant dense<0.000000e+00> : vector<256x64xf32>
    %dot_general3A_1266 = tpu.matmul %convert_element_type3A_1261, %get3A_1264, %dot_general3A_1265 {dimension_numbers = #tpu.dot_dimension_numbers<[1], [0], [0], [1], [0, 0, 1, 1], [], []>, transpose_lhs_hint = false} : vector<256x64xbf16>, vector<64x64xbf16>, vector<256x64xf32> -> vector<256x64xf32>
    %mul3A_1267 = arith.mulf %dot_general3A_1266, %sub3A_1260 : vector<256x64xf32>
    %reduce_sum3A_1268 = arith.constant dense<0.000000e+00> : vector<256xf32>
    %reduce_sum3A_1269 = vector.multi_reduction <add>, %mul3A_1267, %reduce_sum3A_1268 [1] : vector<256x64xf32> to vector<256xf32>
    %broadcast_in_dim3A_1270 = vector.shape_cast %reduce_sum3A_1269 : vector<256xf32> to vector<256x1xf32>
    %get3A_1271 = arith.constant 85 : index
    %get3A_1272 = arith.constant 0 : index
    %get3A_1273 = vector.load %arg3[%get3A_1271, %get3A_1272] : memref<128x64xf32, #tpu.memory_space<vmem>>, vector<1x64xf32>
    %sub3A_1274 = vector.broadcast %get3A_1273 : vector<1x64xf32> to vector<256x64xf32>
    %sub3A_1275 = arith.subf %get3A_1, %sub3A_1274 : vector<256x64xf32>
    %convert_element_type3A_1276 = arith.truncf %sub3A_1275 : vector<256x64xf32> to vector<256x64xbf16>
    %get3A_1277 = arith.constant 5440 : index
    %get3A_1278 = arith.constant 0 : index
    %get3A_1279 = vector.load %arg1[%get3A_1277, %get3A_1278] : memref<8192x64xbf16, #tpu.memory_space<vmem>>, vector<64x64xbf16>
    %dot_general3A_1280 = arith.constant dense<0.000000e+00> : vector<256x64xf32>
    %dot_general3A_1281 = tpu.matmul %convert_element_type3A_1276, %get3A_1279, %dot_general3A_1280 {dimension_numbers = #tpu.dot_dimension_numbers<[1], [0], [0], [1], [0, 0, 1, 1], [], []>, transpose_lhs_hint = false} : vector<256x64xbf16>, vector<64x64xbf16>, vector<256x64xf32> -> vector<256x64xf32>
    %mul3A_1282 = arith.mulf %dot_general3A_1281, %sub3A_1275 : vector<256x64xf32>
    %reduce_sum3A_1283 = arith.constant dense<0.000000e+00> : vector<256xf32>
    %reduce_sum3A_1284 = vector.multi_reduction <add>, %mul3A_1282, %reduce_sum3A_1283 [1] : vector<256x64xf32> to vector<256xf32>
    %broadcast_in_dim3A_1285 = vector.shape_cast %reduce_sum3A_1284 : vector<256xf32> to vector<256x1xf32>
    %get3A_1286 = arith.constant 86 : index
    %get3A_1287 = arith.constant 0 : index
    %get3A_1288 = vector.load %arg3[%get3A_1286, %get3A_1287] : memref<128x64xf32, #tpu.memory_space<vmem>>, vector<1x64xf32>
    %sub3A_1289 = vector.broadcast %get3A_1288 : vector<1x64xf32> to vector<256x64xf32>
    %sub3A_1290 = arith.subf %get3A_1, %sub3A_1289 : vector<256x64xf32>
    %convert_element_type3A_1291 = arith.truncf %sub3A_1290 : vector<256x64xf32> to vector<256x64xbf16>
    %get3A_1292 = arith.constant 5504 : index
    %get3A_1293 = arith.constant 0 : index
    %get3A_1294 = vector.load %arg1[%get3A_1292, %get3A_1293] : memref<8192x64xbf16, #tpu.memory_space<vmem>>, vector<64x64xbf16>
    %dot_general3A_1295 = arith.constant dense<0.000000e+00> : vector<256x64xf32>
    %dot_general3A_1296 = tpu.matmul %convert_element_type3A_1291, %get3A_1294, %dot_general3A_1295 {dimension_numbers = #tpu.dot_dimension_numbers<[1], [0], [0], [1], [0, 0, 1, 1], [], []>, transpose_lhs_hint = false} : vector<256x64xbf16>, vector<64x64xbf16>, vector<256x64xf32> -> vector<256x64xf32>
    %mul3A_1297 = arith.mulf %dot_general3A_1296, %sub3A_1290 : vector<256x64xf32>
    %reduce_sum3A_1298 = arith.constant dense<0.000000e+00> : vector<256xf32>
    %reduce_sum3A_1299 = vector.multi_reduction <add>, %mul3A_1297, %reduce_sum3A_1298 [1] : vector<256x64xf32> to vector<256xf32>
    %broadcast_in_dim3A_1300 = vector.shape_cast %reduce_sum3A_1299 : vector<256xf32> to vector<256x1xf32>
    %get3A_1301 = arith.constant 87 : index
    %get3A_1302 = arith.constant 0 : index
    %get3A_1303 = vector.load %arg3[%get3A_1301, %get3A_1302] : memref<128x64xf32, #tpu.memory_space<vmem>>, vector<1x64xf32>
    %sub3A_1304 = vector.broadcast %get3A_1303 : vector<1x64xf32> to vector<256x64xf32>
    %sub3A_1305 = arith.subf %get3A_1, %sub3A_1304 : vector<256x64xf32>
    %convert_element_type3A_1306 = arith.truncf %sub3A_1305 : vector<256x64xf32> to vector<256x64xbf16>
    %get3A_1307 = arith.constant 5568 : index
    %get3A_1308 = arith.constant 0 : index
    %get3A_1309 = vector.load %arg1[%get3A_1307, %get3A_1308] : memref<8192x64xbf16, #tpu.memory_space<vmem>>, vector<64x64xbf16>
    %dot_general3A_1310 = arith.constant dense<0.000000e+00> : vector<256x64xf32>
    %dot_general3A_1311 = tpu.matmul %convert_element_type3A_1306, %get3A_1309, %dot_general3A_1310 {dimension_numbers = #tpu.dot_dimension_numbers<[1], [0], [0], [1], [0, 0, 1, 1], [], []>, transpose_lhs_hint = false} : vector<256x64xbf16>, vector<64x64xbf16>, vector<256x64xf32> -> vector<256x64xf32>
    %mul3A_1312 = arith.mulf %dot_general3A_1311, %sub3A_1305 : vector<256x64xf32>
    %reduce_sum3A_1313 = arith.constant dense<0.000000e+00> : vector<256xf32>
    %reduce_sum3A_1314 = vector.multi_reduction <add>, %mul3A_1312, %reduce_sum3A_1313 [1] : vector<256x64xf32> to vector<256xf32>
    %broadcast_in_dim3A_1315 = vector.shape_cast %reduce_sum3A_1314 : vector<256xf32> to vector<256x1xf32>
    %get3A_1316 = arith.constant 88 : index
    %get3A_1317 = arith.constant 0 : index
    %get3A_1318 = vector.load %arg3[%get3A_1316, %get3A_1317] : memref<128x64xf32, #tpu.memory_space<vmem>>, vector<1x64xf32>
    %sub3A_1319 = vector.broadcast %get3A_1318 : vector<1x64xf32> to vector<256x64xf32>
    %sub3A_1320 = arith.subf %get3A_1, %sub3A_1319 : vector<256x64xf32>
    %convert_element_type3A_1321 = arith.truncf %sub3A_1320 : vector<256x64xf32> to vector<256x64xbf16>
    %get3A_1322 = arith.constant 5632 : index
    %get3A_1323 = arith.constant 0 : index
    %get3A_1324 = vector.load %arg1[%get3A_1322, %get3A_1323] : memref<8192x64xbf16, #tpu.memory_space<vmem>>, vector<64x64xbf16>
    %dot_general3A_1325 = arith.constant dense<0.000000e+00> : vector<256x64xf32>
    %dot_general3A_1326 = tpu.matmul %convert_element_type3A_1321, %get3A_1324, %dot_general3A_1325 {dimension_numbers = #tpu.dot_dimension_numbers<[1], [0], [0], [1], [0, 0, 1, 1], [], []>, transpose_lhs_hint = false} : vector<256x64xbf16>, vector<64x64xbf16>, vector<256x64xf32> -> vector<256x64xf32>
    %mul3A_1327 = arith.mulf %dot_general3A_1326, %sub3A_1320 : vector<256x64xf32>
    %reduce_sum3A_1328 = arith.constant dense<0.000000e+00> : vector<256xf32>
    %reduce_sum3A_1329 = vector.multi_reduction <add>, %mul3A_1327, %reduce_sum3A_1328 [1] : vector<256x64xf32> to vector<256xf32>
    %broadcast_in_dim3A_1330 = vector.shape_cast %reduce_sum3A_1329 : vector<256xf32> to vector<256x1xf32>
    %get3A_1331 = arith.constant 89 : index
    %get3A_1332 = arith.constant 0 : index
    %get3A_1333 = vector.load %arg3[%get3A_1331, %get3A_1332] : memref<128x64xf32, #tpu.memory_space<vmem>>, vector<1x64xf32>
    %sub3A_1334 = vector.broadcast %get3A_1333 : vector<1x64xf32> to vector<256x64xf32>
    %sub3A_1335 = arith.subf %get3A_1, %sub3A_1334 : vector<256x64xf32>
    %convert_element_type3A_1336 = arith.truncf %sub3A_1335 : vector<256x64xf32> to vector<256x64xbf16>
    %get3A_1337 = arith.constant 5696 : index
    %get3A_1338 = arith.constant 0 : index
    %get3A_1339 = vector.load %arg1[%get3A_1337, %get3A_1338] : memref<8192x64xbf16, #tpu.memory_space<vmem>>, vector<64x64xbf16>
    %dot_general3A_1340 = arith.constant dense<0.000000e+00> : vector<256x64xf32>
    %dot_general3A_1341 = tpu.matmul %convert_element_type3A_1336, %get3A_1339, %dot_general3A_1340 {dimension_numbers = #tpu.dot_dimension_numbers<[1], [0], [0], [1], [0, 0, 1, 1], [], []>, transpose_lhs_hint = false} : vector<256x64xbf16>, vector<64x64xbf16>, vector<256x64xf32> -> vector<256x64xf32>
    %mul3A_1342 = arith.mulf %dot_general3A_1341, %sub3A_1335 : vector<256x64xf32>
    %reduce_sum3A_1343 = arith.constant dense<0.000000e+00> : vector<256xf32>
    %reduce_sum3A_1344 = vector.multi_reduction <add>, %mul3A_1342, %reduce_sum3A_1343 [1] : vector<256x64xf32> to vector<256xf32>
    %broadcast_in_dim3A_1345 = vector.shape_cast %reduce_sum3A_1344 : vector<256xf32> to vector<256x1xf32>
    %get3A_1346 = arith.constant 90 : index
    %get3A_1347 = arith.constant 0 : index
    %get3A_1348 = vector.load %arg3[%get3A_1346, %get3A_1347] : memref<128x64xf32, #tpu.memory_space<vmem>>, vector<1x64xf32>
    %sub3A_1349 = vector.broadcast %get3A_1348 : vector<1x64xf32> to vector<256x64xf32>
    %sub3A_1350 = arith.subf %get3A_1, %sub3A_1349 : vector<256x64xf32>
    %convert_element_type3A_1351 = arith.truncf %sub3A_1350 : vector<256x64xf32> to vector<256x64xbf16>
    %get3A_1352 = arith.constant 5760 : index
    %get3A_1353 = arith.constant 0 : index
    %get3A_1354 = vector.load %arg1[%get3A_1352, %get3A_1353] : memref<8192x64xbf16, #tpu.memory_space<vmem>>, vector<64x64xbf16>
    %dot_general3A_1355 = arith.constant dense<0.000000e+00> : vector<256x64xf32>
    %dot_general3A_1356 = tpu.matmul %convert_element_type3A_1351, %get3A_1354, %dot_general3A_1355 {dimension_numbers = #tpu.dot_dimension_numbers<[1], [0], [0], [1], [0, 0, 1, 1], [], []>, transpose_lhs_hint = false} : vector<256x64xbf16>, vector<64x64xbf16>, vector<256x64xf32> -> vector<256x64xf32>
    %mul3A_1357 = arith.mulf %dot_general3A_1356, %sub3A_1350 : vector<256x64xf32>
    %reduce_sum3A_1358 = arith.constant dense<0.000000e+00> : vector<256xf32>
    %reduce_sum3A_1359 = vector.multi_reduction <add>, %mul3A_1357, %reduce_sum3A_1358 [1] : vector<256x64xf32> to vector<256xf32>
    %broadcast_in_dim3A_1360 = vector.shape_cast %reduce_sum3A_1359 : vector<256xf32> to vector<256x1xf32>
    %get3A_1361 = arith.constant 91 : index
    %get3A_1362 = arith.constant 0 : index
    %get3A_1363 = vector.load %arg3[%get3A_1361, %get3A_1362] : memref<128x64xf32, #tpu.memory_space<vmem>>, vector<1x64xf32>
    %sub3A_1364 = vector.broadcast %get3A_1363 : vector<1x64xf32> to vector<256x64xf32>
    %sub3A_1365 = arith.subf %get3A_1, %sub3A_1364 : vector<256x64xf32>
    %convert_element_type3A_1366 = arith.truncf %sub3A_1365 : vector<256x64xf32> to vector<256x64xbf16>
    %get3A_1367 = arith.constant 5824 : index
    %get3A_1368 = arith.constant 0 : index
    %get3A_1369 = vector.load %arg1[%get3A_1367, %get3A_1368] : memref<8192x64xbf16, #tpu.memory_space<vmem>>, vector<64x64xbf16>
    %dot_general3A_1370 = arith.constant dense<0.000000e+00> : vector<256x64xf32>
    %dot_general3A_1371 = tpu.matmul %convert_element_type3A_1366, %get3A_1369, %dot_general3A_1370 {dimension_numbers = #tpu.dot_dimension_numbers<[1], [0], [0], [1], [0, 0, 1, 1], [], []>, transpose_lhs_hint = false} : vector<256x64xbf16>, vector<64x64xbf16>, vector<256x64xf32> -> vector<256x64xf32>
    %mul3A_1372 = arith.mulf %dot_general3A_1371, %sub3A_1365 : vector<256x64xf32>
    %reduce_sum3A_1373 = arith.constant dense<0.000000e+00> : vector<256xf32>
    %reduce_sum3A_1374 = vector.multi_reduction <add>, %mul3A_1372, %reduce_sum3A_1373 [1] : vector<256x64xf32> to vector<256xf32>
    %broadcast_in_dim3A_1375 = vector.shape_cast %reduce_sum3A_1374 : vector<256xf32> to vector<256x1xf32>
    %get3A_1376 = arith.constant 92 : index
    %get3A_1377 = arith.constant 0 : index
    %get3A_1378 = vector.load %arg3[%get3A_1376, %get3A_1377] : memref<128x64xf32, #tpu.memory_space<vmem>>, vector<1x64xf32>
    %sub3A_1379 = vector.broadcast %get3A_1378 : vector<1x64xf32> to vector<256x64xf32>
    %sub3A_1380 = arith.subf %get3A_1, %sub3A_1379 : vector<256x64xf32>
    %convert_element_type3A_1381 = arith.truncf %sub3A_1380 : vector<256x64xf32> to vector<256x64xbf16>
    %get3A_1382 = arith.constant 5888 : index
    %get3A_1383 = arith.constant 0 : index
    %get3A_1384 = vector.load %arg1[%get3A_1382, %get3A_1383] : memref<8192x64xbf16, #tpu.memory_space<vmem>>, vector<64x64xbf16>
    %dot_general3A_1385 = arith.constant dense<0.000000e+00> : vector<256x64xf32>
    %dot_general3A_1386 = tpu.matmul %convert_element_type3A_1381, %get3A_1384, %dot_general3A_1385 {dimension_numbers = #tpu.dot_dimension_numbers<[1], [0], [0], [1], [0, 0, 1, 1], [], []>, transpose_lhs_hint = false} : vector<256x64xbf16>, vector<64x64xbf16>, vector<256x64xf32> -> vector<256x64xf32>
    %mul3A_1387 = arith.mulf %dot_general3A_1386, %sub3A_1380 : vector<256x64xf32>
    %reduce_sum3A_1388 = arith.constant dense<0.000000e+00> : vector<256xf32>
    %reduce_sum3A_1389 = vector.multi_reduction <add>, %mul3A_1387, %reduce_sum3A_1388 [1] : vector<256x64xf32> to vector<256xf32>
    %broadcast_in_dim3A_1390 = vector.shape_cast %reduce_sum3A_1389 : vector<256xf32> to vector<256x1xf32>
    %get3A_1391 = arith.constant 93 : index
    %get3A_1392 = arith.constant 0 : index
    %get3A_1393 = vector.load %arg3[%get3A_1391, %get3A_1392] : memref<128x64xf32, #tpu.memory_space<vmem>>, vector<1x64xf32>
    %sub3A_1394 = vector.broadcast %get3A_1393 : vector<1x64xf32> to vector<256x64xf32>
    %sub3A_1395 = arith.subf %get3A_1, %sub3A_1394 : vector<256x64xf32>
    %convert_element_type3A_1396 = arith.truncf %sub3A_1395 : vector<256x64xf32> to vector<256x64xbf16>
    %get3A_1397 = arith.constant 5952 : index
    %get3A_1398 = arith.constant 0 : index
    %get3A_1399 = vector.load %arg1[%get3A_1397, %get3A_1398] : memref<8192x64xbf16, #tpu.memory_space<vmem>>, vector<64x64xbf16>
    %dot_general3A_1400 = arith.constant dense<0.000000e+00> : vector<256x64xf32>
    %dot_general3A_1401 = tpu.matmul %convert_element_type3A_1396, %get3A_1399, %dot_general3A_1400 {dimension_numbers = #tpu.dot_dimension_numbers<[1], [0], [0], [1], [0, 0, 1, 1], [], []>, transpose_lhs_hint = false} : vector<256x64xbf16>, vector<64x64xbf16>, vector<256x64xf32> -> vector<256x64xf32>
    %mul3A_1402 = arith.mulf %dot_general3A_1401, %sub3A_1395 : vector<256x64xf32>
    %reduce_sum3A_1403 = arith.constant dense<0.000000e+00> : vector<256xf32>
    %reduce_sum3A_1404 = vector.multi_reduction <add>, %mul3A_1402, %reduce_sum3A_1403 [1] : vector<256x64xf32> to vector<256xf32>
    %broadcast_in_dim3A_1405 = vector.shape_cast %reduce_sum3A_1404 : vector<256xf32> to vector<256x1xf32>
    %get3A_1406 = arith.constant 94 : index
    %get3A_1407 = arith.constant 0 : index
    %get3A_1408 = vector.load %arg3[%get3A_1406, %get3A_1407] : memref<128x64xf32, #tpu.memory_space<vmem>>, vector<1x64xf32>
    %sub3A_1409 = vector.broadcast %get3A_1408 : vector<1x64xf32> to vector<256x64xf32>
    %sub3A_1410 = arith.subf %get3A_1, %sub3A_1409 : vector<256x64xf32>
    %convert_element_type3A_1411 = arith.truncf %sub3A_1410 : vector<256x64xf32> to vector<256x64xbf16>
    %get3A_1412 = arith.constant 6016 : index
    %get3A_1413 = arith.constant 0 : index
    %get3A_1414 = vector.load %arg1[%get3A_1412, %get3A_1413] : memref<8192x64xbf16, #tpu.memory_space<vmem>>, vector<64x64xbf16>
    %dot_general3A_1415 = arith.constant dense<0.000000e+00> : vector<256x64xf32>
    %dot_general3A_1416 = tpu.matmul %convert_element_type3A_1411, %get3A_1414, %dot_general3A_1415 {dimension_numbers = #tpu.dot_dimension_numbers<[1], [0], [0], [1], [0, 0, 1, 1], [], []>, transpose_lhs_hint = false} : vector<256x64xbf16>, vector<64x64xbf16>, vector<256x64xf32> -> vector<256x64xf32>
    %mul3A_1417 = arith.mulf %dot_general3A_1416, %sub3A_1410 : vector<256x64xf32>
    %reduce_sum3A_1418 = arith.constant dense<0.000000e+00> : vector<256xf32>
    %reduce_sum3A_1419 = vector.multi_reduction <add>, %mul3A_1417, %reduce_sum3A_1418 [1] : vector<256x64xf32> to vector<256xf32>
    %broadcast_in_dim3A_1420 = vector.shape_cast %reduce_sum3A_1419 : vector<256xf32> to vector<256x1xf32>
    %get3A_1421 = arith.constant 95 : index
    %get3A_1422 = arith.constant 0 : index
    %get3A_1423 = vector.load %arg3[%get3A_1421, %get3A_1422] : memref<128x64xf32, #tpu.memory_space<vmem>>, vector<1x64xf32>
    %sub3A_1424 = vector.broadcast %get3A_1423 : vector<1x64xf32> to vector<256x64xf32>
    %sub3A_1425 = arith.subf %get3A_1, %sub3A_1424 : vector<256x64xf32>
    %convert_element_type3A_1426 = arith.truncf %sub3A_1425 : vector<256x64xf32> to vector<256x64xbf16>
    %get3A_1427 = arith.constant 6080 : index
    %get3A_1428 = arith.constant 0 : index
    %get3A_1429 = vector.load %arg1[%get3A_1427, %get3A_1428] : memref<8192x64xbf16, #tpu.memory_space<vmem>>, vector<64x64xbf16>
    %dot_general3A_1430 = arith.constant dense<0.000000e+00> : vector<256x64xf32>
    %dot_general3A_1431 = tpu.matmul %convert_element_type3A_1426, %get3A_1429, %dot_general3A_1430 {dimension_numbers = #tpu.dot_dimension_numbers<[1], [0], [0], [1], [0, 0, 1, 1], [], []>, transpose_lhs_hint = false} : vector<256x64xbf16>, vector<64x64xbf16>, vector<256x64xf32> -> vector<256x64xf32>
    %mul3A_1432 = arith.mulf %dot_general3A_1431, %sub3A_1425 : vector<256x64xf32>
    %reduce_sum3A_1433 = arith.constant dense<0.000000e+00> : vector<256xf32>
    %reduce_sum3A_1434 = vector.multi_reduction <add>, %mul3A_1432, %reduce_sum3A_1433 [1] : vector<256x64xf32> to vector<256xf32>
    %broadcast_in_dim3A_1435 = vector.shape_cast %reduce_sum3A_1434 : vector<256xf32> to vector<256x1xf32>
    %get3A_1436 = arith.constant 96 : index
    %get3A_1437 = arith.constant 0 : index
    %get3A_1438 = vector.load %arg3[%get3A_1436, %get3A_1437] : memref<128x64xf32, #tpu.memory_space<vmem>>, vector<1x64xf32>
    %sub3A_1439 = vector.broadcast %get3A_1438 : vector<1x64xf32> to vector<256x64xf32>
    %sub3A_1440 = arith.subf %get3A_1, %sub3A_1439 : vector<256x64xf32>
    %convert_element_type3A_1441 = arith.truncf %sub3A_1440 : vector<256x64xf32> to vector<256x64xbf16>
    %get3A_1442 = arith.constant 6144 : index
    %get3A_1443 = arith.constant 0 : index
    %get3A_1444 = vector.load %arg1[%get3A_1442, %get3A_1443] : memref<8192x64xbf16, #tpu.memory_space<vmem>>, vector<64x64xbf16>
    %dot_general3A_1445 = arith.constant dense<0.000000e+00> : vector<256x64xf32>
    %dot_general3A_1446 = tpu.matmul %convert_element_type3A_1441, %get3A_1444, %dot_general3A_1445 {dimension_numbers = #tpu.dot_dimension_numbers<[1], [0], [0], [1], [0, 0, 1, 1], [], []>, transpose_lhs_hint = false} : vector<256x64xbf16>, vector<64x64xbf16>, vector<256x64xf32> -> vector<256x64xf32>
    %mul3A_1447 = arith.mulf %dot_general3A_1446, %sub3A_1440 : vector<256x64xf32>
    %reduce_sum3A_1448 = arith.constant dense<0.000000e+00> : vector<256xf32>
    %reduce_sum3A_1449 = vector.multi_reduction <add>, %mul3A_1447, %reduce_sum3A_1448 [1] : vector<256x64xf32> to vector<256xf32>
    %broadcast_in_dim3A_1450 = vector.shape_cast %reduce_sum3A_1449 : vector<256xf32> to vector<256x1xf32>
    %get3A_1451 = arith.constant 97 : index
    %get3A_1452 = arith.constant 0 : index
    %get3A_1453 = vector.load %arg3[%get3A_1451, %get3A_1452] : memref<128x64xf32, #tpu.memory_space<vmem>>, vector<1x64xf32>
    %sub3A_1454 = vector.broadcast %get3A_1453 : vector<1x64xf32> to vector<256x64xf32>
    %sub3A_1455 = arith.subf %get3A_1, %sub3A_1454 : vector<256x64xf32>
    %convert_element_type3A_1456 = arith.truncf %sub3A_1455 : vector<256x64xf32> to vector<256x64xbf16>
    %get3A_1457 = arith.constant 6208 : index
    %get3A_1458 = arith.constant 0 : index
    %get3A_1459 = vector.load %arg1[%get3A_1457, %get3A_1458] : memref<8192x64xbf16, #tpu.memory_space<vmem>>, vector<64x64xbf16>
    %dot_general3A_1460 = arith.constant dense<0.000000e+00> : vector<256x64xf32>
    %dot_general3A_1461 = tpu.matmul %convert_element_type3A_1456, %get3A_1459, %dot_general3A_1460 {dimension_numbers = #tpu.dot_dimension_numbers<[1], [0], [0], [1], [0, 0, 1, 1], [], []>, transpose_lhs_hint = false} : vector<256x64xbf16>, vector<64x64xbf16>, vector<256x64xf32> -> vector<256x64xf32>
    %mul3A_1462 = arith.mulf %dot_general3A_1461, %sub3A_1455 : vector<256x64xf32>
    %reduce_sum3A_1463 = arith.constant dense<0.000000e+00> : vector<256xf32>
    %reduce_sum3A_1464 = vector.multi_reduction <add>, %mul3A_1462, %reduce_sum3A_1463 [1] : vector<256x64xf32> to vector<256xf32>
    %broadcast_in_dim3A_1465 = vector.shape_cast %reduce_sum3A_1464 : vector<256xf32> to vector<256x1xf32>
    %get3A_1466 = arith.constant 98 : index
    %get3A_1467 = arith.constant 0 : index
    %get3A_1468 = vector.load %arg3[%get3A_1466, %get3A_1467] : memref<128x64xf32, #tpu.memory_space<vmem>>, vector<1x64xf32>
    %sub3A_1469 = vector.broadcast %get3A_1468 : vector<1x64xf32> to vector<256x64xf32>
    %sub3A_1470 = arith.subf %get3A_1, %sub3A_1469 : vector<256x64xf32>
    %convert_element_type3A_1471 = arith.truncf %sub3A_1470 : vector<256x64xf32> to vector<256x64xbf16>
    %get3A_1472 = arith.constant 6272 : index
    %get3A_1473 = arith.constant 0 : index
    %get3A_1474 = vector.load %arg1[%get3A_1472, %get3A_1473] : memref<8192x64xbf16, #tpu.memory_space<vmem>>, vector<64x64xbf16>
    %dot_general3A_1475 = arith.constant dense<0.000000e+00> : vector<256x64xf32>
    %dot_general3A_1476 = tpu.matmul %convert_element_type3A_1471, %get3A_1474, %dot_general3A_1475 {dimension_numbers = #tpu.dot_dimension_numbers<[1], [0], [0], [1], [0, 0, 1, 1], [], []>, transpose_lhs_hint = false} : vector<256x64xbf16>, vector<64x64xbf16>, vector<256x64xf32> -> vector<256x64xf32>
    %mul3A_1477 = arith.mulf %dot_general3A_1476, %sub3A_1470 : vector<256x64xf32>
    %reduce_sum3A_1478 = arith.constant dense<0.000000e+00> : vector<256xf32>
    %reduce_sum3A_1479 = vector.multi_reduction <add>, %mul3A_1477, %reduce_sum3A_1478 [1] : vector<256x64xf32> to vector<256xf32>
    %broadcast_in_dim3A_1480 = vector.shape_cast %reduce_sum3A_1479 : vector<256xf32> to vector<256x1xf32>
    %get3A_1481 = arith.constant 99 : index
    %get3A_1482 = arith.constant 0 : index
    %get3A_1483 = vector.load %arg3[%get3A_1481, %get3A_1482] : memref<128x64xf32, #tpu.memory_space<vmem>>, vector<1x64xf32>
    %sub3A_1484 = vector.broadcast %get3A_1483 : vector<1x64xf32> to vector<256x64xf32>
    %sub3A_1485 = arith.subf %get3A_1, %sub3A_1484 : vector<256x64xf32>
    %convert_element_type3A_1486 = arith.truncf %sub3A_1485 : vector<256x64xf32> to vector<256x64xbf16>
    %get3A_1487 = arith.constant 6336 : index
    %get3A_1488 = arith.constant 0 : index
    %get3A_1489 = vector.load %arg1[%get3A_1487, %get3A_1488] : memref<8192x64xbf16, #tpu.memory_space<vmem>>, vector<64x64xbf16>
    %dot_general3A_1490 = arith.constant dense<0.000000e+00> : vector<256x64xf32>
    %dot_general3A_1491 = tpu.matmul %convert_element_type3A_1486, %get3A_1489, %dot_general3A_1490 {dimension_numbers = #tpu.dot_dimension_numbers<[1], [0], [0], [1], [0, 0, 1, 1], [], []>, transpose_lhs_hint = false} : vector<256x64xbf16>, vector<64x64xbf16>, vector<256x64xf32> -> vector<256x64xf32>
    %mul3A_1492 = arith.mulf %dot_general3A_1491, %sub3A_1485 : vector<256x64xf32>
    %reduce_sum3A_1493 = arith.constant dense<0.000000e+00> : vector<256xf32>
    %reduce_sum3A_1494 = vector.multi_reduction <add>, %mul3A_1492, %reduce_sum3A_1493 [1] : vector<256x64xf32> to vector<256xf32>
    %broadcast_in_dim3A_1495 = vector.shape_cast %reduce_sum3A_1494 : vector<256xf32> to vector<256x1xf32>
    %get3A_1496 = arith.constant 100 : index
    %get3A_1497 = arith.constant 0 : index
    %get3A_1498 = vector.load %arg3[%get3A_1496, %get3A_1497] : memref<128x64xf32, #tpu.memory_space<vmem>>, vector<1x64xf32>
    %sub3A_1499 = vector.broadcast %get3A_1498 : vector<1x64xf32> to vector<256x64xf32>
    %sub3A_1500 = arith.subf %get3A_1, %sub3A_1499 : vector<256x64xf32>
    %convert_element_type3A_1501 = arith.truncf %sub3A_1500 : vector<256x64xf32> to vector<256x64xbf16>
    %get3A_1502 = arith.constant 6400 : index
    %get3A_1503 = arith.constant 0 : index
    %get3A_1504 = vector.load %arg1[%get3A_1502, %get3A_1503] : memref<8192x64xbf16, #tpu.memory_space<vmem>>, vector<64x64xbf16>
    %dot_general3A_1505 = arith.constant dense<0.000000e+00> : vector<256x64xf32>
    %dot_general3A_1506 = tpu.matmul %convert_element_type3A_1501, %get3A_1504, %dot_general3A_1505 {dimension_numbers = #tpu.dot_dimension_numbers<[1], [0], [0], [1], [0, 0, 1, 1], [], []>, transpose_lhs_hint = false} : vector<256x64xbf16>, vector<64x64xbf16>, vector<256x64xf32> -> vector<256x64xf32>
    %mul3A_1507 = arith.mulf %dot_general3A_1506, %sub3A_1500 : vector<256x64xf32>
    %reduce_sum3A_1508 = arith.constant dense<0.000000e+00> : vector<256xf32>
    %reduce_sum3A_1509 = vector.multi_reduction <add>, %mul3A_1507, %reduce_sum3A_1508 [1] : vector<256x64xf32> to vector<256xf32>
    %broadcast_in_dim3A_1510 = vector.shape_cast %reduce_sum3A_1509 : vector<256xf32> to vector<256x1xf32>
    %get3A_1511 = arith.constant 101 : index
    %get3A_1512 = arith.constant 0 : index
    %get3A_1513 = vector.load %arg3[%get3A_1511, %get3A_1512] : memref<128x64xf32, #tpu.memory_space<vmem>>, vector<1x64xf32>
    %sub3A_1514 = vector.broadcast %get3A_1513 : vector<1x64xf32> to vector<256x64xf32>
    %sub3A_1515 = arith.subf %get3A_1, %sub3A_1514 : vector<256x64xf32>
    %convert_element_type3A_1516 = arith.truncf %sub3A_1515 : vector<256x64xf32> to vector<256x64xbf16>
    %get3A_1517 = arith.constant 6464 : index
    %get3A_1518 = arith.constant 0 : index
    %get3A_1519 = vector.load %arg1[%get3A_1517, %get3A_1518] : memref<8192x64xbf16, #tpu.memory_space<vmem>>, vector<64x64xbf16>
    %dot_general3A_1520 = arith.constant dense<0.000000e+00> : vector<256x64xf32>
    %dot_general3A_1521 = tpu.matmul %convert_element_type3A_1516, %get3A_1519, %dot_general3A_1520 {dimension_numbers = #tpu.dot_dimension_numbers<[1], [0], [0], [1], [0, 0, 1, 1], [], []>, transpose_lhs_hint = false} : vector<256x64xbf16>, vector<64x64xbf16>, vector<256x64xf32> -> vector<256x64xf32>
    %mul3A_1522 = arith.mulf %dot_general3A_1521, %sub3A_1515 : vector<256x64xf32>
    %reduce_sum3A_1523 = arith.constant dense<0.000000e+00> : vector<256xf32>
    %reduce_sum3A_1524 = vector.multi_reduction <add>, %mul3A_1522, %reduce_sum3A_1523 [1] : vector<256x64xf32> to vector<256xf32>
    %broadcast_in_dim3A_1525 = vector.shape_cast %reduce_sum3A_1524 : vector<256xf32> to vector<256x1xf32>
    %get3A_1526 = arith.constant 102 : index
    %get3A_1527 = arith.constant 0 : index
    %get3A_1528 = vector.load %arg3[%get3A_1526, %get3A_1527] : memref<128x64xf32, #tpu.memory_space<vmem>>, vector<1x64xf32>
    %sub3A_1529 = vector.broadcast %get3A_1528 : vector<1x64xf32> to vector<256x64xf32>
    %sub3A_1530 = arith.subf %get3A_1, %sub3A_1529 : vector<256x64xf32>
    %convert_element_type3A_1531 = arith.truncf %sub3A_1530 : vector<256x64xf32> to vector<256x64xbf16>
    %get3A_1532 = arith.constant 6528 : index
    %get3A_1533 = arith.constant 0 : index
    %get3A_1534 = vector.load %arg1[%get3A_1532, %get3A_1533] : memref<8192x64xbf16, #tpu.memory_space<vmem>>, vector<64x64xbf16>
    %dot_general3A_1535 = arith.constant dense<0.000000e+00> : vector<256x64xf32>
    %dot_general3A_1536 = tpu.matmul %convert_element_type3A_1531, %get3A_1534, %dot_general3A_1535 {dimension_numbers = #tpu.dot_dimension_numbers<[1], [0], [0], [1], [0, 0, 1, 1], [], []>, transpose_lhs_hint = false} : vector<256x64xbf16>, vector<64x64xbf16>, vector<256x64xf32> -> vector<256x64xf32>
    %mul3A_1537 = arith.mulf %dot_general3A_1536, %sub3A_1530 : vector<256x64xf32>
    %reduce_sum3A_1538 = arith.constant dense<0.000000e+00> : vector<256xf32>
    %reduce_sum3A_1539 = vector.multi_reduction <add>, %mul3A_1537, %reduce_sum3A_1538 [1] : vector<256x64xf32> to vector<256xf32>
    %broadcast_in_dim3A_1540 = vector.shape_cast %reduce_sum3A_1539 : vector<256xf32> to vector<256x1xf32>
    %get3A_1541 = arith.constant 103 : index
    %get3A_1542 = arith.constant 0 : index
    %get3A_1543 = vector.load %arg3[%get3A_1541, %get3A_1542] : memref<128x64xf32, #tpu.memory_space<vmem>>, vector<1x64xf32>
    %sub3A_1544 = vector.broadcast %get3A_1543 : vector<1x64xf32> to vector<256x64xf32>
    %sub3A_1545 = arith.subf %get3A_1, %sub3A_1544 : vector<256x64xf32>
    %convert_element_type3A_1546 = arith.truncf %sub3A_1545 : vector<256x64xf32> to vector<256x64xbf16>
    %get3A_1547 = arith.constant 6592 : index
    %get3A_1548 = arith.constant 0 : index
    %get3A_1549 = vector.load %arg1[%get3A_1547, %get3A_1548] : memref<8192x64xbf16, #tpu.memory_space<vmem>>, vector<64x64xbf16>
    %dot_general3A_1550 = arith.constant dense<0.000000e+00> : vector<256x64xf32>
    %dot_general3A_1551 = tpu.matmul %convert_element_type3A_1546, %get3A_1549, %dot_general3A_1550 {dimension_numbers = #tpu.dot_dimension_numbers<[1], [0], [0], [1], [0, 0, 1, 1], [], []>, transpose_lhs_hint = false} : vector<256x64xbf16>, vector<64x64xbf16>, vector<256x64xf32> -> vector<256x64xf32>
    %mul3A_1552 = arith.mulf %dot_general3A_1551, %sub3A_1545 : vector<256x64xf32>
    %reduce_sum3A_1553 = arith.constant dense<0.000000e+00> : vector<256xf32>
    %reduce_sum3A_1554 = vector.multi_reduction <add>, %mul3A_1552, %reduce_sum3A_1553 [1] : vector<256x64xf32> to vector<256xf32>
    %broadcast_in_dim3A_1555 = vector.shape_cast %reduce_sum3A_1554 : vector<256xf32> to vector<256x1xf32>
    %get3A_1556 = arith.constant 104 : index
    %get3A_1557 = arith.constant 0 : index
    %get3A_1558 = vector.load %arg3[%get3A_1556, %get3A_1557] : memref<128x64xf32, #tpu.memory_space<vmem>>, vector<1x64xf32>
    %sub3A_1559 = vector.broadcast %get3A_1558 : vector<1x64xf32> to vector<256x64xf32>
    %sub3A_1560 = arith.subf %get3A_1, %sub3A_1559 : vector<256x64xf32>
    %convert_element_type3A_1561 = arith.truncf %sub3A_1560 : vector<256x64xf32> to vector<256x64xbf16>
    %get3A_1562 = arith.constant 6656 : index
    %get3A_1563 = arith.constant 0 : index
    %get3A_1564 = vector.load %arg1[%get3A_1562, %get3A_1563] : memref<8192x64xbf16, #tpu.memory_space<vmem>>, vector<64x64xbf16>
    %dot_general3A_1565 = arith.constant dense<0.000000e+00> : vector<256x64xf32>
    %dot_general3A_1566 = tpu.matmul %convert_element_type3A_1561, %get3A_1564, %dot_general3A_1565 {dimension_numbers = #tpu.dot_dimension_numbers<[1], [0], [0], [1], [0, 0, 1, 1], [], []>, transpose_lhs_hint = false} : vector<256x64xbf16>, vector<64x64xbf16>, vector<256x64xf32> -> vector<256x64xf32>
    %mul3A_1567 = arith.mulf %dot_general3A_1566, %sub3A_1560 : vector<256x64xf32>
    %reduce_sum3A_1568 = arith.constant dense<0.000000e+00> : vector<256xf32>
    %reduce_sum3A_1569 = vector.multi_reduction <add>, %mul3A_1567, %reduce_sum3A_1568 [1] : vector<256x64xf32> to vector<256xf32>
    %broadcast_in_dim3A_1570 = vector.shape_cast %reduce_sum3A_1569 : vector<256xf32> to vector<256x1xf32>
    %get3A_1571 = arith.constant 105 : index
    %get3A_1572 = arith.constant 0 : index
    %get3A_1573 = vector.load %arg3[%get3A_1571, %get3A_1572] : memref<128x64xf32, #tpu.memory_space<vmem>>, vector<1x64xf32>
    %sub3A_1574 = vector.broadcast %get3A_1573 : vector<1x64xf32> to vector<256x64xf32>
    %sub3A_1575 = arith.subf %get3A_1, %sub3A_1574 : vector<256x64xf32>
    %convert_element_type3A_1576 = arith.truncf %sub3A_1575 : vector<256x64xf32> to vector<256x64xbf16>
    %get3A_1577 = arith.constant 6720 : index
    %get3A_1578 = arith.constant 0 : index
    %get3A_1579 = vector.load %arg1[%get3A_1577, %get3A_1578] : memref<8192x64xbf16, #tpu.memory_space<vmem>>, vector<64x64xbf16>
    %dot_general3A_1580 = arith.constant dense<0.000000e+00> : vector<256x64xf32>
    %dot_general3A_1581 = tpu.matmul %convert_element_type3A_1576, %get3A_1579, %dot_general3A_1580 {dimension_numbers = #tpu.dot_dimension_numbers<[1], [0], [0], [1], [0, 0, 1, 1], [], []>, transpose_lhs_hint = false} : vector<256x64xbf16>, vector<64x64xbf16>, vector<256x64xf32> -> vector<256x64xf32>
    %mul3A_1582 = arith.mulf %dot_general3A_1581, %sub3A_1575 : vector<256x64xf32>
    %reduce_sum3A_1583 = arith.constant dense<0.000000e+00> : vector<256xf32>
    %reduce_sum3A_1584 = vector.multi_reduction <add>, %mul3A_1582, %reduce_sum3A_1583 [1] : vector<256x64xf32> to vector<256xf32>
    %broadcast_in_dim3A_1585 = vector.shape_cast %reduce_sum3A_1584 : vector<256xf32> to vector<256x1xf32>
    %get3A_1586 = arith.constant 106 : index
    %get3A_1587 = arith.constant 0 : index
    %get3A_1588 = vector.load %arg3[%get3A_1586, %get3A_1587] : memref<128x64xf32, #tpu.memory_space<vmem>>, vector<1x64xf32>
    %sub3A_1589 = vector.broadcast %get3A_1588 : vector<1x64xf32> to vector<256x64xf32>
    %sub3A_1590 = arith.subf %get3A_1, %sub3A_1589 : vector<256x64xf32>
    %convert_element_type3A_1591 = arith.truncf %sub3A_1590 : vector<256x64xf32> to vector<256x64xbf16>
    %get3A_1592 = arith.constant 6784 : index
    %get3A_1593 = arith.constant 0 : index
    %get3A_1594 = vector.load %arg1[%get3A_1592, %get3A_1593] : memref<8192x64xbf16, #tpu.memory_space<vmem>>, vector<64x64xbf16>
    %dot_general3A_1595 = arith.constant dense<0.000000e+00> : vector<256x64xf32>
    %dot_general3A_1596 = tpu.matmul %convert_element_type3A_1591, %get3A_1594, %dot_general3A_1595 {dimension_numbers = #tpu.dot_dimension_numbers<[1], [0], [0], [1], [0, 0, 1, 1], [], []>, transpose_lhs_hint = false} : vector<256x64xbf16>, vector<64x64xbf16>, vector<256x64xf32> -> vector<256x64xf32>
    %mul3A_1597 = arith.mulf %dot_general3A_1596, %sub3A_1590 : vector<256x64xf32>
    %reduce_sum3A_1598 = arith.constant dense<0.000000e+00> : vector<256xf32>
    %reduce_sum3A_1599 = vector.multi_reduction <add>, %mul3A_1597, %reduce_sum3A_1598 [1] : vector<256x64xf32> to vector<256xf32>
    %broadcast_in_dim3A_1600 = vector.shape_cast %reduce_sum3A_1599 : vector<256xf32> to vector<256x1xf32>
    %get3A_1601 = arith.constant 107 : index
    %get3A_1602 = arith.constant 0 : index
    %get3A_1603 = vector.load %arg3[%get3A_1601, %get3A_1602] : memref<128x64xf32, #tpu.memory_space<vmem>>, vector<1x64xf32>
    %sub3A_1604 = vector.broadcast %get3A_1603 : vector<1x64xf32> to vector<256x64xf32>
    %sub3A_1605 = arith.subf %get3A_1, %sub3A_1604 : vector<256x64xf32>
    %convert_element_type3A_1606 = arith.truncf %sub3A_1605 : vector<256x64xf32> to vector<256x64xbf16>
    %get3A_1607 = arith.constant 6848 : index
    %get3A_1608 = arith.constant 0 : index
    %get3A_1609 = vector.load %arg1[%get3A_1607, %get3A_1608] : memref<8192x64xbf16, #tpu.memory_space<vmem>>, vector<64x64xbf16>
    %dot_general3A_1610 = arith.constant dense<0.000000e+00> : vector<256x64xf32>
    %dot_general3A_1611 = tpu.matmul %convert_element_type3A_1606, %get3A_1609, %dot_general3A_1610 {dimension_numbers = #tpu.dot_dimension_numbers<[1], [0], [0], [1], [0, 0, 1, 1], [], []>, transpose_lhs_hint = false} : vector<256x64xbf16>, vector<64x64xbf16>, vector<256x64xf32> -> vector<256x64xf32>
    %mul3A_1612 = arith.mulf %dot_general3A_1611, %sub3A_1605 : vector<256x64xf32>
    %reduce_sum3A_1613 = arith.constant dense<0.000000e+00> : vector<256xf32>
    %reduce_sum3A_1614 = vector.multi_reduction <add>, %mul3A_1612, %reduce_sum3A_1613 [1] : vector<256x64xf32> to vector<256xf32>
    %broadcast_in_dim3A_1615 = vector.shape_cast %reduce_sum3A_1614 : vector<256xf32> to vector<256x1xf32>
    %get3A_1616 = arith.constant 108 : index
    %get3A_1617 = arith.constant 0 : index
    %get3A_1618 = vector.load %arg3[%get3A_1616, %get3A_1617] : memref<128x64xf32, #tpu.memory_space<vmem>>, vector<1x64xf32>
    %sub3A_1619 = vector.broadcast %get3A_1618 : vector<1x64xf32> to vector<256x64xf32>
    %sub3A_1620 = arith.subf %get3A_1, %sub3A_1619 : vector<256x64xf32>
    %convert_element_type3A_1621 = arith.truncf %sub3A_1620 : vector<256x64xf32> to vector<256x64xbf16>
    %get3A_1622 = arith.constant 6912 : index
    %get3A_1623 = arith.constant 0 : index
    %get3A_1624 = vector.load %arg1[%get3A_1622, %get3A_1623] : memref<8192x64xbf16, #tpu.memory_space<vmem>>, vector<64x64xbf16>
    %dot_general3A_1625 = arith.constant dense<0.000000e+00> : vector<256x64xf32>
    %dot_general3A_1626 = tpu.matmul %convert_element_type3A_1621, %get3A_1624, %dot_general3A_1625 {dimension_numbers = #tpu.dot_dimension_numbers<[1], [0], [0], [1], [0, 0, 1, 1], [], []>, transpose_lhs_hint = false} : vector<256x64xbf16>, vector<64x64xbf16>, vector<256x64xf32> -> vector<256x64xf32>
    %mul3A_1627 = arith.mulf %dot_general3A_1626, %sub3A_1620 : vector<256x64xf32>
    %reduce_sum3A_1628 = arith.constant dense<0.000000e+00> : vector<256xf32>
    %reduce_sum3A_1629 = vector.multi_reduction <add>, %mul3A_1627, %reduce_sum3A_1628 [1] : vector<256x64xf32> to vector<256xf32>
    %broadcast_in_dim3A_1630 = vector.shape_cast %reduce_sum3A_1629 : vector<256xf32> to vector<256x1xf32>
    %get3A_1631 = arith.constant 109 : index
    %get3A_1632 = arith.constant 0 : index
    %get3A_1633 = vector.load %arg3[%get3A_1631, %get3A_1632] : memref<128x64xf32, #tpu.memory_space<vmem>>, vector<1x64xf32>
    %sub3A_1634 = vector.broadcast %get3A_1633 : vector<1x64xf32> to vector<256x64xf32>
    %sub3A_1635 = arith.subf %get3A_1, %sub3A_1634 : vector<256x64xf32>
    %convert_element_type3A_1636 = arith.truncf %sub3A_1635 : vector<256x64xf32> to vector<256x64xbf16>
    %get3A_1637 = arith.constant 6976 : index
    %get3A_1638 = arith.constant 0 : index
    %get3A_1639 = vector.load %arg1[%get3A_1637, %get3A_1638] : memref<8192x64xbf16, #tpu.memory_space<vmem>>, vector<64x64xbf16>
    %dot_general3A_1640 = arith.constant dense<0.000000e+00> : vector<256x64xf32>
    %dot_general3A_1641 = tpu.matmul %convert_element_type3A_1636, %get3A_1639, %dot_general3A_1640 {dimension_numbers = #tpu.dot_dimension_numbers<[1], [0], [0], [1], [0, 0, 1, 1], [], []>, transpose_lhs_hint = false} : vector<256x64xbf16>, vector<64x64xbf16>, vector<256x64xf32> -> vector<256x64xf32>
    %mul3A_1642 = arith.mulf %dot_general3A_1641, %sub3A_1635 : vector<256x64xf32>
    %reduce_sum3A_1643 = arith.constant dense<0.000000e+00> : vector<256xf32>
    %reduce_sum3A_1644 = vector.multi_reduction <add>, %mul3A_1642, %reduce_sum3A_1643 [1] : vector<256x64xf32> to vector<256xf32>
    %broadcast_in_dim3A_1645 = vector.shape_cast %reduce_sum3A_1644 : vector<256xf32> to vector<256x1xf32>
    %get3A_1646 = arith.constant 110 : index
    %get3A_1647 = arith.constant 0 : index
    %get3A_1648 = vector.load %arg3[%get3A_1646, %get3A_1647] : memref<128x64xf32, #tpu.memory_space<vmem>>, vector<1x64xf32>
    %sub3A_1649 = vector.broadcast %get3A_1648 : vector<1x64xf32> to vector<256x64xf32>
    %sub3A_1650 = arith.subf %get3A_1, %sub3A_1649 : vector<256x64xf32>
    %convert_element_type3A_1651 = arith.truncf %sub3A_1650 : vector<256x64xf32> to vector<256x64xbf16>
    %get3A_1652 = arith.constant 7040 : index
    %get3A_1653 = arith.constant 0 : index
    %get3A_1654 = vector.load %arg1[%get3A_1652, %get3A_1653] : memref<8192x64xbf16, #tpu.memory_space<vmem>>, vector<64x64xbf16>
    %dot_general3A_1655 = arith.constant dense<0.000000e+00> : vector<256x64xf32>
    %dot_general3A_1656 = tpu.matmul %convert_element_type3A_1651, %get3A_1654, %dot_general3A_1655 {dimension_numbers = #tpu.dot_dimension_numbers<[1], [0], [0], [1], [0, 0, 1, 1], [], []>, transpose_lhs_hint = false} : vector<256x64xbf16>, vector<64x64xbf16>, vector<256x64xf32> -> vector<256x64xf32>
    %mul3A_1657 = arith.mulf %dot_general3A_1656, %sub3A_1650 : vector<256x64xf32>
    %reduce_sum3A_1658 = arith.constant dense<0.000000e+00> : vector<256xf32>
    %reduce_sum3A_1659 = vector.multi_reduction <add>, %mul3A_1657, %reduce_sum3A_1658 [1] : vector<256x64xf32> to vector<256xf32>
    %broadcast_in_dim3A_1660 = vector.shape_cast %reduce_sum3A_1659 : vector<256xf32> to vector<256x1xf32>
    %get3A_1661 = arith.constant 111 : index
    %get3A_1662 = arith.constant 0 : index
    %get3A_1663 = vector.load %arg3[%get3A_1661, %get3A_1662] : memref<128x64xf32, #tpu.memory_space<vmem>>, vector<1x64xf32>
    %sub3A_1664 = vector.broadcast %get3A_1663 : vector<1x64xf32> to vector<256x64xf32>
    %sub3A_1665 = arith.subf %get3A_1, %sub3A_1664 : vector<256x64xf32>
    %convert_element_type3A_1666 = arith.truncf %sub3A_1665 : vector<256x64xf32> to vector<256x64xbf16>
    %get3A_1667 = arith.constant 7104 : index
    %get3A_1668 = arith.constant 0 : index
    %get3A_1669 = vector.load %arg1[%get3A_1667, %get3A_1668] : memref<8192x64xbf16, #tpu.memory_space<vmem>>, vector<64x64xbf16>
    %dot_general3A_1670 = arith.constant dense<0.000000e+00> : vector<256x64xf32>
    %dot_general3A_1671 = tpu.matmul %convert_element_type3A_1666, %get3A_1669, %dot_general3A_1670 {dimension_numbers = #tpu.dot_dimension_numbers<[1], [0], [0], [1], [0, 0, 1, 1], [], []>, transpose_lhs_hint = false} : vector<256x64xbf16>, vector<64x64xbf16>, vector<256x64xf32> -> vector<256x64xf32>
    %mul3A_1672 = arith.mulf %dot_general3A_1671, %sub3A_1665 : vector<256x64xf32>
    %reduce_sum3A_1673 = arith.constant dense<0.000000e+00> : vector<256xf32>
    %reduce_sum3A_1674 = vector.multi_reduction <add>, %mul3A_1672, %reduce_sum3A_1673 [1] : vector<256x64xf32> to vector<256xf32>
    %broadcast_in_dim3A_1675 = vector.shape_cast %reduce_sum3A_1674 : vector<256xf32> to vector<256x1xf32>
    %get3A_1676 = arith.constant 112 : index
    %get3A_1677 = arith.constant 0 : index
    %get3A_1678 = vector.load %arg3[%get3A_1676, %get3A_1677] : memref<128x64xf32, #tpu.memory_space<vmem>>, vector<1x64xf32>
    %sub3A_1679 = vector.broadcast %get3A_1678 : vector<1x64xf32> to vector<256x64xf32>
    %sub3A_1680 = arith.subf %get3A_1, %sub3A_1679 : vector<256x64xf32>
    %convert_element_type3A_1681 = arith.truncf %sub3A_1680 : vector<256x64xf32> to vector<256x64xbf16>
    %get3A_1682 = arith.constant 7168 : index
    %get3A_1683 = arith.constant 0 : index
    %get3A_1684 = vector.load %arg1[%get3A_1682, %get3A_1683] : memref<8192x64xbf16, #tpu.memory_space<vmem>>, vector<64x64xbf16>
    %dot_general3A_1685 = arith.constant dense<0.000000e+00> : vector<256x64xf32>
    %dot_general3A_1686 = tpu.matmul %convert_element_type3A_1681, %get3A_1684, %dot_general3A_1685 {dimension_numbers = #tpu.dot_dimension_numbers<[1], [0], [0], [1], [0, 0, 1, 1], [], []>, transpose_lhs_hint = false} : vector<256x64xbf16>, vector<64x64xbf16>, vector<256x64xf32> -> vector<256x64xf32>
    %mul3A_1687 = arith.mulf %dot_general3A_1686, %sub3A_1680 : vector<256x64xf32>
    %reduce_sum3A_1688 = arith.constant dense<0.000000e+00> : vector<256xf32>
    %reduce_sum3A_1689 = vector.multi_reduction <add>, %mul3A_1687, %reduce_sum3A_1688 [1] : vector<256x64xf32> to vector<256xf32>
    %broadcast_in_dim3A_1690 = vector.shape_cast %reduce_sum3A_1689 : vector<256xf32> to vector<256x1xf32>
    %get3A_1691 = arith.constant 113 : index
    %get3A_1692 = arith.constant 0 : index
    %get3A_1693 = vector.load %arg3[%get3A_1691, %get3A_1692] : memref<128x64xf32, #tpu.memory_space<vmem>>, vector<1x64xf32>
    %sub3A_1694 = vector.broadcast %get3A_1693 : vector<1x64xf32> to vector<256x64xf32>
    %sub3A_1695 = arith.subf %get3A_1, %sub3A_1694 : vector<256x64xf32>
    %convert_element_type3A_1696 = arith.truncf %sub3A_1695 : vector<256x64xf32> to vector<256x64xbf16>
    %get3A_1697 = arith.constant 7232 : index
    %get3A_1698 = arith.constant 0 : index
    %get3A_1699 = vector.load %arg1[%get3A_1697, %get3A_1698] : memref<8192x64xbf16, #tpu.memory_space<vmem>>, vector<64x64xbf16>
    %dot_general3A_1700 = arith.constant dense<0.000000e+00> : vector<256x64xf32>
    %dot_general3A_1701 = tpu.matmul %convert_element_type3A_1696, %get3A_1699, %dot_general3A_1700 {dimension_numbers = #tpu.dot_dimension_numbers<[1], [0], [0], [1], [0, 0, 1, 1], [], []>, transpose_lhs_hint = false} : vector<256x64xbf16>, vector<64x64xbf16>, vector<256x64xf32> -> vector<256x64xf32>
    %mul3A_1702 = arith.mulf %dot_general3A_1701, %sub3A_1695 : vector<256x64xf32>
    %reduce_sum3A_1703 = arith.constant dense<0.000000e+00> : vector<256xf32>
    %reduce_sum3A_1704 = vector.multi_reduction <add>, %mul3A_1702, %reduce_sum3A_1703 [1] : vector<256x64xf32> to vector<256xf32>
    %broadcast_in_dim3A_1705 = vector.shape_cast %reduce_sum3A_1704 : vector<256xf32> to vector<256x1xf32>
    %get3A_1706 = arith.constant 114 : index
    %get3A_1707 = arith.constant 0 : index
    %get3A_1708 = vector.load %arg3[%get3A_1706, %get3A_1707] : memref<128x64xf32, #tpu.memory_space<vmem>>, vector<1x64xf32>
    %sub3A_1709 = vector.broadcast %get3A_1708 : vector<1x64xf32> to vector<256x64xf32>
    %sub3A_1710 = arith.subf %get3A_1, %sub3A_1709 : vector<256x64xf32>
    %convert_element_type3A_1711 = arith.truncf %sub3A_1710 : vector<256x64xf32> to vector<256x64xbf16>
    %get3A_1712 = arith.constant 7296 : index
    %get3A_1713 = arith.constant 0 : index
    %get3A_1714 = vector.load %arg1[%get3A_1712, %get3A_1713] : memref<8192x64xbf16, #tpu.memory_space<vmem>>, vector<64x64xbf16>
    %dot_general3A_1715 = arith.constant dense<0.000000e+00> : vector<256x64xf32>
    %dot_general3A_1716 = tpu.matmul %convert_element_type3A_1711, %get3A_1714, %dot_general3A_1715 {dimension_numbers = #tpu.dot_dimension_numbers<[1], [0], [0], [1], [0, 0, 1, 1], [], []>, transpose_lhs_hint = false} : vector<256x64xbf16>, vector<64x64xbf16>, vector<256x64xf32> -> vector<256x64xf32>
    %mul3A_1717 = arith.mulf %dot_general3A_1716, %sub3A_1710 : vector<256x64xf32>
    %reduce_sum3A_1718 = arith.constant dense<0.000000e+00> : vector<256xf32>
    %reduce_sum3A_1719 = vector.multi_reduction <add>, %mul3A_1717, %reduce_sum3A_1718 [1] : vector<256x64xf32> to vector<256xf32>
    %broadcast_in_dim3A_1720 = vector.shape_cast %reduce_sum3A_1719 : vector<256xf32> to vector<256x1xf32>
    %get3A_1721 = arith.constant 115 : index
    %get3A_1722 = arith.constant 0 : index
    %get3A_1723 = vector.load %arg3[%get3A_1721, %get3A_1722] : memref<128x64xf32, #tpu.memory_space<vmem>>, vector<1x64xf32>
    %sub3A_1724 = vector.broadcast %get3A_1723 : vector<1x64xf32> to vector<256x64xf32>
    %sub3A_1725 = arith.subf %get3A_1, %sub3A_1724 : vector<256x64xf32>
    %convert_element_type3A_1726 = arith.truncf %sub3A_1725 : vector<256x64xf32> to vector<256x64xbf16>
    %get3A_1727 = arith.constant 7360 : index
    %get3A_1728 = arith.constant 0 : index
    %get3A_1729 = vector.load %arg1[%get3A_1727, %get3A_1728] : memref<8192x64xbf16, #tpu.memory_space<vmem>>, vector<64x64xbf16>
    %dot_general3A_1730 = arith.constant dense<0.000000e+00> : vector<256x64xf32>
    %dot_general3A_1731 = tpu.matmul %convert_element_type3A_1726, %get3A_1729, %dot_general3A_1730 {dimension_numbers = #tpu.dot_dimension_numbers<[1], [0], [0], [1], [0, 0, 1, 1], [], []>, transpose_lhs_hint = false} : vector<256x64xbf16>, vector<64x64xbf16>, vector<256x64xf32> -> vector<256x64xf32>
    %mul3A_1732 = arith.mulf %dot_general3A_1731, %sub3A_1725 : vector<256x64xf32>
    %reduce_sum3A_1733 = arith.constant dense<0.000000e+00> : vector<256xf32>
    %reduce_sum3A_1734 = vector.multi_reduction <add>, %mul3A_1732, %reduce_sum3A_1733 [1] : vector<256x64xf32> to vector<256xf32>
    %broadcast_in_dim3A_1735 = vector.shape_cast %reduce_sum3A_1734 : vector<256xf32> to vector<256x1xf32>
    %get3A_1736 = arith.constant 116 : index
    %get3A_1737 = arith.constant 0 : index
    %get3A_1738 = vector.load %arg3[%get3A_1736, %get3A_1737] : memref<128x64xf32, #tpu.memory_space<vmem>>, vector<1x64xf32>
    %sub3A_1739 = vector.broadcast %get3A_1738 : vector<1x64xf32> to vector<256x64xf32>
    %sub3A_1740 = arith.subf %get3A_1, %sub3A_1739 : vector<256x64xf32>
    %convert_element_type3A_1741 = arith.truncf %sub3A_1740 : vector<256x64xf32> to vector<256x64xbf16>
    %get3A_1742 = arith.constant 7424 : index
    %get3A_1743 = arith.constant 0 : index
    %get3A_1744 = vector.load %arg1[%get3A_1742, %get3A_1743] : memref<8192x64xbf16, #tpu.memory_space<vmem>>, vector<64x64xbf16>
    %dot_general3A_1745 = arith.constant dense<0.000000e+00> : vector<256x64xf32>
    %dot_general3A_1746 = tpu.matmul %convert_element_type3A_1741, %get3A_1744, %dot_general3A_1745 {dimension_numbers = #tpu.dot_dimension_numbers<[1], [0], [0], [1], [0, 0, 1, 1], [], []>, transpose_lhs_hint = false} : vector<256x64xbf16>, vector<64x64xbf16>, vector<256x64xf32> -> vector<256x64xf32>
    %mul3A_1747 = arith.mulf %dot_general3A_1746, %sub3A_1740 : vector<256x64xf32>
    %reduce_sum3A_1748 = arith.constant dense<0.000000e+00> : vector<256xf32>
    %reduce_sum3A_1749 = vector.multi_reduction <add>, %mul3A_1747, %reduce_sum3A_1748 [1] : vector<256x64xf32> to vector<256xf32>
    %broadcast_in_dim3A_1750 = vector.shape_cast %reduce_sum3A_1749 : vector<256xf32> to vector<256x1xf32>
    %get3A_1751 = arith.constant 117 : index
    %get3A_1752 = arith.constant 0 : index
    %get3A_1753 = vector.load %arg3[%get3A_1751, %get3A_1752] : memref<128x64xf32, #tpu.memory_space<vmem>>, vector<1x64xf32>
    %sub3A_1754 = vector.broadcast %get3A_1753 : vector<1x64xf32> to vector<256x64xf32>
    %sub3A_1755 = arith.subf %get3A_1, %sub3A_1754 : vector<256x64xf32>
    %convert_element_type3A_1756 = arith.truncf %sub3A_1755 : vector<256x64xf32> to vector<256x64xbf16>
    %get3A_1757 = arith.constant 7488 : index
    %get3A_1758 = arith.constant 0 : index
    %get3A_1759 = vector.load %arg1[%get3A_1757, %get3A_1758] : memref<8192x64xbf16, #tpu.memory_space<vmem>>, vector<64x64xbf16>
    %dot_general3A_1760 = arith.constant dense<0.000000e+00> : vector<256x64xf32>
    %dot_general3A_1761 = tpu.matmul %convert_element_type3A_1756, %get3A_1759, %dot_general3A_1760 {dimension_numbers = #tpu.dot_dimension_numbers<[1], [0], [0], [1], [0, 0, 1, 1], [], []>, transpose_lhs_hint = false} : vector<256x64xbf16>, vector<64x64xbf16>, vector<256x64xf32> -> vector<256x64xf32>
    %mul3A_1762 = arith.mulf %dot_general3A_1761, %sub3A_1755 : vector<256x64xf32>
    %reduce_sum3A_1763 = arith.constant dense<0.000000e+00> : vector<256xf32>
    %reduce_sum3A_1764 = vector.multi_reduction <add>, %mul3A_1762, %reduce_sum3A_1763 [1] : vector<256x64xf32> to vector<256xf32>
    %broadcast_in_dim3A_1765 = vector.shape_cast %reduce_sum3A_1764 : vector<256xf32> to vector<256x1xf32>
    %get3A_1766 = arith.constant 118 : index
    %get3A_1767 = arith.constant 0 : index
    %get3A_1768 = vector.load %arg3[%get3A_1766, %get3A_1767] : memref<128x64xf32, #tpu.memory_space<vmem>>, vector<1x64xf32>
    %sub3A_1769 = vector.broadcast %get3A_1768 : vector<1x64xf32> to vector<256x64xf32>
    %sub3A_1770 = arith.subf %get3A_1, %sub3A_1769 : vector<256x64xf32>
    %convert_element_type3A_1771 = arith.truncf %sub3A_1770 : vector<256x64xf32> to vector<256x64xbf16>
    %get3A_1772 = arith.constant 7552 : index
    %get3A_1773 = arith.constant 0 : index
    %get3A_1774 = vector.load %arg1[%get3A_1772, %get3A_1773] : memref<8192x64xbf16, #tpu.memory_space<vmem>>, vector<64x64xbf16>
    %dot_general3A_1775 = arith.constant dense<0.000000e+00> : vector<256x64xf32>
    %dot_general3A_1776 = tpu.matmul %convert_element_type3A_1771, %get3A_1774, %dot_general3A_1775 {dimension_numbers = #tpu.dot_dimension_numbers<[1], [0], [0], [1], [0, 0, 1, 1], [], []>, transpose_lhs_hint = false} : vector<256x64xbf16>, vector<64x64xbf16>, vector<256x64xf32> -> vector<256x64xf32>
    %mul3A_1777 = arith.mulf %dot_general3A_1776, %sub3A_1770 : vector<256x64xf32>
    %reduce_sum3A_1778 = arith.constant dense<0.000000e+00> : vector<256xf32>
    %reduce_sum3A_1779 = vector.multi_reduction <add>, %mul3A_1777, %reduce_sum3A_1778 [1] : vector<256x64xf32> to vector<256xf32>
    %broadcast_in_dim3A_1780 = vector.shape_cast %reduce_sum3A_1779 : vector<256xf32> to vector<256x1xf32>
    %get3A_1781 = arith.constant 119 : index
    %get3A_1782 = arith.constant 0 : index
    %get3A_1783 = vector.load %arg3[%get3A_1781, %get3A_1782] : memref<128x64xf32, #tpu.memory_space<vmem>>, vector<1x64xf32>
    %sub3A_1784 = vector.broadcast %get3A_1783 : vector<1x64xf32> to vector<256x64xf32>
    %sub3A_1785 = arith.subf %get3A_1, %sub3A_1784 : vector<256x64xf32>
    %convert_element_type3A_1786 = arith.truncf %sub3A_1785 : vector<256x64xf32> to vector<256x64xbf16>
    %get3A_1787 = arith.constant 7616 : index
    %get3A_1788 = arith.constant 0 : index
    %get3A_1789 = vector.load %arg1[%get3A_1787, %get3A_1788] : memref<8192x64xbf16, #tpu.memory_space<vmem>>, vector<64x64xbf16>
    %dot_general3A_1790 = arith.constant dense<0.000000e+00> : vector<256x64xf32>
    %dot_general3A_1791 = tpu.matmul %convert_element_type3A_1786, %get3A_1789, %dot_general3A_1790 {dimension_numbers = #tpu.dot_dimension_numbers<[1], [0], [0], [1], [0, 0, 1, 1], [], []>, transpose_lhs_hint = false} : vector<256x64xbf16>, vector<64x64xbf16>, vector<256x64xf32> -> vector<256x64xf32>
    %mul3A_1792 = arith.mulf %dot_general3A_1791, %sub3A_1785 : vector<256x64xf32>
    %reduce_sum3A_1793 = arith.constant dense<0.000000e+00> : vector<256xf32>
    %reduce_sum3A_1794 = vector.multi_reduction <add>, %mul3A_1792, %reduce_sum3A_1793 [1] : vector<256x64xf32> to vector<256xf32>
    %broadcast_in_dim3A_1795 = vector.shape_cast %reduce_sum3A_1794 : vector<256xf32> to vector<256x1xf32>
    %get3A_1796 = arith.constant 120 : index
    %get3A_1797 = arith.constant 0 : index
    %get3A_1798 = vector.load %arg3[%get3A_1796, %get3A_1797] : memref<128x64xf32, #tpu.memory_space<vmem>>, vector<1x64xf32>
    %sub3A_1799 = vector.broadcast %get3A_1798 : vector<1x64xf32> to vector<256x64xf32>
    %sub3A_1800 = arith.subf %get3A_1, %sub3A_1799 : vector<256x64xf32>
    %convert_element_type3A_1801 = arith.truncf %sub3A_1800 : vector<256x64xf32> to vector<256x64xbf16>
    %get3A_1802 = arith.constant 7680 : index
    %get3A_1803 = arith.constant 0 : index
    %get3A_1804 = vector.load %arg1[%get3A_1802, %get3A_1803] : memref<8192x64xbf16, #tpu.memory_space<vmem>>, vector<64x64xbf16>
    %dot_general3A_1805 = arith.constant dense<0.000000e+00> : vector<256x64xf32>
    %dot_general3A_1806 = tpu.matmul %convert_element_type3A_1801, %get3A_1804, %dot_general3A_1805 {dimension_numbers = #tpu.dot_dimension_numbers<[1], [0], [0], [1], [0, 0, 1, 1], [], []>, transpose_lhs_hint = false} : vector<256x64xbf16>, vector<64x64xbf16>, vector<256x64xf32> -> vector<256x64xf32>
    %mul3A_1807 = arith.mulf %dot_general3A_1806, %sub3A_1800 : vector<256x64xf32>
    %reduce_sum3A_1808 = arith.constant dense<0.000000e+00> : vector<256xf32>
    %reduce_sum3A_1809 = vector.multi_reduction <add>, %mul3A_1807, %reduce_sum3A_1808 [1] : vector<256x64xf32> to vector<256xf32>
    %broadcast_in_dim3A_1810 = vector.shape_cast %reduce_sum3A_1809 : vector<256xf32> to vector<256x1xf32>
    %get3A_1811 = arith.constant 121 : index
    %get3A_1812 = arith.constant 0 : index
    %get3A_1813 = vector.load %arg3[%get3A_1811, %get3A_1812] : memref<128x64xf32, #tpu.memory_space<vmem>>, vector<1x64xf32>
    %sub3A_1814 = vector.broadcast %get3A_1813 : vector<1x64xf32> to vector<256x64xf32>
    %sub3A_1815 = arith.subf %get3A_1, %sub3A_1814 : vector<256x64xf32>
    %convert_element_type3A_1816 = arith.truncf %sub3A_1815 : vector<256x64xf32> to vector<256x64xbf16>
    %get3A_1817 = arith.constant 7744 : index
    %get3A_1818 = arith.constant 0 : index
    %get3A_1819 = vector.load %arg1[%get3A_1817, %get3A_1818] : memref<8192x64xbf16, #tpu.memory_space<vmem>>, vector<64x64xbf16>
    %dot_general3A_1820 = arith.constant dense<0.000000e+00> : vector<256x64xf32>
    %dot_general3A_1821 = tpu.matmul %convert_element_type3A_1816, %get3A_1819, %dot_general3A_1820 {dimension_numbers = #tpu.dot_dimension_numbers<[1], [0], [0], [1], [0, 0, 1, 1], [], []>, transpose_lhs_hint = false} : vector<256x64xbf16>, vector<64x64xbf16>, vector<256x64xf32> -> vector<256x64xf32>
    %mul3A_1822 = arith.mulf %dot_general3A_1821, %sub3A_1815 : vector<256x64xf32>
    %reduce_sum3A_1823 = arith.constant dense<0.000000e+00> : vector<256xf32>
    %reduce_sum3A_1824 = vector.multi_reduction <add>, %mul3A_1822, %reduce_sum3A_1823 [1] : vector<256x64xf32> to vector<256xf32>
    %broadcast_in_dim3A_1825 = vector.shape_cast %reduce_sum3A_1824 : vector<256xf32> to vector<256x1xf32>
    %get3A_1826 = arith.constant 122 : index
    %get3A_1827 = arith.constant 0 : index
    %get3A_1828 = vector.load %arg3[%get3A_1826, %get3A_1827] : memref<128x64xf32, #tpu.memory_space<vmem>>, vector<1x64xf32>
    %sub3A_1829 = vector.broadcast %get3A_1828 : vector<1x64xf32> to vector<256x64xf32>
    %sub3A_1830 = arith.subf %get3A_1, %sub3A_1829 : vector<256x64xf32>
    %convert_element_type3A_1831 = arith.truncf %sub3A_1830 : vector<256x64xf32> to vector<256x64xbf16>
    %get3A_1832 = arith.constant 7808 : index
    %get3A_1833 = arith.constant 0 : index
    %get3A_1834 = vector.load %arg1[%get3A_1832, %get3A_1833] : memref<8192x64xbf16, #tpu.memory_space<vmem>>, vector<64x64xbf16>
    %dot_general3A_1835 = arith.constant dense<0.000000e+00> : vector<256x64xf32>
    %dot_general3A_1836 = tpu.matmul %convert_element_type3A_1831, %get3A_1834, %dot_general3A_1835 {dimension_numbers = #tpu.dot_dimension_numbers<[1], [0], [0], [1], [0, 0, 1, 1], [], []>, transpose_lhs_hint = false} : vector<256x64xbf16>, vector<64x64xbf16>, vector<256x64xf32> -> vector<256x64xf32>
    %mul3A_1837 = arith.mulf %dot_general3A_1836, %sub3A_1830 : vector<256x64xf32>
    %reduce_sum3A_1838 = arith.constant dense<0.000000e+00> : vector<256xf32>
    %reduce_sum3A_1839 = vector.multi_reduction <add>, %mul3A_1837, %reduce_sum3A_1838 [1] : vector<256x64xf32> to vector<256xf32>
    %broadcast_in_dim3A_1840 = vector.shape_cast %reduce_sum3A_1839 : vector<256xf32> to vector<256x1xf32>
    %get3A_1841 = arith.constant 123 : index
    %get3A_1842 = arith.constant 0 : index
    %get3A_1843 = vector.load %arg3[%get3A_1841, %get3A_1842] : memref<128x64xf32, #tpu.memory_space<vmem>>, vector<1x64xf32>
    %sub3A_1844 = vector.broadcast %get3A_1843 : vector<1x64xf32> to vector<256x64xf32>
    %sub3A_1845 = arith.subf %get3A_1, %sub3A_1844 : vector<256x64xf32>
    %convert_element_type3A_1846 = arith.truncf %sub3A_1845 : vector<256x64xf32> to vector<256x64xbf16>
    %get3A_1847 = arith.constant 7872 : index
    %get3A_1848 = arith.constant 0 : index
    %get3A_1849 = vector.load %arg1[%get3A_1847, %get3A_1848] : memref<8192x64xbf16, #tpu.memory_space<vmem>>, vector<64x64xbf16>
    %dot_general3A_1850 = arith.constant dense<0.000000e+00> : vector<256x64xf32>
    %dot_general3A_1851 = tpu.matmul %convert_element_type3A_1846, %get3A_1849, %dot_general3A_1850 {dimension_numbers = #tpu.dot_dimension_numbers<[1], [0], [0], [1], [0, 0, 1, 1], [], []>, transpose_lhs_hint = false} : vector<256x64xbf16>, vector<64x64xbf16>, vector<256x64xf32> -> vector<256x64xf32>
    %mul3A_1852 = arith.mulf %dot_general3A_1851, %sub3A_1845 : vector<256x64xf32>
    %reduce_sum3A_1853 = arith.constant dense<0.000000e+00> : vector<256xf32>
    %reduce_sum3A_1854 = vector.multi_reduction <add>, %mul3A_1852, %reduce_sum3A_1853 [1] : vector<256x64xf32> to vector<256xf32>
    %broadcast_in_dim3A_1855 = vector.shape_cast %reduce_sum3A_1854 : vector<256xf32> to vector<256x1xf32>
    %get3A_1856 = arith.constant 124 : index
    %get3A_1857 = arith.constant 0 : index
    %get3A_1858 = vector.load %arg3[%get3A_1856, %get3A_1857] : memref<128x64xf32, #tpu.memory_space<vmem>>, vector<1x64xf32>
    %sub3A_1859 = vector.broadcast %get3A_1858 : vector<1x64xf32> to vector<256x64xf32>
    %sub3A_1860 = arith.subf %get3A_1, %sub3A_1859 : vector<256x64xf32>
    %convert_element_type3A_1861 = arith.truncf %sub3A_1860 : vector<256x64xf32> to vector<256x64xbf16>
    %get3A_1862 = arith.constant 7936 : index
    %get3A_1863 = arith.constant 0 : index
    %get3A_1864 = vector.load %arg1[%get3A_1862, %get3A_1863] : memref<8192x64xbf16, #tpu.memory_space<vmem>>, vector<64x64xbf16>
    %dot_general3A_1865 = arith.constant dense<0.000000e+00> : vector<256x64xf32>
    %dot_general3A_1866 = tpu.matmul %convert_element_type3A_1861, %get3A_1864, %dot_general3A_1865 {dimension_numbers = #tpu.dot_dimension_numbers<[1], [0], [0], [1], [0, 0, 1, 1], [], []>, transpose_lhs_hint = false} : vector<256x64xbf16>, vector<64x64xbf16>, vector<256x64xf32> -> vector<256x64xf32>
    %mul3A_1867 = arith.mulf %dot_general3A_1866, %sub3A_1860 : vector<256x64xf32>
    %reduce_sum3A_1868 = arith.constant dense<0.000000e+00> : vector<256xf32>
    %reduce_sum3A_1869 = vector.multi_reduction <add>, %mul3A_1867, %reduce_sum3A_1868 [1] : vector<256x64xf32> to vector<256xf32>
    %broadcast_in_dim3A_1870 = vector.shape_cast %reduce_sum3A_1869 : vector<256xf32> to vector<256x1xf32>
    %get3A_1871 = arith.constant 125 : index
    %get3A_1872 = arith.constant 0 : index
    %get3A_1873 = vector.load %arg3[%get3A_1871, %get3A_1872] : memref<128x64xf32, #tpu.memory_space<vmem>>, vector<1x64xf32>
    %sub3A_1874 = vector.broadcast %get3A_1873 : vector<1x64xf32> to vector<256x64xf32>
    %sub3A_1875 = arith.subf %get3A_1, %sub3A_1874 : vector<256x64xf32>
    %convert_element_type3A_1876 = arith.truncf %sub3A_1875 : vector<256x64xf32> to vector<256x64xbf16>
    %get3A_1877 = arith.constant 8000 : index
    %get3A_1878 = arith.constant 0 : index
    %get3A_1879 = vector.load %arg1[%get3A_1877, %get3A_1878] : memref<8192x64xbf16, #tpu.memory_space<vmem>>, vector<64x64xbf16>
    %dot_general3A_1880 = arith.constant dense<0.000000e+00> : vector<256x64xf32>
    %dot_general3A_1881 = tpu.matmul %convert_element_type3A_1876, %get3A_1879, %dot_general3A_1880 {dimension_numbers = #tpu.dot_dimension_numbers<[1], [0], [0], [1], [0, 0, 1, 1], [], []>, transpose_lhs_hint = false} : vector<256x64xbf16>, vector<64x64xbf16>, vector<256x64xf32> -> vector<256x64xf32>
    %mul3A_1882 = arith.mulf %dot_general3A_1881, %sub3A_1875 : vector<256x64xf32>
    %reduce_sum3A_1883 = arith.constant dense<0.000000e+00> : vector<256xf32>
    %reduce_sum3A_1884 = vector.multi_reduction <add>, %mul3A_1882, %reduce_sum3A_1883 [1] : vector<256x64xf32> to vector<256xf32>
    %broadcast_in_dim3A_1885 = vector.shape_cast %reduce_sum3A_1884 : vector<256xf32> to vector<256x1xf32>
    %get3A_1886 = arith.constant 126 : index
    %get3A_1887 = arith.constant 0 : index
    %get3A_1888 = vector.load %arg3[%get3A_1886, %get3A_1887] : memref<128x64xf32, #tpu.memory_space<vmem>>, vector<1x64xf32>
    %sub3A_1889 = vector.broadcast %get3A_1888 : vector<1x64xf32> to vector<256x64xf32>
    %sub3A_1890 = arith.subf %get3A_1, %sub3A_1889 : vector<256x64xf32>
    %convert_element_type3A_1891 = arith.truncf %sub3A_1890 : vector<256x64xf32> to vector<256x64xbf16>
    %get3A_1892 = arith.constant 8064 : index
    %get3A_1893 = arith.constant 0 : index
    %get3A_1894 = vector.load %arg1[%get3A_1892, %get3A_1893] : memref<8192x64xbf16, #tpu.memory_space<vmem>>, vector<64x64xbf16>
    %dot_general3A_1895 = arith.constant dense<0.000000e+00> : vector<256x64xf32>
    %dot_general3A_1896 = tpu.matmul %convert_element_type3A_1891, %get3A_1894, %dot_general3A_1895 {dimension_numbers = #tpu.dot_dimension_numbers<[1], [0], [0], [1], [0, 0, 1, 1], [], []>, transpose_lhs_hint = false} : vector<256x64xbf16>, vector<64x64xbf16>, vector<256x64xf32> -> vector<256x64xf32>
    %mul3A_1897 = arith.mulf %dot_general3A_1896, %sub3A_1890 : vector<256x64xf32>
    %reduce_sum3A_1898 = arith.constant dense<0.000000e+00> : vector<256xf32>
    %reduce_sum3A_1899 = vector.multi_reduction <add>, %mul3A_1897, %reduce_sum3A_1898 [1] : vector<256x64xf32> to vector<256xf32>
    %broadcast_in_dim3A_1900 = vector.shape_cast %reduce_sum3A_1899 : vector<256xf32> to vector<256x1xf32>
    %get3A_1901 = arith.constant 127 : index
    %get3A_1902 = arith.constant 0 : index
    %get3A_1903 = vector.load %arg3[%get3A_1901, %get3A_1902] : memref<128x64xf32, #tpu.memory_space<vmem>>, vector<1x64xf32>
    %sub3A_1904 = vector.broadcast %get3A_1903 : vector<1x64xf32> to vector<256x64xf32>
    %sub3A_1905 = arith.subf %get3A_1, %sub3A_1904 : vector<256x64xf32>
    %convert_element_type3A_1906 = arith.truncf %sub3A_1905 : vector<256x64xf32> to vector<256x64xbf16>
    %get3A_1907 = arith.constant 8128 : index
    %get3A_1908 = arith.constant 0 : index
    %get3A_1909 = vector.load %arg1[%get3A_1907, %get3A_1908] : memref<8192x64xbf16, #tpu.memory_space<vmem>>, vector<64x64xbf16>
    %dot_general3A_1910 = arith.constant dense<0.000000e+00> : vector<256x64xf32>
    %dot_general3A_1911 = tpu.matmul %convert_element_type3A_1906, %get3A_1909, %dot_general3A_1910 {dimension_numbers = #tpu.dot_dimension_numbers<[1], [0], [0], [1], [0, 0, 1, 1], [], []>, transpose_lhs_hint = false} : vector<256x64xbf16>, vector<64x64xbf16>, vector<256x64xf32> -> vector<256x64xf32>
    %mul3A_1912 = arith.mulf %dot_general3A_1911, %sub3A_1905 : vector<256x64xf32>
    %reduce_sum3A_1913 = arith.constant dense<0.000000e+00> : vector<256xf32>
    %reduce_sum3A_1914 = vector.multi_reduction <add>, %mul3A_1912, %reduce_sum3A_1913 [1] : vector<256x64xf32> to vector<256xf32>
    %broadcast_in_dim3A_1915 = vector.shape_cast %reduce_sum3A_1914 : vector<256xf32> to vector<256x1xf32>
    %concatenate3A = tpu.concatenate %broadcast_in_dim3A, %broadcast_in_dim3A_25, %broadcast_in_dim3A_40, %broadcast_in_dim3A_55, %broadcast_in_dim3A_70, %broadcast_in_dim3A_85, %broadcast_in_dim3A_100, %broadcast_in_dim3A_115, %broadcast_in_dim3A_130, %broadcast_in_dim3A_145, %broadcast_in_dim3A_160, %broadcast_in_dim3A_175, %broadcast_in_dim3A_190, %broadcast_in_dim3A_205, %broadcast_in_dim3A_220, %broadcast_in_dim3A_235, %broadcast_in_dim3A_250, %broadcast_in_dim3A_265, %broadcast_in_dim3A_280, %broadcast_in_dim3A_295, %broadcast_in_dim3A_310, %broadcast_in_dim3A_325, %broadcast_in_dim3A_340, %broadcast_in_dim3A_355, %broadcast_in_dim3A_370, %broadcast_in_dim3A_385, %broadcast_in_dim3A_400, %broadcast_in_dim3A_415, %broadcast_in_dim3A_430, %broadcast_in_dim3A_445, %broadcast_in_dim3A_460, %broadcast_in_dim3A_475, %broadcast_in_dim3A_490, %broadcast_in_dim3A_505, %broadcast_in_dim3A_520, %broadcast_in_dim3A_535, %broadcast_in_dim3A_550, %broadcast_in_dim3A_565, %broadcast_in_dim3A_580, %broadcast_in_dim3A_595, %broadcast_in_dim3A_610, %broadcast_in_dim3A_625, %broadcast_in_dim3A_640, %broadcast_in_dim3A_655, %broadcast_in_dim3A_670, %broadcast_in_dim3A_685, %broadcast_in_dim3A_700, %broadcast_in_dim3A_715, %broadcast_in_dim3A_730, %broadcast_in_dim3A_745, %broadcast_in_dim3A_760, %broadcast_in_dim3A_775, %broadcast_in_dim3A_790, %broadcast_in_dim3A_805, %broadcast_in_dim3A_820, %broadcast_in_dim3A_835, %broadcast_in_dim3A_850, %broadcast_in_dim3A_865, %broadcast_in_dim3A_880, %broadcast_in_dim3A_895, %broadcast_in_dim3A_910, %broadcast_in_dim3A_925, %broadcast_in_dim3A_940, %broadcast_in_dim3A_955, %broadcast_in_dim3A_970, %broadcast_in_dim3A_985, %broadcast_in_dim3A_1000, %broadcast_in_dim3A_1015, %broadcast_in_dim3A_1030, %broadcast_in_dim3A_1045, %broadcast_in_dim3A_1060, %broadcast_in_dim3A_1075, %broadcast_in_dim3A_1090, %broadcast_in_dim3A_1105, %broadcast_in_dim3A_1120, %broadcast_in_dim3A_1135, %broadcast_in_dim3A_1150, %broadcast_in_dim3A_1165, %broadcast_in_dim3A_1180, %broadcast_in_dim3A_1195, %broadcast_in_dim3A_1210, %broadcast_in_dim3A_1225, %broadcast_in_dim3A_1240, %broadcast_in_dim3A_1255, %broadcast_in_dim3A_1270, %broadcast_in_dim3A_1285, %broadcast_in_dim3A_1300, %broadcast_in_dim3A_1315, %broadcast_in_dim3A_1330, %broadcast_in_dim3A_1345, %broadcast_in_dim3A_1360, %broadcast_in_dim3A_1375, %broadcast_in_dim3A_1390, %broadcast_in_dim3A_1405, %broadcast_in_dim3A_1420, %broadcast_in_dim3A_1435, %broadcast_in_dim3A_1450, %broadcast_in_dim3A_1465, %broadcast_in_dim3A_1480, %broadcast_in_dim3A_1495, %broadcast_in_dim3A_1510, %broadcast_in_dim3A_1525, %broadcast_in_dim3A_1540, %broadcast_in_dim3A_1555, %broadcast_in_dim3A_1570, %broadcast_in_dim3A_1585, %broadcast_in_dim3A_1600, %broadcast_in_dim3A_1615, %broadcast_in_dim3A_1630, %broadcast_in_dim3A_1645, %broadcast_in_dim3A_1660, %broadcast_in_dim3A_1675, %broadcast_in_dim3A_1690, %broadcast_in_dim3A_1705, %broadcast_in_dim3A_1720, %broadcast_in_dim3A_1735, %broadcast_in_dim3A_1750, %broadcast_in_dim3A_1765, %broadcast_in_dim3A_1780, %broadcast_in_dim3A_1795, %broadcast_in_dim3A_1810, %broadcast_in_dim3A_1825, %broadcast_in_dim3A_1840, %broadcast_in_dim3A_1855, %broadcast_in_dim3A_1870, %broadcast_in_dim3A_1885, %broadcast_in_dim3A_1900, %broadcast_in_dim3A_1915 in 1 : vector<256x1xf32>, vector<256x1xf32>, vector<256x1xf32>, vector<256x1xf32>, vector<256x1xf32>, vector<256x1xf32>, vector<256x1xf32>, vector<256x1xf32>, vector<256x1xf32>, vector<256x1xf32>, vector<256x1xf32>, vector<256x1xf32>, vector<256x1xf32>, vector<256x1xf32>, vector<256x1xf32>, vector<256x1xf32>, vector<256x1xf32>, vector<256x1xf32>, vector<256x1xf32>, vector<256x1xf32>, vector<256x1xf32>, vector<256x1xf32>, vector<256x1xf32>, vector<256x1xf32>, vector<256x1xf32>, vector<256x1xf32>, vector<256x1xf32>, vector<256x1xf32>, vector<256x1xf32>, vector<256x1xf32>, vector<256x1xf32>, vector<256x1xf32>, vector<256x1xf32>, vector<256x1xf32>, vector<256x1xf32>, vector<256x1xf32>, vector<256x1xf32>, vector<256x1xf32>, vector<256x1xf32>, vector<256x1xf32>, vector<256x1xf32>, vector<256x1xf32>, vector<256x1xf32>, vector<256x1xf32>, vector<256x1xf32>, vector<256x1xf32>, vector<256x1xf32>, vector<256x1xf32>, vector<256x1xf32>, vector<256x1xf32>, vector<256x1xf32>, vector<256x1xf32>, vector<256x1xf32>, vector<256x1xf32>, vector<256x1xf32>, vector<256x1xf32>, vector<256x1xf32>, vector<256x1xf32>, vector<256x1xf32>, vector<256x1xf32>, vector<256x1xf32>, vector<256x1xf32>, vector<256x1xf32>, vector<256x1xf32>, vector<256x1xf32>, vector<256x1xf32>, vector<256x1xf32>, vector<256x1xf32>, vector<256x1xf32>, vector<256x1xf32>, vector<256x1xf32>, vector<256x1xf32>, vector<256x1xf32>, vector<256x1xf32>, vector<256x1xf32>, vector<256x1xf32>, vector<256x1xf32>, vector<256x1xf32>, vector<256x1xf32>, vector<256x1xf32>, vector<256x1xf32>, vector<256x1xf32>, vector<256x1xf32>, vector<256x1xf32>, vector<256x1xf32>, vector<256x1xf32>, vector<256x1xf32>, vector<256x1xf32>, vector<256x1xf32>, vector<256x1xf32>, vector<256x1xf32>, vector<256x1xf32>, vector<256x1xf32>, vector<256x1xf32>, vector<256x1xf32>, vector<256x1xf32>, vector<256x1xf32>, vector<256x1xf32>, vector<256x1xf32>, vector<256x1xf32>, vector<256x1xf32>, vector<256x1xf32>, vector<256x1xf32>, vector<256x1xf32>, vector<256x1xf32>, vector<256x1xf32>, vector<256x1xf32>, vector<256x1xf32>, vector<256x1xf32>, vector<256x1xf32>, vector<256x1xf32>, vector<256x1xf32>, vector<256x1xf32>, vector<256x1xf32>, vector<256x1xf32>, vector<256x1xf32>, vector<256x1xf32>, vector<256x1xf32>, vector<256x1xf32>, vector<256x1xf32>, vector<256x1xf32>, vector<256x1xf32>, vector<256x1xf32>, vector<256x1xf32>, vector<256x1xf32>, vector<256x1xf32>, vector<256x1xf32>, vector<256x1xf32> -> vector<256x128xf32>
    %get3A_1916 = arith.constant 0 : index
    %get3A_1917 = arith.constant 0 : index
    %get3A_1918 = arith.constant 0 : index
    %get3A_1919 = vector.load %arg4[%get3A_1916, %get3A_1917, %get3A_1918] : memref<1x1x128xf32, #tpu.memory_space<vmem>>, vector<1x1x128xf32>
    %get3A_1920 = vector.shape_cast %get3A_1919 : vector<1x1x128xf32> to vector<1x128xf32>
    %ge3A = arith.constant 5.000000e+00 : f32
    %ge3A_1921 = vector.broadcast %ge3A : f32 to vector<1x128xf32>
    %ge3A_1922 = arith.cmpf oge, %get3A_1920, %ge3A_1921 : vector<1x128xf32>
    %jit3A = arith.constant 1.000000e+00 : f32
    %jit3A_1923 = arith.constant 0.000000e+00 : f32
    %broadcast_in_dim3A_1924 = vector.broadcast %jit3A : f32 to vector<1x128xf32>
    %broadcast_in_dim3A_1925 = vector.broadcast %jit3A_1923 : f32 to vector<1x128xf32>
    %select_n3A = arith.select %ge3A_1922, %broadcast_in_dim3A_1924, %broadcast_in_dim3A_1925 : vector<1x128xi1>, vector<1x128xf32>
    %mul3A_1926 = arith.constant -5.000000e-01 : f32
    %mul3A_1927 = vector.broadcast %mul3A_1926 : f32 to vector<256x128xf32>
    %mul3A_1928 = arith.mulf %mul3A_1927, %concatenate3A : vector<256x128xf32>
    %exp3A = math.exp %mul3A_1928 : vector<256x128xf32>
    %mul3A_1929 = vector.broadcast %select_n3A : vector<1x128xf32> to vector<256x128xf32>
    %mul3A_1930 = arith.mulf %exp3A, %mul3A_1929 : vector<256x128xf32>
    %mul3A_1931 = arith.constant 128 : i32
    %mul3A_1932 = arith.muli %arg0, %mul3A_1931 : i32
    %swap3A = arith.constant 0 : index
    %swap3A_1933 = arith.index_cast %mul3A_1932 : i32 to index
    %swap3A_1934 = vector.load %arg9[%swap3A, %swap3A_1933] : memref<256x1024xf32, #tpu.memory_space<vmem>>, vector<256x128xf32>
    tpu.vector_store %arg9[%swap3A, %swap3A_1933], %mul3A_1930 {strides = array<i32>} : memref<256x1024xf32, #tpu.memory_space<vmem>>, vector<256x128xf32>,
    %eq3A = arith.constant 7 : i32
    %eq3A_1935 = arith.cmpi eq, %arg0, %eq3A : i32
    %convert_element_type3A_1936 = arith.extui %eq3A_1935 : i1 to i32
    %cond3A = arith.constant 0 : i32
    %cond3A_1937 = arith.cmpi ne, %convert_element_type3A_1936, %cond3A : i32
    scf.if %cond3A_1937 {
      %get3A_1938 = arith.constant 0 : index
      %get3A_1939 = arith.constant 0 : index
      %get3A_1940 = vector.load %arg9[%get3A_1938, %get3A_1939] : memref<256x1024xf32, #tpu.memory_space<vmem>>, vector<256x1024xf32>
      %reduce_sum3A_1941 = arith.constant dense<0.000000e+00> : vector<256xf32>
      %reduce_sum3A_1942 = vector.multi_reduction <add>, %get3A_1940, %reduce_sum3A_1941 [1] : vector<256x1024xf32> to vector<256xf32>
      %broadcast_in_dim3A_1943 = vector.shape_cast %reduce_sum3A_1942 : vector<256xf32> to vector<256x1xf32>
      %add3A = arith.constant 9.99999996E-13 : f32
      %add3A_1944 = vector.broadcast %add3A : f32 to vector<256x1xf32>
      %add3A_1945 = arith.addf %broadcast_in_dim3A_1943, %add3A_1944 : vector<256x1xf32>
      %div3A = vector.broadcast %add3A_1945 : vector<256x1xf32> to vector<256x1024xf32>
      %div3A_1946 = arith.divf %get3A_1940, %div3A : vector<256x1024xf32>
      %convert_element_type3A_1947 = arith.truncf %div3A_1946 : vector<256x1024xf32> to vector<256x1024xbf16>
      %get3A_1948 = arith.constant 0 : index
      %get3A_1949 = arith.constant 0 : index
      %get3A_1950 = vector.load %arg5[%get3A_1948, %get3A_1949] : memref<1024x16xbf16, #tpu.memory_space<vmem>>, vector<1024x16xbf16>
      %dot_general3A_1951 = arith.constant dense<0.000000e+00> : vector<256x16xf32>
      %dot_general3A_1952 = tpu.matmul %convert_element_type3A_1947, %get3A_1950, %dot_general3A_1951 {dimension_numbers = #tpu.dot_dimension_numbers<[1], [0], [0], [1], [0, 0, 1, 1], [], []>, transpose_lhs_hint = false} : vector<256x1024xbf16>, vector<1024x16xbf16>, vector<256x16xf32> -> vector<256x16xf32>
      %swap3A_1953 = arith.constant 0 : index
      %swap3A_1954 = arith.constant 0 : index
      %swap3A_1955 = vector.load %arg6[%swap3A_1953, %swap3A_1954] : memref<256x16xf32, #tpu.memory_space<vmem>>, vector<256x16xf32>
      tpu.vector_store %arg6[%swap3A_1953, %swap3A_1954], %dot_general3A_1952 {strides = array<i32>} : memref<256x16xf32, #tpu.memory_space<vmem>>, vector<256x16xf32>,
      %iota3A = tpu.iota {dimensions = array<i32: 1>} : vector<256x16xi32>
      %lt3A = arith.constant 10 : i32
      %lt3A_1956 = vector.broadcast %lt3A : i32 to vector<256x16xi32>
      %lt3A_1957 = arith.cmpi slt, %iota3A, %lt3A_1956 : vector<256x16xi32>
      %jit3A_1958 = arith.constant 0xFF800000 : f32
      %broadcast_in_dim3A_1959 = vector.broadcast %jit3A_1958 : f32 to vector<256x16xf32>
      %select_n3A_1960 = arith.select %lt3A_1957, %dot_general3A_1952, %broadcast_in_dim3A_1959 : vector<256x16xi1>, vector<256x16xf32>
      %reduce_max3A = arith.constant dense<0xFF800000> : vector<256xf32>
      %reduce_max3A_1961 = vector.multi_reduction <maximumf>, %select_n3A_1960, %reduce_max3A [1] : vector<256x16xf32> to vector<256xf32>
      %broadcast_in_dim3A_1962 = vector.shape_cast %reduce_max3A_1961 : vector<256xf32> to vector<256x1xf32>
      %eq3A_1963 = vector.broadcast %broadcast_in_dim3A_1962 : vector<256x1xf32> to vector<256x16xf32>
      %eq3A_1964 = arith.cmpf oeq, %select_n3A_1960, %eq3A_1963 : vector<256x16xf32>
      %jit3A_1965 = arith.constant 1073741824 : i32
      %broadcast_in_dim3A_1966 = vector.broadcast %jit3A_1965 : i32 to vector<256x16xi32>
      %select_n3A_1967 = arith.select %eq3A_1964, %iota3A, %broadcast_in_dim3A_1966 : vector<256x16xi1>, vector<256x16xi32>
      %reduce_min3A = arith.constant dense<2147483647> : vector<256xi32>
      %reduce_min3A_1968 = vector.multi_reduction <minsi>, %select_n3A_1967, %reduce_min3A [1] : vector<256x16xi32> to vector<256xi32>
      %broadcast_in_dim3A_1969 = vector.shape_cast %reduce_min3A_1968 : vector<256xi32> to vector<256x1xi32>
      %swap3A_1970 = arith.constant 0 : index
      %swap3A_1971 = arith.constant 0 : index
      %swap3A_1972 = vector.load %arg7[%swap3A_1970, %swap3A_1971] : memref<256x1xi32, #tpu.memory_space<vmem>>, vector<256x1xi32>
      tpu.vector_store %arg7[%swap3A_1970, %swap3A_1971], %broadcast_in_dim3A_1969 {strides = array<i32>} : memref<256x1xi32, #tpu.memory_space<vmem>>, vector<256x1xi32>,
      %iota3A_1973 = tpu.iota {dimensions = array<i32: 1>} : vector<256x1024xi32>
      %reduce_max3A_1974 = arith.constant dense<0xFF800000> : vector<256xf32>
      %reduce_max3A_1975 = vector.multi_reduction <maximumf>, %get3A_1940, %reduce_max3A_1974 [1] : vector<256x1024xf32> to vector<256xf32>
      %broadcast_in_dim3A_1976 = vector.shape_cast %reduce_max3A_1975 : vector<256xf32> to vector<256x1xf32>
      %eq3A_1977 = vector.broadcast %broadcast_in_dim3A_1976 : vector<256x1xf32> to vector<256x1024xf32>
      %eq3A_1978 = arith.cmpf oeq, %get3A_1940, %eq3A_1977 : vector<256x1024xf32>
      %jit3A_1979 = arith.constant 1073741824 : i32
      %broadcast_in_dim3A_1980 = vector.broadcast %jit3A_1979 : i32 to vector<256x1024xi32>
      %select_n3A_1981 = arith.select %eq3A_1978, %iota3A_1973, %broadcast_in_dim3A_1980 : vector<256x1024xi1>, vector<256x1024xi32>
      %reduce_min3A_1982 = arith.constant dense<2147483647> : vector<256xi32>
      %reduce_min3A_1983 = vector.multi_reduction <minsi>, %select_n3A_1981, %reduce_min3A_1982 [1] : vector<256x1024xi32> to vector<256xi32>
      %broadcast_in_dim3A_1984 = vector.shape_cast %reduce_min3A_1983 : vector<256xi32> to vector<256x1xi32>
      %swap3A_1985 = arith.constant 0 : index
      %swap3A_1986 = arith.constant 0 : index
      %swap3A_1987 = vector.load %arg8[%swap3A_1985, %swap3A_1986] : memref<256x1xi32, #tpu.memory_space<vmem>>, vector<256x1xi32>
      tpu.vector_store %arg8[%swap3A_1985, %swap3A_1986], %broadcast_in_dim3A_1984 {strides = array<i32>} : memref<256x1xi32, #tpu.memory_space<vmem>>, vector<256x1xi32>,
    } else {
    }
    return
  }
  func.func @transform_0(%arg0: i32) -> (i32, i32) {
    %c0_i32 = arith.constant 0 : i32
    %c0_i32_0 = arith.constant 0 : i32
    return %arg0, %c0_i32 : i32, i32
  }
  func.func @transform_1(%arg0: i32) -> (i32, i32) {
    %c0_i32 = arith.constant 0 : i32
    %c0_i32_0 = arith.constant 0 : i32
    %c0_i32_1 = arith.constant 0 : i32
    return %c0_i32, %c0_i32_0 : i32, i32
  }
  func.func @transform_2(%arg0: i32) -> (i32, i32) {
    %c0_i32 = arith.constant 0 : i32
    %c0_i32_0 = arith.constant 0 : i32
    return %arg0, %c0_i32 : i32, i32
  }
  func.func @transform_3(%arg0: i32) -> (i32, i32, i32) {
    %c0_i32 = arith.constant 0 : i32
    %c0_i32_0 = arith.constant 0 : i32
    %c0_i32_1 = arith.constant 0 : i32
    return %arg0, %c0_i32, %c0_i32_0 : i32, i32, i32
  }
  func.func @transform_4(%arg0: i32) -> (i32, i32) {
    %c0_i32 = arith.constant 0 : i32
    %c0_i32_0 = arith.constant 0 : i32
    %c0_i32_1 = arith.constant 0 : i32
    return %c0_i32, %c0_i32_0 : i32, i32
  }
  func.func @transform_5(%arg0: i32) -> (i32, i32) {
    %c0_i32 = arith.constant 0 : i32
    %c0_i32_0 = arith.constant 0 : i32
    %c0_i32_1 = arith.constant 0 : i32
    return %c0_i32, %c0_i32_0 : i32, i32
  }
  func.func @transform_6(%arg0: i32) -> (i32, i32) {
    %c0_i32 = arith.constant 0 : i32
    %c0_i32_0 = arith.constant 0 : i32
    %c0_i32_1 = arith.constant 0 : i32
    return %c0_i32, %c0_i32_0 : i32, i32
  }
  func.func @transform_7(%arg0: i32) -> (i32, i32) {
    %c0_i32 = arith.constant 0 : i32
    %c0_i32_0 = arith.constant 0 : i32
    %c0_i32_1 = arith.constant 0 : i32
    return %c0_i32, %c0_i32_0 : i32, i32
  }
}

</mosaic_0001>

<sc_bundles>
// kernel: gather_offload_async_start.1
scs
__scs_entry_jumppad:
0x0: {  	(pc) =	sbr.rel $0x88, $3  }
0x1: {  	(tag) =	ssettag $0x0;
	lr =	simm.s32 $0x1  }
0x2: {  	[smem:$0x3F9C] =	sst lr;
	_ =	strace $0xD0000000  }
0x3: {  	_ = 	snop  }
0x4: {  	_ = 	snop  }
0x5: {  	_ = 	snop  }
0x6: {  	_ = 	snop  }
0x7: {  	_ = 	snop  }
__scs_overlays_trampoline_lowered:
0x8: {  	[smem:$0x3FAB] =	sst s0  }
0x9: {  	[smem:$0x3FAC] =	sst s1  }
0xa: {  	[smem:$0x3FAD] =	sst s2  }
0xb: {  	[smem:$0x3FAE] =	sst s3  }
0xc: {  	[smem:$0x3FAF] =	sst s4  }
0xd: {  	[smem:$0x3FB0] =	sst s5  }
0xe: {  	[smem:$0x3FB1] =	sst s6  }
0xf: {  	[smem:$0x3FB2] =	sst s7  }
0x10: {  	[smem:$0x3FB3] =	sst s8  }
0x11: {  	[smem:$0x3FB4] =	sst s9;
	s0 =	simm.s32 @!p0 $0x0  }
0x12: {  	s1 =	sld [smem:$0x3F9A];
	s0 =	simm.s32 @p0 $0x1  }
0x13: {  	[smem:$0x3FB5] =	sst s0;
	s0 =	simm.s32 @!p1 $0x0  }
0x14: {  	s2 =	sld [smem:$0x3F99];
	s0 =	simm.s32 @p1 $0x1  }
0x15: {  	[smem:$0x3FB6] =	sst s0;
	s0 =	simm.s32 @!p2 $0x0  }
0x16: {  	s3 =	sld [smem:$0x3FDB];
	s0 =	simm.s32 @p2 $0x1  }
0x17: {  	s4 =	simm.s32 $0x1BF5;
	[smem:$0x3FB8] =	sst s0  }
0x18: {  	s0 =	sld [smem:$0x3F9B];
	_ =	swait.ge [sflag:s4], $0x0  }
0x19: {  	s7 =	sld [smem:$0x3F9C]  }
0x1a: {  	s8 =	sadd.s32 $0xFFFFE003, lr  }
0x1b: {  	s9 =	sadd.s32 $0xFFFFFEF7, lr;
	s5 =	simm.s32 $0xFFFFFFFF;
	p2 =	slt.u32 s8, $0xFFFFF086  }
0x1c: {  	p1 =	slt.u32 s9, $0xF7A;
	s5 =	simm.s32 @!p2 $0x0  }
0x1d: {  	s5 =	simm.s32 @p1 $0x1;
	p0 =	seq.s32 s7, s2  }
0x1e: {  	s7 =	smul.u32 @!p0 $0xF7A, s2;
	p2 =	seq.s32 @!p0 s5, $0x0  }
0x1f: {  	s9 =	smul.u32 $0xF7A, s1;
	s8 =	simm.s32 @!p0 $0x1BF5;
	p2 =	por !p2, p0  }
0x20: {  	[sflag:s8] =	ssyncset.s32 @!p0 $0xFFFFF086;
	s6 =	sadd.s32 @!p0 s3, s7;
	s7 =	simm.s32 @!p0 $0x108  }
0x21: {  	s3 =	sadd.s32 s3, s9;
	s6 =	sadd.s32 @!p0 $0x88, s6;
	s7 =	simm.s32 @p2 $0x1082  }
0x22: {  	[simem:s7], [sflag:s8] =	dma.local @!p0 [hbm:s6], $0xF7A  }
0x23: {  	s9 =	sor.u32 $0xD0000000, s2;
	s6 =	simm.s32 $0x108;
	_ =	swait.ge @!p0 [sflag:s8], $0x0  }
0x24: {  	s3 =	sadd.s32 $0x88, s3;
	s6 =	simm.s32 @!p1 $0x1082;
	[sflag:s4] =	ssyncset.s32 $0xFFFFF086  }
0x25: {  	[simem:s6], [sflag:s4] =	dma.local [hbm:s3], $0xF7A  }
0x26: {  	[smem:$0x3F9C] =	sst s1;
	(tag) =	ssettag s2;
	_ =	strace s9  }
0x27: {  	s1 =	sld [smem:$0x3FAC]  }
0x28: {  	s2 =	sld [smem:$0x3FAD]  }
0x29: {  	s4 =	sld [smem:$0x3FAF]  }
0x2a: {  	p0 =	seq.s32 s5, $0x0;
	s5 =	sld [smem:$0x3FB0]  }
0x2b: {  	s6 =	sld [smem:$0x3FB1]  }
0x2c: {  	s7 =	sld [smem:$0x3FB2]  }
0x2d: {  	s3 =	simm.s32 $0x108;
	s8 =	sld [smem:$0x3FB3]  }
0x2e: {  	s3 =	simm.s32 @!p0 $0x1082;
	s9 =	sld [smem:$0x3FB4]  }
0x2f: {  	lr =	sadd.s32 s0, s3;
	s0 =	sld [smem:$0x3FAB]  }
0x30: {  	s3 =	sld [smem:$0x3FAE]  }
0x31: {  	[smem:$0x3FB7] =	sst s10  }
0x32: {  	s10 =	sld [smem:$0x3FB5];
	_ =	sdelay $0x3  }
0x33: {  	p0 =	seq.s32 s10, $0x1;
	s10 =	sld [smem:$0x3FB7];
	_ =	sdelay $0x3  }
0x34: {  	[smem:$0x3FB7] =	sst s10  }
0x35: {  	s10 =	sld [smem:$0x3FB6];
	_ =	sdelay $0x3  }
0x36: {  	p1 =	seq.s32 s10, $0x1;
	s10 =	sld [smem:$0x3FB7];
	_ =	sdelay $0x3  }
0x37: {  	[smem:$0x3FB7] =	sst s10  }
0x38: {  	s10 =	sld [smem:$0x3FB8]  }
0x39: {  	_ = 	snop;
	(pc) =	sbr.ind lr, $3  }
0x3a: {  	_ = 	snop  }
0x3b: {  	_ = 	snop  }
0x3c: {  	p2 =	seq.s32 s10, $0x1;
	s10 =	sld [smem:$0x3FB7]  }
0x3d: {  	_ =	shalt  }
0x3e: {  	_ =	shalt  }
0x3f: {  	_ =	shalt  }
0x40: {  	_ =	shalt  }
0x41: {  	_ =	shalt  }
0x42: {  	_ =	shalt  }
0x43: {  	_ =	shalt  }
0x44: {  	_ =	shalt  }
0x45: {  	_ =	shalt  }
0x46: {  	_ =	shalt  }
0x47: {  	_ =	shalt  }
0x48: {  	_ =	shalt  }
0x49: {  	_ =	shalt  }
0x4a: {  	_ =	shalt  }
0x4b: {  	_ =	shalt  }
0x4c: {  	_ =	shalt  }
0x4d: {  	_ =	shalt  }
0x4e: {  	_ =	shalt  }
0x4f: {  	_ =	shalt  }
0x50: {  	_ =	shalt  }
0x51: {  	_ =	shalt  }
0x52: {  	_ =	shalt  }
0x53: {  	_ =	shalt  }
0x54: {  	_ =	shalt  }
0x55: {  	_ =	shalt  }
0x56: {  	_ =	shalt  }
0x57: {  	_ =	shalt  }
0x58: {  	_ =	shalt  }
0x59: {  	_ =	shalt  }
0x5a: {  	_ =	shalt  }
0x5b: {  	_ =	shalt  }
0x5c: {  	_ =	shalt  }
0x5d: {  	_ =	shalt  }
0x5e: {  	_ =	shalt  }
0x5f: {  	_ =	shalt  }
0x60: {  	_ =	shalt  }
0x61: {  	_ =	shalt  }
0x62: {  	_ =	shalt  }
0x63: {  	_ =	shalt  }
0x64: {  	_ =	shalt  }
0x65: {  	_ =	shalt  }
0x66: {  	_ =	shalt  }
0x67: {  	_ =	shalt  }
0x68: {  	_ =	shalt  }
0x69: {  	_ =	shalt  }
0x6a: {  	_ =	shalt  }
0x6b: {  	_ =	shalt  }
0x6c: {  	_ =	shalt  }
0x6d: {  	_ =	shalt  }
0x6e: {  	_ =	shalt  }
0x6f: {  	_ =	shalt  }
0x70: {  	_ =	shalt  }
0x71: {  	_ =	shalt  }
0x72: {  	_ =	shalt  }
0x73: {  	_ =	shalt  }
0x74: {  	_ =	shalt  }
0x75: {  	_ =	shalt  }
0x76: {  	_ =	shalt  }
0x77: {  	_ =	shalt  }
0x78: {  	_ =	shalt  }
0x79: {  	_ =	shalt  }
0x7a: {  	_ =	shalt  }
0x7b: {  	_ =	shalt  }
0x7c: {  	_ =	shalt  }
0x7d: {  	_ =	shalt  }
0x7e: {  	_ =	shalt  }
0x7f: {  	_ =	shalt  }
0x80: {  	_ =	shalt  }
0x81: {  	_ =	shalt  }
0x82: {  	_ =	shalt  }
0x83: {  	_ =	shalt  }
0x84: {  	_ =	shalt  }
0x85: {  	_ =	shalt  }
0x86: {  	_ =	shalt  }
0x87: {  	_ =	shalt  }
.Lfunc_end0:
.L_simem_size_0:
called_computation.1_lowered:
.L_overlay_start_0:
0x88: {  	s2 =	sld [smem:$0x3FD9]  }
0x89: {  	s3 =	sld [smem:$0x3FFE];
	_ =	sdelay $0x1  }
0x8a: {  	s1 =	srdreg.scid  }
0x8b: {  	s0 =	sand.u32 $0x1, s1  }
0x8c: {  	s16 =	sshll.u32 s0, $0xA;
	s2 =	sadd.s32 s3, s2  }
0x8d: {  	s2 =	sadd.s32 s2, s16  }
0x8e: {  	[smem:$0x3FC3] =	sst s2  }
0x8f: {  	_ = 	snop  }
0x90: {  	(tm) =	ssettm $0x1  }
0x91: {  	s17 =	sld [smem:$0x3FFB];
	_ =	sdelay $0x3  }
0x92: {  	_ =	strace s17  }
0x93: {  	s2 =	sld [smem:$0x3FFC];
	_ =	sdelay $0x3  }
0x94: {  	_ =	strace s2  }
0x95: {  	s2 =	sld [smem:$0x3FFD];
	_ =	sdelay $0x3  }
0x96: {  	_ =	strace s2  }
0x97: {  	_ =	strace $0x8FFFFFFF  }
0x98: {  	s18 =	sld [smem:$0x3FDB];
	_ =	sdelay $0x1  }
0x99: {  	s19 =	simm.s32 $_scs_section_size  }
0x9a: {  	s4 =	simm.s32 $_size__tile_overlayer_lowered;
	s5 =	simm.s32 $_tile_overlayer_lowered  }
0x9b: {  	s22 =	simm.s32 $0x1BFF;
	s21 =	sshll.u32 s5, $0x1;
	s2 =	sadd.s32 s19, s18  }
0x9c: {  	s6 =	simm.s32 $0x0;
	s20 =	sshll.u32 s4, $0x1;
	s4 =	sadd.s32 s21, s2  }
0x9d: {  	[timem:s6], [sflag:s22] =	dma.local [hbm:s4], s20  }
0x9e: {  	_ =	swait.ge [sflag:s22], s20  }
0x9f: {  	s3 =	ssub.s32 $0x0, s20;
	[sflag:s22] =	ssyncset.done $0x0  }
0xa0: {  	[sflag:s22] =	ssyncadd.s32 s3;
	_ =	sdelay $0x1  }
0xa1: {  	s23 =	simm.s32 $0x1B8B  }
0xa2: {  	_ =	swait.ge [sflag:s23], $0x1  }
0xa3: {  	[sflag:s23] =	ssyncset.done $0x0  }
0xa4: {  	s25 =	simm.s32 $0x1B8E;
	s24 =	sld [smem:$0x3FFE];
	[sflag:s23] =	ssyncadd.s32 $0xFFFFFFFF  }
0xa5: {  	s26 =	simm.s32 $execute0_lowered;
	[smem:$0x3FD2] =	sst s25  }
0xa6: {  	s4 =	sshll.u32 s26, $0x1;
	_ =	strace $0x80000049;
	[dreg:$0x1] =	wrdreg $0xFFFFFFFF  }
0xa7: {  	s28 =	simm.s32 $_size_execute0_lowered;
	s2 =	sadd.s32 s2, s4;
	[dreg:$0x0] =	wrdreg $0x0  }
0xa8: {  	s4 =	sshll.u32 s28, $0x1;
	[dreg:$0x2] =	wrdreg s2  }
0xa9: {  	[dreg:$0x3] =	wrdreg s4  }
0xaa: {  	[dreg:$0x4] =	wrdreg $0xC0  }
0xab: {  	_ =	task [dreg:s6], $0x5FFFF  }
0xac: {  	[dreg:$0x1] =	wrdreg $0xFFFFFFFF  }
0xad: {  	[dreg:$0x0] =	wrdreg $0x60  }
0xae: {  	[dreg:$0x2] =	wrdreg s24  }
0xaf: {  	[dreg:$0x3] =	wrdreg $0x9  }
0xb0: {  	_ =	task.clear_ibuf [dreg:s6], $0x4FFFF;
	_ =	strace $0x90000049  }
0xb1: {  	s29 =	simm.s32 $0x9;
	_ =	strace $0x8000004B  }
0xb2: {  	_ =	swait.ge [sflag:s29], $0x1  }
0xb3: {  	[sflag:s29] =	ssyncadd.s32 $0xFFFFFFFF  }
0xb4: {  	_ =	strace $0x9000004B  }
0xb5: {  	_ =	sfence  }
0xb6: {  	s30 =	sld [smem:$0x0];
	_ =	sdelay $0x2  }
0xb7: {  	s31 =	sshll.u32 s1, $0xD;
	s1 =	sshrl.u32 s1, $0x2  }
0xb8: {  	s3 =	sand.u32 $0x4000, s31;
	s1 =	sadd.s32 s1, s30  }
0xb9: {  	s0 =	sor.u32 s3, s0;
	s1 =	sshll.u32 s1, $0x11  }
0xba: {  	s0 =	sor.u32 s1, s0  }
0xbb: {  	s0 =	sadd.s32 $0x8F2B, s0  }
0xbc: {  	[sflag:s0] =	ssyncadd.remote.s32 $0x1  }
0xbd: {  	_ =	sfence.sel $0xFFFF  }
0xbe: {  	[dreg:$0x0] =	wrdreg $0xFFFFFFFF;
	(pc) =	sbr.abs _section_cstart, $3  }
0xbf: {  	[dreg:$0x1] =	wrdreg $0xFFFFFFFF  }
0xc0: {  	_ =	task.clear_ibuf [dreg:s6], $0x2FFFF;
	_ =	strace $0x9FFFFFFF  }
0xc1: {  	(tm) =	ssettm $0x7FFFFFFF  }
tec
execute0_lowered:
.L_overlay_start_1:
0x0: {  	(tag) =	ssettag $0x1  }
0x1: {  	s7 =	rddreg [dreg:$0x0]  }
0x2: {  	s0 =	rddreg [dreg:$0x1];
	_ =	strace $0x8000004A  }
0x3: {  	s1 =	srdreg.scid;
	s4 =	simm.s32 $0x1;
	s9 =	simm.s32 $0x3  }
0x4: {  	s11 =	simm.s32 $0x0;
	p0 =	por $0x0, $0x0;
	s5 =	sshll.u32 s1, $0x4  }
.Ltmp0:
0x5: {  	s1 =	stileid.u32;
	s5 =	sand.u32 $0x10, s5;
	(pc) =	sbr.rel .LBB2_1-.Ltmp0, $4  }
0x6: {  	s2 =	sadd.s32 $0x205E00, s7;
	s3 =	sadd.s32 $0x1A00, s7;
	s6 =	sor.u32 s1, s5  }
0x7: {  	[sflag:s4] =	ssyncpa.u1 $0x0;
	s5 =	simm.s32 $0x2;
	s6 =	sshll.u32 s6, $0xB  }
0x8: {  	s7 =	sadd.s32 $0x3A00, s7;
	[sflag:s5] =	ssyncpa.u1 $0x0;
	s8 =	sadd.s32 $0x800, s6  }
0x9: {  	vm0 =	vmmov $0xff;
	vm1 =	vcmask $0x3F20;
	[sflag:s9] =	ssyncpa.u1 $0x0;
	s10 =	smov.u32 s6;
	s9 =	simm.s32 $0x0  }
.LBB2_7:
0xa: {  	p1 =	slt.u32 s9, $0x2;
	s11 =	sadd.s32 $0x100, s10  }
0xb: {  	s13 =	smov.u32 s6;
	s9 =	sadd.s32 $0x1, s9;
	p2 =	slt.s32 s11, s8  }
0xc: {  	s13 =	smov.u32 @p2 s11;
	p2 =	sne.s32 s9, $0xA  }
.Ltmp1:
0xd: {  	_ = 	snop;
	(pc) =	sbr.rel @!p2 .LBB2_8-.Ltmp1, $4  }
0xe: {  	s12 =	simm.s32 @!p1 $0x3  }
0xf: {  	_ =	swait.ge @!p1 [sflag:s12], $0x8000  }
0x10: {  	p0 =	por !p0, !p0;
	[sflag:s12] =	ssyncset.done @!p1 $0x0  }
0x11: {  	s11 =	smov.u32 s10;
	s10 =	smov.u32 s13;
	[sflag:s12] =	ssyncadd.s32 @!p1 $0xFFFF8000  }
.LBB2_1:
0x12: {  	p1 =	sgt.u32 s9, $0x7  }
0x13: {  	s12 =	sxor.u32 @!p1 $0xFFFFFFFF, s9  }
0x14: {  	s13 =	sshrl.u32 @!p1 s10, $0x3;
	s12 =	sshll.u32 @!p1 s12, $0x8  }
0x15: {  	s14 =	sand.u32 @!p1 $0x7, s10;
	s13 =	sadd.s32 @!p1 s3, s13;
	s12 =	sand.u32 @!p1 $0x100, s12  }
0x16: {  	[tilespmem:s12], [sflag:$0x2] =	stream.linear.gather @!p1 [hbm4b:s13+s14], $0x100, $0x38;
	[tilespmem:$0x10200] =	vst v63  }
0x17: {  	p1 =	seq.s32 s9, $0x0  }
0x18: {  	p2 =	seq.s32 @!p1 s9, $0x9  }
0x19: {  	p1 =	por p1, p2  }
.Ltmp2:
0x1a: {  	_ = 	snop;
	(pc) =	sbr.rel @p1 .LBB2_7-.Ltmp2, $1  }
0x1b: {  	_ =	sdelay $0x3  }
0x1c: {  	s12 =	simm.s32 $0x1  }
0x1d: {  	_ =	swait.ge [sflag:s5], $0x100;
	s12 =	simm.s32 @!p0 $0x0  }
0x1e: {  	[sflag:s5] =	ssyncset.done $0x0;
	s14 =	sshll.u32 s12, $0x8  }
0x1f: {  	[sflag:s5] =	ssyncadd.s32 $0xFFFFFF00;
	s13 =	sadd.s32 $0x0, s14  }
0x20: {  	v0 =	vld.msk [tilespmem:s13+$0x0 ss:$0x1], $0xffff;
	_ =	sdelay $0x4  }
0x21: {  	v1 =	vshrl.u32 v0, $0x3  }
0x22: {  	vm2 =	veq.s32 v0, $0x80000000;
	v0 =	vshll.u32 v0, $0xD;
	v1 =	vand.u32 $0x1F80, v1  }
0x23: {  	v0 =	vand.u32 $0x7FE000, v0;
	v1 =	vsel vm2, $0xFFFFFF80, v1  }
0x24: {  	v0 =	vsel vm2, $0xFFFFE000, v0;
	v2 =	vand.u32 $0xFFFFFC00, v1  }
0x25: {  	v1 =	vand.u32 $0x380, v1;
	v0 =	vadd.s32 v0, v2  }
0x26: {  	v0 =	vor.u32 v1, v0  }
0x27: {  	v0 =	vshrl.u32 v0, $0x3;
	_ =	sdelay $0x2  }
0x28: {  	s12 =	sshll.u32 s12, $0xF  }
0x29: {  	s12 =	sor.u32 $0x200, s12  }
0x2a: {  	[tilespmem:s12], [sflag:$0x1] =	stream.indirect_vreg.gather [hbm:s2], $0x80, v0, vm0, $0x38;
	[tilespmem:$0x10200] =	vst v63  }
0x2b: {  	s15 =	sadd.s32 $0x10, s14;
	s13 =	sadd.s32 $0x400, s12  }
0x2c: {  	[tilespmem:s13], [sflag:$0x1] =	stream.indirect_vreg.gather [hbm:s2], $0x80, v0, vm1, $0x38;
	[tilespmem:$0x10200] =	vst v63  }
0x2d: {  	s16 =	simm.s32 $0x80;
	v0 =	vld.msk [tilespmem:s15+$0x0 ss:$0x1], $0xffff;
	s15 =	smov.u32 s12  }
.LBB2_3:
0x2e: {  	p1 =	sne.s32 s16, $0x3C0;
	_ =	sdelay $0x4  }
0x2f: {  	v1 =	vshrl.u32 v0, $0x3  }
0x30: {  	vm2 =	veq.s32 v0, $0x80000000;
	v0 =	vshll.u32 v0, $0xD;
	v1 =	vand.u32 $0x1F80, v1  }
0x31: {  	v0 =	vand.u32 $0x7FE000, v0;
	v1 =	vsel vm2, $0xFFFFFF80, v1  }
0x32: {  	v0 =	vsel vm2, $0xFFFFE000, v0;
	v2 =	vand.u32 $0xFFFFFC00, v1  }
0x33: {  	v1 =	vand.u32 $0x380, v1;
	v0 =	vadd.s32 v0, v2  }
0x34: {  	v0 =	vor.u32 v1, v0  }
0x35: {  	v0 =	vshrl.u32 v0, $0x3;
	_ =	sdelay $0x3  }
.Ltmp3:
0x36: {  	s17 =	sshra.s32 s16, $0x2;
	s15 =	sadd.s32 $0x800, s15;
	(pc) =	sbr.rel @p1 .LBB2_3-.Ltmp3, $4  }
0x37: {  	[tilespmem:s15], [sflag:$0x1] =	stream.indirect_vreg.gather [hbm:s2], $0x80, v0, vm0, $0x38;
	[tilespmem:$0x10200] =	vst v63  }
0x38: {  	s17 =	sadd.s32 s17, s14;
	s18 =	sadd.s32 $0x400, s15  }
0x39: {  	[tilespmem:s18], [sflag:$0x1] =	stream.indirect_vreg.gather [hbm:s2], $0x80, v0, vm1, $0x38;
	[tilespmem:$0x10200] =	vst v63  }
0x3a: {  	s16 =	sadd.s32 $0x40, s16;
	v0 =	vld.msk [tilespmem:s17+$0x0 ss:$0x1], $0xffff  }
0x3b: {  	_ =	sdelay $0x3  }
0x3c: {  	v1 =	vshrl.u32 v0, $0x3  }
0x3d: {  	vm2 =	veq.s32 v0, $0x80000000;
	v63 =	vshll.u32 v0, $0xD;
	v1 =	vand.u32 $0x1F80, v1  }
0x3e: {  	v0 =	vand.u32 $0x7FE000, v63;
	v1 =	vsel vm2, $0xFFFFFF80, v1  }
0x3f: {  	v0 =	vsel vm2, $0xFFFFE000, v0;
	v2 =	vand.u32 $0xFFFFFC00, v1  }
0x40: {  	v1 =	vand.u32 $0x380, v1;
	v0 =	vadd.s32 v0, v2  }
0x41: {  	v0 =	vor.u32 v1, v0  }
0x42: {  	v0 =	vshrl.u32 v0, $0x3;
	_ =	sdelay $0x3  }
0x43: {  	s14 =	sadd.s32 $0x800, s15  }
0x44: {  	[tilespmem:s14], [sflag:$0x1] =	stream.indirect_vreg.gather [hbm:s2], $0x80, v0, vm0, $0x38;
	[tilespmem:$0x10200] =	vst v63  }
0x45: {  	s14 =	sadd.s32 $0x400, s14  }
0x46: {  	[tilespmem:s14], [sflag:$0x1] =	stream.indirect_vreg.gather [hbm:s2], $0x80, v0, vm1, $0x38;
	[tilespmem:$0x10200] =	vst v63  }
0x47: {  	s11 =	sshll.u32 s11, $0x4;
	_ =	swait.ge [sflag:s4], $0x8000  }
0x48: {  	s11 =	sadd.s32 s11, s7;
	[sflag:s4] =	ssyncset.done $0x0  }
0x49: {  	s15 =	sadd.s32 $0x0, s11;
	s14 =	simm.s32 $0x80;
	[sflag:s4] =	ssyncadd.s32 $0xFFFF8000  }
.LBB2_5:
0x4a: {  	[hbm:s15] =	stream.linear.scatter [tilespmem:s12], [sflag:$0x3], $0x400, $0x38;
	[tilespmem:$0x10200] =	vst v63  }
0x4b: {  	s15 =	smov.u32 s14;
	s12 =	smov.u32 s13;
	p1 =	sne.s32 s14, $0xF80  }
.Ltmp4:
0x4c: {  	s14 =	sadd.s32 $0x80, s14;
	(pc) =	sbr.rel @p1 .LBB2_5-.Ltmp4, $2  }
0x4d: {  	_ =	sdelay $0x2  }
0x4e: {  	s13 =	sadd.s32 $0x400, s13;
	s15 =	sadd.s32 s15, s11  }
.Ltmp5:
0x4f: {  	(pc) =	sbr.rel .LBB2_7-.Ltmp5, $2  }
0x50: {  	_ =	sdelay $0x2  }
0x51: {  	[hbm:s15] =	stream.linear.scatter [tilespmem:s12], [sflag:$0x3], $0x400, $0x38;
	[tilespmem:$0x10200] =	vst v63  }
.LBB2_8:
0x52: {  	_ =	sfence.sel $0x180000  }
0x53: {  	s2 =	simm.s32 $0x2;
	[bflag:$0x0] =	sbarrier.arrive $0xFFFF  }
0x54: {  	s30 =	simm.s32 $0x3;
	[sflag:s2] =	ssyncpa.u1 $0x1  }
0x55: {  	s31 =	simm.s32 $0x1;
	[sflag:s30] =	ssyncpa.u1 $0x1  }
0x56: {  	[sflag:s31] =	ssyncpa.u1 $0x1  }
0x57: {  	p0 =	sne.s32 s1, $0x0;
	_ =	strace $0x9000004A  }
0x58: {  	s0 =	sadd.s32 @!p0 $0x100000, s0;
	[bflag:$0x2] =	sbarrier.arrive $0xFFFF  }
0x59: {  	[sflag:s0] =	ssyncadd.tile.s32 @!p0 $0x1;
	_ =	shalt  }
.Lfunc_end2:
_tile_overlayer_lowered:
.L_overlay_start_2:
0x5a: {  	(tag) =	ssettag $0x2  }
0x5b: {  	s0 =	rddreg [dreg:$0x0];
	s2 =	stileid.u32  }
0x5c: {  	s1 =	rddreg [dreg:$0x1];
	p0 =	sne.s32 s2, $0x0  }
0x5d: {  	s3 =	rddreg [dreg:$0x2];
	[bflag:$0x3] =	sbarrier.arrive $0xFFFF;
	s2 =	simm.s32 @!p0 $0x1C01  }
0x5e: {  	[timem:s3], [sflag:s2] =	dma.local @!p0 [hbm:s0], s1  }
0x5f: {  	s0 =	simm.s32 @!p0 $0x1  }
0x60: {  	_ =	swait.ge @!p0 [sflag:s0], s1  }
0x61: {  	s1 =	ssub.s32 @!p0 $0x0, s1;
	[sflag:s0] =	ssyncset.done @!p0 $0x0  }
0x62: {  	[sflag:s0] =	ssyncadd.s32 @!p0 s1  }
0x63: {  	[bflag:$0x3] =	sbarrier.arrive $0xFFFF  }
0x64: {  	_ =	shalt  }

// kernel: gather_offload_async_start
scs
__scs_entry_jumppad:
0x0: {  	(pc) =	sbr.rel $0x88, $3  }
0x1: {  	(tag) =	ssettag $0x0;
	lr =	simm.s32 $0x1  }
0x2: {  	[smem:$0x3F9C] =	sst lr;
	_ =	strace $0xD0000000  }
0x3: {  	_ = 	snop  }
0x4: {  	_ = 	snop  }
0x5: {  	_ = 	snop  }
0x6: {  	_ = 	snop  }
0x7: {  	_ = 	snop  }
__scs_overlays_trampoline_lowered:
0x8: {  	[smem:$0x3FAB] =	sst s0  }
0x9: {  	[smem:$0x3FAC] =	sst s1  }
0xa: {  	[smem:$0x3FAD] =	sst s2  }
0xb: {  	[smem:$0x3FAE] =	sst s3  }
0xc: {  	[smem:$0x3FAF] =	sst s4  }
0xd: {  	[smem:$0x3FB0] =	sst s5  }
0xe: {  	[smem:$0x3FB1] =	sst s6  }
0xf: {  	[smem:$0x3FB2] =	sst s7  }
0x10: {  	[smem:$0x3FB3] =	sst s8  }
0x11: {  	[smem:$0x3FB4] =	sst s9;
	s0 =	simm.s32 @!p0 $0x0  }
0x12: {  	s1 =	sld [smem:$0x3F9A];
	s0 =	simm.s32 @p0 $0x1  }
0x13: {  	[smem:$0x3FB5] =	sst s0;
	s0 =	simm.s32 @!p1 $0x0  }
0x14: {  	s2 =	sld [smem:$0x3F99];
	s0 =	simm.s32 @p1 $0x1  }
0x15: {  	[smem:$0x3FB6] =	sst s0;
	s0 =	simm.s32 @!p2 $0x0  }
0x16: {  	s3 =	sld [smem:$0x3FDB];
	s0 =	simm.s32 @p2 $0x1  }
0x17: {  	s4 =	simm.s32 $0x1BF5;
	[smem:$0x3FB8] =	sst s0  }
0x18: {  	s0 =	sld [smem:$0x3F9B];
	_ =	swait.ge [sflag:s4], $0x0  }
0x19: {  	s7 =	sld [smem:$0x3F9C]  }
0x1a: {  	s8 =	sadd.s32 $0xFFFFE003, lr  }
0x1b: {  	s9 =	sadd.s32 $0xFFFFFEF7, lr;
	s5 =	simm.s32 $0xFFFFFFFF;
	p2 =	slt.u32 s8, $0xFFFFF086  }
0x1c: {  	p1 =	slt.u32 s9, $0xF7A;
	s5 =	simm.s32 @!p2 $0x0  }
0x1d: {  	s5 =	simm.s32 @p1 $0x1;
	p0 =	seq.s32 s7, s2  }
0x1e: {  	s7 =	smul.u32 @!p0 $0xF7A, s2;
	p2 =	seq.s32 @!p0 s5, $0x0  }
0x1f: {  	s9 =	smul.u32 $0xF7A, s1;
	s8 =	simm.s32 @!p0 $0x1BF5;
	p2 =	por !p2, p0  }
0x20: {  	[sflag:s8] =	ssyncset.s32 @!p0 $0xFFFFF086;
	s6 =	sadd.s32 @!p0 s3, s7;
	s7 =	simm.s32 @!p0 $0x108  }
0x21: {  	s3 =	sadd.s32 s3, s9;
	s6 =	sadd.s32 @!p0 $0x88, s6;
	s7 =	simm.s32 @p2 $0x1082  }
0x22: {  	[simem:s7], [sflag:s8] =	dma.local @!p0 [hbm:s6], $0xF7A  }
0x23: {  	s9 =	sor.u32 $0xD0000000, s2;
	s6 =	simm.s32 $0x108;
	_ =	swait.ge @!p0 [sflag:s8], $0x0  }
0x24: {  	s3 =	sadd.s32 $0x88, s3;
	s6 =	simm.s32 @!p1 $0x1082;
	[sflag:s4] =	ssyncset.s32 $0xFFFFF086  }
0x25: {  	[simem:s6], [sflag:s4] =	dma.local [hbm:s3], $0xF7A  }
0x26: {  	[smem:$0x3F9C] =	sst s1;
	(tag) =	ssettag s2;
	_ =	strace s9  }
0x27: {  	s1 =	sld [smem:$0x3FAC]  }
0x28: {  	s2 =	sld [smem:$0x3FAD]  }
0x29: {  	s4 =	sld [smem:$0x3FAF]  }
0x2a: {  	p0 =	seq.s32 s5, $0x0;
	s5 =	sld [smem:$0x3FB0]  }
0x2b: {  	s6 =	sld [smem:$0x3FB1]  }
0x2c: {  	s7 =	sld [smem:$0x3FB2]  }
0x2d: {  	s3 =	simm.s32 $0x108;
	s8 =	sld [smem:$0x3FB3]  }
0x2e: {  	s3 =	simm.s32 @!p0 $0x1082;
	s9 =	sld [smem:$0x3FB4]  }
0x2f: {  	lr =	sadd.s32 s0, s3;
	s0 =	sld [smem:$0x3FAB]  }
0x30: {  	s3 =	sld [smem:$0x3FAE]  }
0x31: {  	[smem:$0x3FB7] =	sst s10  }
0x32: {  	s10 =	sld [smem:$0x3FB5];
	_ =	sdelay $0x3  }
0x33: {  	p0 =	seq.s32 s10, $0x1;
	s10 =	sld [smem:$0x3FB7];
	_ =	sdelay $0x3  }
0x34: {  	[smem:$0x3FB7] =	sst s10  }
0x35: {  	s10 =	sld [smem:$0x3FB6];
	_ =	sdelay $0x3  }
0x36: {  	p1 =	seq.s32 s10, $0x1;
	s10 =	sld [smem:$0x3FB7];
	_ =	sdelay $0x3  }
0x37: {  	[smem:$0x3FB7] =	sst s10  }
0x38: {  	s10 =	sld [smem:$0x3FB8]  }
0x39: {  	_ = 	snop;
	(pc) =	sbr.ind lr, $3  }
0x3a: {  	_ = 	snop  }
0x3b: {  	_ = 	snop  }
0x3c: {  	p2 =	seq.s32 s10, $0x1;
	s10 =	sld [smem:$0x3FB7]  }
0x3d: {  	_ =	shalt  }
0x3e: {  	_ =	shalt  }
0x3f: {  	_ =	shalt  }
0x40: {  	_ =	shalt  }
0x41: {  	_ =	shalt  }
0x42: {  	_ =	shalt  }
0x43: {  	_ =	shalt  }
0x44: {  	_ =	shalt  }
0x45: {  	_ =	shalt  }
0x46: {  	_ =	shalt  }
0x47: {  	_ =	shalt  }
0x48: {  	_ =	shalt  }
0x49: {  	_ =	shalt  }
0x4a: {  	_ =	shalt  }
0x4b: {  	_ =	shalt  }
0x4c: {  	_ =	shalt  }
0x4d: {  	_ =	shalt  }
0x4e: {  	_ =	shalt  }
0x4f: {  	_ =	shalt  }
0x50: {  	_ =	shalt  }
0x51: {  	_ =	shalt  }
0x52: {  	_ =	shalt  }
0x53: {  	_ =	shalt  }
0x54: {  	_ =	shalt  }
0x55: {  	_ =	shalt  }
0x56: {  	_ =	shalt  }
0x57: {  	_ =	shalt  }
0x58: {  	_ =	shalt  }
0x59: {  	_ =	shalt  }
0x5a: {  	_ =	shalt  }
0x5b: {  	_ =	shalt  }
0x5c: {  	_ =	shalt  }
0x5d: {  	_ =	shalt  }
0x5e: {  	_ =	shalt  }
0x5f: {  	_ =	shalt  }
0x60: {  	_ =	shalt  }
0x61: {  	_ =	shalt  }
0x62: {  	_ =	shalt  }
0x63: {  	_ =	shalt  }
0x64: {  	_ =	shalt  }
0x65: {  	_ =	shalt  }
0x66: {  	_ =	shalt  }
0x67: {  	_ =	shalt  }
0x68: {  	_ =	shalt  }
0x69: {  	_ =	shalt  }
0x6a: {  	_ =	shalt  }
0x6b: {  	_ =	shalt  }
0x6c: {  	_ =	shalt  }
0x6d: {  	_ =	shalt  }
0x6e: {  	_ =	shalt  }
0x6f: {  	_ =	shalt  }
0x70: {  	_ =	shalt  }
0x71: {  	_ =	shalt  }
0x72: {  	_ =	shalt  }
0x73: {  	_ =	shalt  }
0x74: {  	_ =	shalt  }
0x75: {  	_ =	shalt  }
0x76: {  	_ =	shalt  }
0x77: {  	_ =	shalt  }
0x78: {  	_ =	shalt  }
0x79: {  	_ =	shalt  }
0x7a: {  	_ =	shalt  }
0x7b: {  	_ =	shalt  }
0x7c: {  	_ =	shalt  }
0x7d: {  	_ =	shalt  }
0x7e: {  	_ =	shalt  }
0x7f: {  	_ =	shalt  }
0x80: {  	_ =	shalt  }
0x81: {  	_ =	shalt  }
0x82: {  	_ =	shalt  }
0x83: {  	_ =	shalt  }
0x84: {  	_ =	shalt  }
0x85: {  	_ =	shalt  }
0x86: {  	_ =	shalt  }
0x87: {  	_ =	shalt  }
.Lfunc_end0:
.L_simem_size_0:
called_computation_lowered:
.L_overlay_start_0:
0x88: {  	s2 =	sld [smem:$0x3FD9]  }
0x89: {  	s3 =	sld [smem:$0x3FFE];
	_ =	sdelay $0x1  }
0x8a: {  	s1 =	srdreg.scid  }
0x8b: {  	s0 =	sand.u32 $0x1, s1  }
0x8c: {  	s16 =	sshll.u32 s0, $0xA;
	s2 =	sadd.s32 s3, s2  }
0x8d: {  	s2 =	sadd.s32 s2, s16  }
0x8e: {  	[smem:$0x3FC3] =	sst s2  }
0x8f: {  	_ = 	snop  }
0x90: {  	(tm) =	ssettm $0x1  }
0x91: {  	s17 =	sld [smem:$0x3FFB];
	_ =	sdelay $0x3  }
0x92: {  	_ =	strace s17  }
0x93: {  	s2 =	sld [smem:$0x3FFC];
	_ =	sdelay $0x3  }
0x94: {  	_ =	strace s2  }
0x95: {  	s2 =	sld [smem:$0x3FFD];
	_ =	sdelay $0x3  }
0x96: {  	_ =	strace s2  }
0x97: {  	_ =	strace $0x8FFFFFFF  }
0x98: {  	s18 =	sld [smem:$0x3FDB];
	_ =	sdelay $0x1  }
0x99: {  	s19 =	simm.s32 $_scs_section_size  }
0x9a: {  	s4 =	simm.s32 $_size__tile_overlayer_lowered;
	s5 =	simm.s32 $_tile_overlayer_lowered  }
0x9b: {  	s22 =	simm.s32 $0x1BFF;
	s21 =	sshll.u32 s5, $0x1;
	s2 =	sadd.s32 s19, s18  }
0x9c: {  	s6 =	simm.s32 $0x0;
	s20 =	sshll.u32 s4, $0x1;
	s4 =	sadd.s32 s21, s2  }
0x9d: {  	[timem:s6], [sflag:s22] =	dma.local [hbm:s4], s20  }
0x9e: {  	_ =	swait.ge [sflag:s22], s20  }
0x9f: {  	s3 =	ssub.s32 $0x0, s20;
	[sflag:s22] =	ssyncset.done $0x0  }
0xa0: {  	[sflag:s22] =	ssyncadd.s32 s3;
	_ =	sdelay $0x1  }
0xa1: {  	s23 =	simm.s32 $0x1B8B  }
0xa2: {  	_ =	swait.ge [sflag:s23], $0x1  }
0xa3: {  	[sflag:s23] =	ssyncset.done $0x0  }
0xa4: {  	s25 =	simm.s32 $0x1B8E;
	s24 =	sld [smem:$0x3FFE];
	[sflag:s23] =	ssyncadd.s32 $0xFFFFFFFF  }
0xa5: {  	s26 =	simm.s32 $execute0_lowered;
	[smem:$0x3FD2] =	sst s25  }
0xa6: {  	s4 =	sshll.u32 s26, $0x1;
	_ =	strace $0x80000046;
	[dreg:$0x1] =	wrdreg $0xFFFFFFFF  }
0xa7: {  	s28 =	simm.s32 $_size_execute0_lowered;
	s2 =	sadd.s32 s2, s4;
	[dreg:$0x0] =	wrdreg $0x0  }
0xa8: {  	s4 =	sshll.u32 s28, $0x1;
	[dreg:$0x2] =	wrdreg s2  }
0xa9: {  	[dreg:$0x3] =	wrdreg s4  }
0xaa: {  	[dreg:$0x4] =	wrdreg $0xC0  }
0xab: {  	_ =	task [dreg:s6], $0x5FFFF  }
0xac: {  	[dreg:$0x1] =	wrdreg $0xFFFFFFFF  }
0xad: {  	[dreg:$0x0] =	wrdreg $0x60  }
0xae: {  	[dreg:$0x2] =	wrdreg s24  }
0xaf: {  	[dreg:$0x3] =	wrdreg $0x9  }
0xb0: {  	_ =	task.clear_ibuf [dreg:s6], $0x4FFFF;
	_ =	strace $0x90000046  }
0xb1: {  	s29 =	simm.s32 $0x9;
	_ =	strace $0x80000048  }
0xb2: {  	_ =	swait.ge [sflag:s29], $0x1  }
0xb3: {  	[sflag:s29] =	ssyncadd.s32 $0xFFFFFFFF  }
0xb4: {  	_ =	strace $0x90000048  }
0xb5: {  	_ =	sfence  }
0xb6: {  	s30 =	sld [smem:$0x0];
	_ =	sdelay $0x2  }
0xb7: {  	s31 =	sshll.u32 s1, $0xD;
	s1 =	sshrl.u32 s1, $0x2  }
0xb8: {  	s3 =	sand.u32 $0x4000, s31;
	s1 =	sadd.s32 s1, s30  }
0xb9: {  	s0 =	sor.u32 s3, s0;
	s1 =	sshll.u32 s1, $0x11  }
0xba: {  	s0 =	sor.u32 s1, s0  }
0xbb: {  	s0 =	sadd.s32 $0x8F2B, s0  }
0xbc: {  	[sflag:s0] =	ssyncadd.remote.s32 $0x1  }
0xbd: {  	_ =	sfence.sel $0xFFFF  }
0xbe: {  	[dreg:$0x0] =	wrdreg $0xFFFFFFFF;
	(pc) =	sbr.abs _section_cstart, $3  }
0xbf: {  	[dreg:$0x1] =	wrdreg $0xFFFFFFFF  }
0xc0: {  	_ =	task.clear_ibuf [dreg:s6], $0x2FFFF;
	_ =	strace $0x9FFFFFFF  }
0xc1: {  	(tm) =	ssettm $0x7FFFFFFF  }
tec
execute0_lowered:
.L_overlay_start_1:
0x0: {  	(tag) =	ssettag $0x1  }
0x1: {  	s0 =	srdreg.scid;
	s5 =	rddreg [dreg:$0x0]  }
0x2: {  	s1 =	stileid.u32;
	s6 =	simm.s32 $0x1;
	s9 =	simm.s32 $0x1  }
0x3: {  	s10 =	simm.s32 $0x3;
	s13 =	simm.s32 $0x0;
	s2 =	sshll.u32 s0, $0xA  }
0x4: {  	s12 =	simm.s32 $0x0;
	s3 =	sshll.u32 s1, $0xB;
	s2 =	sand.u32 $0x400, s2  }
0x5: {  	s0 =	rddreg [dreg:$0x1];
	_ =	strace $0x80000047;
	s2 =	sor.u32 s3, s2  }
0x6: {  	s4 =	sadd.s32 $0x1E00, s5;
	[sflag:s6] =	ssyncpa.u1 $0x0;
	s8 =	ssub.s32 $0x10000, s2  }
.Ltmp0:
0x7: {  	s3 =	sadd.s32 $0x3E00, s5;
	s7 =	sand.u32 $0x7C00, s8;
	(pc) =	sbr.rel .LBB2_1-.Ltmp0, $4  }
0x8: {  	s5 =	sadd.s32 $0x7E00, s5;
	s11 =	smov.u32 s2;
	p0 =	sne.s32 s7, $0x0  }
0x9: {  	s8 =	sshrl.u32 s8, $0xF;
	s7 =	simm.s32 $0x2;
	s9 =	simm.s32 @!p0 $0x0  }
0xa: {  	[sflag:s7] =	ssyncpa.u1 $0x0;
	p0 =	por $0x0, $0x0;
	s8 =	sadd.s32 s9, s8  }
0xb: {  	vm0 =	vmmov $0xffff;
	[sflag:s10] =	ssyncpa.u1 $0x0;
	s10 =	simm.s32 $0x0;
	s9 =	sadd.s32 $0x1, s8  }
.LBB2_4:
0xc: {  	v5 =	vshrl.u32 v1, $0xA;
	v6 =	vshll.u32 v1, $0x7  }
0xd: {  	vm1 =	veq.s32 v1, $0x80000000;
	v58 =	vand.u32 $0x3F, v5;
	v59 =	vand.u32 $0x1FF80, v6  }
0xe: {  	v1 =	vsel vm1, $0xFFFFFFFF, v58;
	v5 =	vsel vm1, $0xFFFFFF80, v59  }
0xf: {  	v3 =	vor.u32 v4, v3;
	v60 =	vand.u32 $0xFFFFFC00, v5;
	v61 =	vand.u32 $0xFFFFFC00, v1  }
0x10: {  	v2 =	vor.u32 v2, v3;
	v63 =	vand.u32 $0x380, v5;
	v62 =	vadd.s32 v61, v60  }
0x11: {  	v1 =	vand.u32 $0x7F, v1;
	v3 =	vor.u32 v63, v62  }
0x12: {  	v1 =	vor.u32 v1, v3  }
0x13: {  	[tilespmem:s15], [sflag:$0x1] =	stream.indirect_vreg.gather [hbm4b:s3+s10], $0x1, v0, vm0, $0x4038;
	[tilespmem:$0x1000] =	vst v63  }
0x14: {  	(ifvalue) =	ssetifvalue $0x7FFFFFFF  }
0x15: {  	[tilespmem:s16], [sflag:$0x1] =	stream.indirect_vreg.gather [hbm4b:s3+s10], $0x1, v2, vm0, $0x4038;
	[tilespmem:$0x1000] =	vst v63  }
0x16: {  	s29 =	sadd.s32 $0x10, s16;
	(ifvalue) =	ssetifvalue $0x7FFFFFFF  }
0x17: {  	[tilespmem:s29], [sflag:$0x1] =	stream.indirect_vreg.gather [hbm4b:s3+s10], $0x1, v1, vm0, $0x4038;
	[tilespmem:$0x1000] =	vst v63  }
0x18: {  	_ =	swait.ge [sflag:s6], $0x400  }
0x19: {  	s30 =	sshrl.u32 s13, $0x3;
	[sflag:s6] =	ssyncset.done $0x0  }
0x1a: {  	s31 =	sand.u32 $0x7, s13;
	s15 =	sadd.s32 s5, s30;
	[sflag:s6] =	ssyncadd.s32 $0xFFFFFC00  }
0x1b: {  	[hbm4b:s15+s31] =	stream.linear.scatter [tilespmem:s14], [sflag:$0x3], $0x400, $0x38;
	[tilespmem:$0x1000] =	vst v63  }
.LBB2_5:
0x1c: {  	s15 =	sadd.s32 $0x8000, s11  }
0x1d: {  	p2 =	sgt.s32 s15, $0xFFFF  }
0x1e: {  	s15 =	smov.u32 @p2 s2;
	p2 =	sne.s32 s12, s9  }
.Ltmp1:
0x1f: {  	p1 =	slt.u32 s12, $0x2;
	(pc) =	sbr.rel @!p2 .LBB2_6-.Ltmp1, $4  }
0x20: {  	s14 =	simm.s32 @!p1 $0x3  }
0x21: {  	s16 =	sadd.s32 $0x1, s12;
	_ =	swait.ge @!p1 [sflag:s14], $0x400  }
0x22: {  	s13 =	smov.u32 s11;
	p0 =	por !p0, !p0;
	[sflag:s14] =	ssyncset.done @!p1 $0x0  }
0x23: {  	s12 =	smov.u32 s16;
	s11 =	smov.u32 s15;
	[sflag:s14] =	ssyncadd.s32 @!p1 $0xFFFFFC00  }
.LBB2_1:
0x24: {  	p1 =	sge.u32 s12, s8  }
0x25: {  	s14 =	sxor.u32 @!p1 $0xFFFFFFFF, s12  }
0x26: {  	s31 =	sadd.s32 $0xFFFFFFFF, s12;
	s15 =	sshrl.u32 @!p1 s11, $0x3;
	s14 =	sshll.u32 @!p1 s14, $0xA  }
0x27: {  	s16 =	sand.u32 @!p1 $0x7, s11;
	s15 =	sadd.s32 @!p1 s4, s15;
	s14 =	sand.u32 @!p1 $0x400, s14  }
0x28: {  	[tilespmem:s14], [sflag:$0x2] =	stream.linear.gather @!p1 [hbm4b:s15+s16], $0x400, $0x38;
	[tilespmem:$0x1000] =	vst v63  }
0x29: {  	p1 =	sge.u32 s31, s8  }
.Ltmp2:
0x2a: {  	_ = 	snop;
	(pc) =	sbr.rel @p1 .LBB2_5-.Ltmp2, $1  }
0x2b: {  	_ =	sdelay $0x3  }
0x2c: {  	s14 =	simm.s32 $0x1  }
0x2d: {  	_ =	swait.ge [sflag:s7], $0x400;
	s14 =	simm.s32 @!p0 $0x0  }
0x2e: {  	[sflag:s7] =	ssyncset.done $0x0;
	s14 =	sshll.u32 s14, $0xA  }
0x2f: {  	[sflag:s7] =	ssyncadd.s32 $0xFFFFFC00;
	(ifvalue) =	ssetifvalue $0x7FFFFFFF;
	v0 =	vld.msk [tilespmem:s14+$0x0 ss:$0x1], $0xffff;
	_ =	sdelay $0x4  }
0x30: {  	s15 =	sadd.s32 $0x10, s14;
	v2 =	vshrl.u32 v0, $0xA;
	v3 =	vshll.u32 v0, $0x7  }
0x31: {  	v1 =	vld.msk [tilespmem:s15+$0x0 ss:$0x1], $0xffff;
	vm1 =	veq.s32 v0, $0x80000000;
	v0 =	vand.u32 $0x3F, v2;
	v2 =	vand.u32 $0x1FF80, v3  }
0x32: {  	v0 =	vsel vm1, $0xFFFFFFFF, v0;
	v2 =	vsel vm1, $0xFFFFFF80, v2  }
0x33: {  	v3 =	vand.u32 $0xFFFFFC00, v2;
	v4 =	vand.u32 $0xFFFFFC00, v0  }
0x34: {  	v2 =	vand.u32 $0x380, v2;
	v3 =	vadd.s32 v4, v3  }
0x35: {  	v0 =	vand.u32 $0x7F, v0;
	v2 =	vor.u32 v2, v3  }
0x36: {  	v5 =	vshll.u32 v1, $0x7;
	v4 =	vshrl.u32 v1, $0xA;
	v0 =	vor.u32 v0, v2  }
0x37: {  	s16 =	sshll.u32 s12, $0xA;
	vm1 =	veq.s32 v1, $0x80000000;
	v1 =	vand.u32 $0x3F, v4;
	v4 =	vand.u32 $0x1FF80, v5  }
0x38: {  	s16 =	sand.u32 $0x400, s16;
	s18 =	sadd.s32 $0x10, s15;
	v3 =	vsel vm1, $0xFFFFFFFF, v1;
	v4 =	vsel vm1, $0xFFFFFF80, v4  }
0x39: {  	s17 =	simm.s32 $0x20;
	s15 =	sor.u32 $0x800, s14;
	s14 =	sor.u32 $0x800, s16;
	v1 =	vld.msk [tilespmem:s18+$0x0 ss:$0x1], $0xffff;
	v5 =	vand.u32 $0xFFFFFC00, v4;
	v6 =	vand.u32 $0xFFFFFC00, v3  }
0x3a: {  	s16 =	sadd.s32 $0x10, s15;
	s18 =	sadd.s32 $0x10, s18;
	(ifvalue) =	ssetifvalue $0x7FFFFFFF;
	v2 =	vand.u32 $0x7F, v3;
	v4 =	vand.u32 $0x380, v4;
	v3 =	vadd.s32 v6, v5  }
.LBB2_3:
0x3b: {  	[tilespmem:s15], [sflag:$0x1] =	stream.indirect_vreg.gather [hbm4b:s3+s10], $0x1, v0, vm0, $0x4038;
	[tilespmem:$0x1000] =	vst v63  }
0x3c: {  	s17 =	sadd.s32 $0x10, s17  }
0x3d: {  	v3 =	vor.u32 v4, v3;
	p1 =	slt.u32 s17, $0x3F0  }
.Ltmp3:
0x3e: {  	v4 =	vshrl.u32 v1, $0xA;
	v5 =	vshll.u32 v1, $0x7;
	s15 =	smov.u32 s16;
	v0 =	vor.u32 v2, v3;
	v2 =	vmovc v1;
	v1 =	vld.msk [tilespmem:s18+$0x0 ss:$0x1], $0xffff;
	(pc) =	sbr.rel @p1 .LBB2_3-.Ltmp3, $4  }
0x3f: {  	v3 =	vand.u32 $0x1FF80, v5;
	vm1 =	veq.s32 v2, $0x80000000;
	v2 =	vand.u32 $0x3F, v4  }
0x40: {  	v4 =	vsel vm1, $0xFFFFFFFF, v2;
	v5 =	vsel vm1, $0xFFFFFF80, v3  }
0x41: {  	v2 =	vand.u32 $0x7F, v4;
	v3 =	vand.u32 $0xFFFFFC00, v5;
	v4 =	vand.u32 $0xFFFFFC00, v4  }
0x42: {  	s16 =	sadd.s32 $0x10, s16;
	s18 =	sadd.s32 $0x10, s18;
	v3 =	vadd.s32 v4, v3;
	v4 =	vand.u32 $0x380, v5;
	(ifvalue) =	ssetifvalue $0x7FFFFFFF  }
.Ltmp4:
0x43: {  	_ = 	snop;
	(pc) =	sbr.rel .LBB2_4-.Ltmp4, $1  }
0x44: {  	_ =	sdelay $0x3  }
.LBB2_6:
0x45: {  	_ =	sfence.sel $0x180000  }
0x46: {  	s2 =	simm.s32 $0x2;
	[bflag:$0x0] =	sbarrier.arrive $0xFFFF  }
0x47: {  	s30 =	simm.s32 $0x3;
	[sflag:s2] =	ssyncpa.u1 $0x1  }
0x48: {  	s31 =	simm.s32 $0x1;
	[sflag:s30] =	ssyncpa.u1 $0x1  }
0x49: {  	[sflag:s31] =	ssyncpa.u1 $0x1  }
0x4a: {  	p0 =	sne.s32 s1, $0x0;
	_ =	strace $0x90000047  }
0x4b: {  	s0 =	sadd.s32 @!p0 $0x100000, s0;
	[bflag:$0x2] =	sbarrier.arrive $0xFFFF  }
0x4c: {  	[sflag:s0] =	ssyncadd.tile.s32 @!p0 $0x1;
	_ =	shalt  }
.Lfunc_end2:
_tile_overlayer_lowered:
.L_overlay_start_2:
0x4d: {  	(tag) =	ssettag $0x2  }
0x4e: {  	s0 =	rddreg [dreg:$0x0];
	s2 =	stileid.u32  }
0x4f: {  	s1 =	rddreg [dreg:$0x1];
	p0 =	sne.s32 s2, $0x0  }
0x50: {  	s3 =	rddreg [dreg:$0x2];
	[bflag:$0x3] =	sbarrier.arrive $0xFFFF;
	s2 =	simm.s32 @!p0 $0x1C01  }
0x51: {  	[timem:s3], [sflag:s2] =	dma.local @!p0 [hbm:s0], s1  }
0x52: {  	s0 =	simm.s32 @!p0 $0x1  }
0x53: {  	_ =	swait.ge @!p0 [sflag:s0], s1  }
0x54: {  	s1 =	ssub.s32 @!p0 $0x0, s1;
	[sflag:s0] =	ssyncset.done @!p0 $0x0  }
0x55: {  	[sflag:s0] =	ssyncadd.s32 @!p0 s1  }
0x56: {  	[bflag:$0x3] =	sbarrier.arrive $0xFFFF  }
0x57: {  	_ =	shalt  }

</sc_bundles>
